<compile_context>
chip_gen: v7x
topology: tpu7x:2x2x1
jax: 0.10.2.dev20260603
libtpu: 0.0.44.dev20260713+nightly
codegen_flags: <defaults>
</compile_context>

<pallas_src>
import functools

import jax
import jax.numpy as jnp
from jax import lax
from jax.experimental import pallas as pl
from jax.experimental.pallas import tpu as pltpu
from jax.experimental.pallas import tpu_sc as plsc

N = 10000
E = 320000
EMB = 128
NUM_LAYER = 5
NUM_ATOM_TYPE = 120
NUM_CHIRALITY = 3
NUM_BOND_TYPE = 7
NUM_BOND_DIR = 4

NC, NS = 2, 16
NW = NC * NS
CHUNK = 128
E_TOT = E + N
EPT = 10368
NCH = EPT // CHUNK
E_PAD = NW * EPT
ACC_ROWS = 10112
RPT = ACC_ROWS // NS
JUNK_BASE = 10008
N_JUNK = 104


@functools.lru_cache(maxsize=None)
def _sc_kernel():
    mesh = plsc.VectorSubcoreMesh(core_axis_name="c", subcore_axis_name="s",
                                  num_cores=NC, num_subcores=NS)

    @functools.partial(
        pl.kernel,
        out_type=jax.ShapeDtypeStruct((NC, ACC_ROWS, EMB), jnp.float32),
        mesh=mesh,
        scratch_types=[
            pltpu.VMEM_SHARED((ACC_ROWS, EMB), jnp.float32),
            pltpu.VMEM((CHUNK,), jnp.int32),
            pltpu.VMEM((CHUNK,), jnp.int32),
            pltpu.VMEM((NCH, CHUNK), jnp.int32),
            pltpu.VMEM((CHUNK, EMB), jnp.float32),
            pltpu.VMEM((CHUNK, EMB), jnp.float32),
        ],
    )
    def sc_gather_scatter(h, bc, srcs, rids, dsts, zeros, parts, acc, srcc,
                          ridc, dstv, buf, buf2):
        c = lax.axis_index("c")
        s = lax.axis_index("s")
        wid = s * NC + c
        pltpu.sync_copy(zeros.at[pl.ds(s * RPT, RPT)],
                        acc.at[pl.ds(s * RPT, RPT)])
        pltpu.sync_copy(dsts.at[wid], dstv)
        plsc.subcore_barrier()

        def chunk_body(j, _):
            pltpu.sync_copy(srcs.at[wid, pl.ds(j * CHUNK, CHUNK)], srcc)
            pltpu.sync_copy(rids.at[wid, pl.ds(j * CHUNK, CHUNK)], ridc)
            pltpu.sync_copy(h.at[srcc], buf)
            pltpu.sync_copy(bc.at[ridc], buf2)

            def add_row(r, _):
                for k in range(EMB // 16):
                    buf[r, pl.ds(k * 16, 16)] = (buf[r, pl.ds(k * 16, 16)]
                                                 + buf2[r, pl.ds(k * 16, 16)])
                return 0

            lax.fori_loop(0, CHUNK, add_row, 0)
            pltpu.sync_copy(buf, acc.at[dstv.at[j]], add=True)
            return 0

        lax.fori_loop(0, NCH, chunk_body, 0)
        plsc.subcore_barrier()
        pltpu.sync_copy(acc.at[pl.ds(s * RPT, RPT)],
                        parts.at[c, pl.ds(s * RPT, RPT)])

    return sc_gather_scatter


def _encode_body(x_ref, a1_ref, a2_ref, h_ref):
    x0 = jnp.clip(x_ref[:, 0:1], 0, NUM_ATOM_TYPE - 1)
    x1 = jnp.clip(x_ref[:, 1:2], 0, NUM_CHIRALITY - 1)
    i1 = lax.broadcasted_iota(jnp.int32, (N, NUM_ATOM_TYPE), 1)
    i2 = lax.broadcasted_iota(jnp.int32, (N, NUM_CHIRALITY), 1)
    oh1 = (i1 == x0).astype(jnp.float32)
    oh2 = (i2 == x1).astype(jnp.float32)
    h_ref[...] = (jnp.dot(oh1, a1_ref[...], preferred_element_type=jnp.float32,
                          precision=lax.Precision.HIGHEST)
                  + jnp.dot(oh2, a2_ref[...], preferred_element_type=jnp.float32,
                            precision=lax.Precision.HIGHEST))


_encode = pl.pallas_call(
    _encode_body,
    out_shape=jax.ShapeDtypeStruct((N, EMB), jnp.float32),
    compiler_params=pltpu.CompilerParams(vmem_limit_bytes=100 * 1024 * 1024),
)


def _mlp_body(parts_ref, w1_ref, b1_ref, w2_ref, out_ref):
    aggr = parts_ref[0, :N, :] + parts_ref[1, :N, :]
    z = jnp.maximum(
        jnp.dot(aggr, w1_ref[...], preferred_element_type=jnp.float32)
        + b1_ref[...], 0.0)
    out_ref[...] = jnp.dot(z, w2_ref[...], preferred_element_type=jnp.float32)


_mlp = pl.pallas_call(
    _mlp_body, out_shape=jax.ShapeDtypeStruct((N, EMB), jnp.float32))


def _norm_body(h_ref, m_ref, v_ref, g_ref, be_ref, out_ref, *, last):
    hh = ((h_ref[...] - m_ref[...]) / jnp.sqrt(v_ref[...] + 1e-5)
          * g_ref[...] + be_ref[...])
    if not last:
        hh = jnp.maximum(hh, 0.0)
    out_ref[...] = hh


_norm = [
    pl.pallas_call(
        functools.partial(_norm_body, last=(l == NUM_LAYER - 1)),
        out_shape=jax.ShapeDtypeStruct((N, EMB), jnp.float32),
    )
    for l in range(NUM_LAYER)
]


def kernel(x, edge_index, edge_attr, atom1, atom2, bond1, bond2, W1, b1, W2,
           b2, gamma, beta):
    i32 = jnp.int32
    src = edge_index[0].astype(i32)
    dst = edge_index[1].astype(i32)
    ea = edge_attr.astype(i32)
    loop = jnp.arange(N, dtype=i32)
    src_f = jnp.concatenate([src, loop])
    dst_f = jnp.concatenate([dst, loop])
    rid_f = jnp.concatenate([ea[:, 0] * 4 + ea[:, 1],
                             jnp.full((N,), 27, i32)])
    order = jnp.argsort(dst_f, stable=True)
    ss = src_f[order]
    ds = dst_f[order]
    rs = rid_f[order]
    pad = E_PAD - E_TOT
    ss = jnp.concatenate([ss, (jnp.arange(pad, dtype=i32) * 97) % N])
    rs = jnp.concatenate([rs, jnp.full((pad,), 27, i32)])
    ds = jnp.concatenate([ds, JUNK_BASE + (jnp.arange(pad, dtype=i32) % N_JUNK)])
    srcs = ss.reshape(NW, EPT)
    rids = rs.reshape(NW, EPT)
    dsts = ds.reshape(NW, NCH, CHUNK)

    t0 = jnp.minimum(jnp.arange(32) // 4, NUM_BOND_TYPE - 1)
    t1 = jnp.arange(32) % 4
    bc_all = bond1[:, t0, :] + bond2[:, t1, :]

    zeros_h = jnp.zeros((ACC_ROWS, EMB), jnp.float32)

    sc_gather_scatter = _sc_kernel()
    h = _encode(x.astype(i32), atom1, atom2)
    for l in range(NUM_LAYER):
        parts = sc_gather_scatter(h, bc_all[l], srcs, rids, dsts, zeros_h)
        hh = _mlp(parts, W1[l], b1[l], W2[l]) + b2[l]
        mean = jnp.mean(hh, axis=0)
        var = jnp.var(hh, axis=0)
        h = _norm[l](hh, mean.reshape(1, EMB), var.reshape(1, EMB),
                     gamma[l].reshape(1, EMB), beta[l].reshape(1, EMB))
    return h

# --- scband reference (transcript-rebuilt; emitter-appended) ---
"""Pipeline reference for scband-gnn-46059229282625 (READ-ONLY COPY).

The authoritative reference and input builder live on the scoring server;
editing this copy changes nothing except your own understanding.
"""

import jax, jax.numpy as jnp
import numpy as np

N_NODES = 10000
N_EDGES = 320000
EMB = 128
NUM_LAYER = 5
NUM_ATOM_TYPE = 120
NUM_CHIRALITY = 3
NUM_BOND_TYPE = 7  # self-loop bond type index is 6
NUM_BOND_DIR = 4   # self-loop bond direction index is 3


def setup_inputs(seed: int = 0) -> dict:
    key = jax.random.key(seed)
    ks = [jax.random.fold_in(key, i) for i in range(16)]
    x = jax.random.randint(ks[0], (N_NODES, 2), 0, 3, dtype=jnp.int64) if jax.config.jax_enable_x64 else jax.random.randint(ks[0], (N_NODES, 2), 0, 3, dtype=jnp.int32)
    edge_index = jax.random.randint(ks[1], (2, N_EDGES), 0, N_NODES, dtype=jnp.int32)
    edge_attr = jax.random.randint(ks[2], (N_EDGES, 2), 0, 3, dtype=jnp.int32)
    s = 0.05
    atom1 = jax.random.normal(ks[3], (NUM_ATOM_TYPE, EMB), dtype=jnp.float32) * s
    atom2 = jax.random.normal(ks[4], (NUM_CHIRALITY, EMB), dtype=jnp.float32) * s
    bond1 = jax.random.normal(ks[5], (NUM_LAYER, NUM_BOND_TYPE, EMB), dtype=jnp.float32) * s
    bond2 = jax.random.normal(ks[6], (NUM_LAYER, NUM_BOND_DIR, EMB), dtype=jnp.float32) * s
    W1 = jax.random.normal(ks[7], (NUM_LAYER, EMB, 2 * EMB), dtype=jnp.float32) * s
    b1 = jnp.zeros((NUM_LAYER, 2 * EMB), dtype=jnp.float32)
    W2 = jax.random.normal(ks[8], (NUM_LAYER, 2 * EMB, EMB), dtype=jnp.float32) * s
    b2 = jnp.zeros((NUM_LAYER, EMB), dtype=jnp.float32)
    gamma = jnp.ones((NUM_LAYER, EMB), dtype=jnp.float32)
    beta = jnp.zeros((NUM_LAYER, EMB), dtype=jnp.float32)
    return {"x": x, "edge_index": edge_index, "edge_attr": edge_attr,
            "atom1": atom1, "atom2": atom2, "bond1": bond1, "bond2": bond2,
            "W1": W1, "b1": b1, "W2": W2, "b2": b2, "gamma": gamma, "beta": beta}


def reference(x, edge_index, edge_attr, atom1, atom2, bond1, bond2, W1, b1, W2, b2, gamma, beta):
    N = x.shape[0]
    L = W1.shape[0]
    # AtomEncoder: sum of two embedding lookups
    h = atom1[x[:, 0]] + atom2[x[:, 1]]
    # add self loops (same augmented graph reused every layer)
    loop = jnp.arange(N, dtype=edge_index.dtype)
    src = jnp.concatenate([edge_index[0], loop])
    dst = jnp.concatenate([edge_index[1], loop])
    self_loop_attr = jnp.tile(jnp.array([[6, 3]], dtype=edge_attr.dtype), (N, 1))
    ea = jnp.concatenate([edge_attr, self_loop_attr], axis=0)
    for l in range(L):
        # BondEncoder: sum of embeddings over the two bond feature columns
        ee = bond1[l][ea[:, 0]] + bond2[l][ea[:, 1]]
        # GINConv message + add aggregation: sum_{j->i} (h_j + e_ji)
        msg = h[src] + ee
        aggr = jax.ops.segment_sum(msg, dst, num_segments=N)
        # GIN update MLP: Linear(emb,2emb) -> ReLU -> Linear(2emb,emb)
        hh = jnp.maximum(aggr @ W1[l] + b1[l], 0.0) @ W2[l] + b2[l]
        # BatchNorm1d (training mode: batch statistics)
        mean = jnp.mean(hh, axis=0)
        var = jnp.var(hh, axis=0)
        hh = (hh - mean) / jnp.sqrt(var + 1e-5) * gamma[l] + beta[l]
        # drop_ratio = 0 -> dropout is identity; ReLU except last layer
        if l != L - 1:
            hh = jnp.maximum(hh, 0.0)
        h = hh
    # JK = 'last'
    return h

if __name__ == "__main__":
    import jax
    _d = setup_inputs()
    print(jax.jit(kernel)(*tuple(_d.values())))

</pallas_src>

<mosaic_0001>
#map = affine_map<(d0, d1) -> (0, 0)>
#map1 = affine_map<(d0, d1) -> (0, 0, 0)>
module attributes {stable_mosaic.version = 14 : i64} {
  func.func @sc_gather_scatter(%arg0: i32, %arg1: i32, %arg2: memref<10000x128xf32, #tpu.memory_space<hbm>>, %arg3: memref<32x128xf32, #tpu.memory_space<hbm>>, %arg4: memref<32x10368xi32, #tpu.memory_space<hbm>>, %arg5: memref<32x10368xi32, #tpu.memory_space<hbm>>, %arg6: memref<32x81x128xi32, #tpu.memory_space<hbm>>, %arg7: memref<10112x128xf32, #tpu.memory_space<hbm>>, %arg8: memref<2x10112x128xf32, #tpu.memory_space<hbm>>, %arg9: memref<10112x128xf32, #tpu.memory_space<vmem_shared>>, %arg10: memref<128xi32, #tpu.memory_space<vmem>>, %arg11: memref<128xi32, #tpu.memory_space<vmem>>, %arg12: memref<81x128xi32, #tpu.memory_space<vmem>>, %arg13: memref<128x128xf32, #tpu.memory_space<vmem>>, %arg14: memref<128x128xf32, #tpu.memory_space<vmem>>) attributes {dimension_semantics = [#tpu.dimension_semantics<core_parallel>, #tpu.dimension_semantics<subcore_parallel>], iteration_bounds = array<i64: 2, 16>, scalar_prefetch = 0 : i64, scratch_operands = 6 : i64, tpu.core_type = #tpu.core_type<sc_vector_subcore>, window_params = [{transform_indices = #map}, {transform_indices = #map}, {transform_indices = #map}, {transform_indices = #map}, {transform_indices = #map1}, {transform_indices = #map}, {transform_indices = #map1}]} {
    %mul3A = arith.constant 2 : i32
    %mul3A_0 = arith.muli %arg1, %mul3A : i32
    %add3A = arith.addi %mul3A_0, %arg0 : i32
    %mul3A_1 = arith.constant 632 : i32
    %mul3A_2 = arith.muli %arg1, %mul3A_1 : i32
    %mul3A_3 = arith.constant 632 : i32
    %mul3A_4 = arith.muli %arg1, %mul3A_3 : i32
    "tpu.region"() ({
      %run_scoped3A = tpu.sem_alloc : memref<!tpu.dma_semaphore, #tpu.memory_space<semaphore_mem>>
      %dma_start3A = arith.constant 0 : i32
      %dma_start3A_16 = tpu.memref_slice %arg9[%mul3A_4, %dma_start3A] : memref<10112x128xf32, #tpu.memory_space<vmem_shared>> -> memref<632x128xf32, #tpu.memory_space<vmem_shared>>
      %dma_start3A_17 = arith.constant 0 : i32
      %dma_start3A_18 = tpu.memref_slice %arg7[%mul3A_2, %dma_start3A_17] : memref<10112x128xf32, #tpu.memory_space<hbm>> -> memref<632x128xf32, #tpu.memory_space<hbm>>
      tpu.enqueue_dma source(%dma_start3A_18 : memref<632x128xf32, #tpu.memory_space<hbm>>) target(%dma_start3A_16 : memref<632x128xf32, #tpu.memory_space<vmem_shared>>) target_semaphore(%run_scoped3A : memref<!tpu.dma_semaphore, #tpu.memory_space<semaphore_mem>>)
      %dma_wait3A = arith.constant 0 : i32
      %dma_wait3A_19 = tpu.memref_slice %arg9[%mul3A_4, %dma_wait3A] : memref<10112x128xf32, #tpu.memory_space<vmem_shared>> -> memref<632x128xf32, #tpu.memory_space<vmem_shared>>
      %dma_wait3A_20 = arith.constant 0 : i32
      %dma_wait3A_21 = tpu.memref_slice %arg7[%mul3A_2, %dma_wait3A_20] : memref<10112x128xf32, #tpu.memory_space<hbm>> -> memref<632x128xf32, #tpu.memory_space<hbm>>
      tpu.wait_dma2 semaphore(%run_scoped3A : memref<!tpu.dma_semaphore, #tpu.memory_space<semaphore_mem>>) src(%dma_wait3A_21 : memref<632x128xf32, #tpu.memory_space<hbm>>) dst(%dma_wait3A_19 : memref<632x128xf32, #tpu.memory_space<vmem_shared>>)
      tpu.yield
    }) : () -> ()
    "tpu.region"() ({
      %run_scoped3A = tpu.sem_alloc : memref<!tpu.dma_semaphore, #tpu.memory_space<semaphore_mem>>
      %dma_start3A = arith.constant 0 : i32
      %dma_start3A_16 = arith.constant 0 : i32
      %dma_start3A_17 = tpu.memref_slice %arg6[%add3A, %dma_start3A, %dma_start3A_16] : memref<32x81x128xi32, #tpu.memory_space<hbm>> -> memref<1x81x128xi32, #tpu.memory_space<hbm>>
      %dma_start3A_18 = tpu.memref_squeeze %dma_start3A_17 : memref<1x81x128xi32, #tpu.memory_space<hbm>> -> memref<81x128xi32, #tpu.memory_space<hbm>>
      %dma_start3A_19 = arith.constant 0 : i32
      %dma_start3A_20 = arith.constant 0 : i32
      %dma_start3A_21 = tpu.memref_slice %arg6[%add3A, %dma_start3A_19, %dma_start3A_20] : memref<32x81x128xi32, #tpu.memory_space<hbm>> -> memref<1x81x128xi32, #tpu.memory_space<hbm>>
      %dma_start3A_22 = tpu.memref_squeeze %dma_start3A_21 : memref<1x81x128xi32, #tpu.memory_space<hbm>> -> memref<81x128xi32, #tpu.memory_space<hbm>>
      tpu.enqueue_dma source(%dma_start3A_22 : memref<81x128xi32, #tpu.memory_space<hbm>>) target(%arg12 : memref<81x128xi32, #tpu.memory_space<vmem>>) target_semaphore(%run_scoped3A : memref<!tpu.dma_semaphore, #tpu.memory_space<semaphore_mem>>)
      %dma_wait3A = arith.constant 0 : i32
      %dma_wait3A_23 = arith.constant 0 : i32
      %dma_wait3A_24 = tpu.memref_slice %arg6[%add3A, %dma_wait3A, %dma_wait3A_23] : memref<32x81x128xi32, #tpu.memory_space<hbm>> -> memref<1x81x128xi32, #tpu.memory_space<hbm>>
      %dma_wait3A_25 = tpu.memref_squeeze %dma_wait3A_24 : memref<1x81x128xi32, #tpu.memory_space<hbm>> -> memref<81x128xi32, #tpu.memory_space<hbm>>
      %dma_wait3A_26 = arith.constant 0 : i32
      %dma_wait3A_27 = arith.constant 0 : i32
      %dma_wait3A_28 = tpu.memref_slice %arg6[%add3A, %dma_wait3A_26, %dma_wait3A_27] : memref<32x81x128xi32, #tpu.memory_space<hbm>> -> memref<1x81x128xi32, #tpu.memory_space<hbm>>
      %dma_wait3A_29 = tpu.memref_squeeze %dma_wait3A_28 : memref<1x81x128xi32, #tpu.memory_space<hbm>> -> memref<81x128xi32, #tpu.memory_space<hbm>>
      tpu.wait_dma2 semaphore(%run_scoped3A : memref<!tpu.dma_semaphore, #tpu.memory_space<semaphore_mem>>) src(%dma_wait3A_29 : memref<81x128xi32, #tpu.memory_space<hbm>>) dst(%arg12 : memref<81x128xi32, #tpu.memory_space<vmem>>)
      tpu.yield
    }) : () -> ()
    %barrier3A = arith.constant 0 : index
    tpu.barrier barrier_id(%barrier3A)
    %scan3A = arith.constant 0 : i32
    %scan3A_5 = arith.constant 0 : i32
    %scan3A_6 = arith.constant 81 : i32
    %scan3A_7 = arith.addi %scan3A_5, %scan3A_6 : i32
    %scan3A_8 = arith.constant 1 : i32
    %scan3A_9 = scf.for %scan3A_16 = %scan3A_5 to %scan3A_7 step %scan3A_8 iter_args(%scan3A_17 = %scan3A) -> (i32)  : i32 {
      %mul3A_18 = arith.constant 128 : i32
      %mul3A_19 = arith.muli %scan3A_16, %mul3A_18 : i32
      "tpu.region"() ({
        %run_scoped3A = tpu.sem_alloc : memref<!tpu.dma_semaphore, #tpu.memory_space<semaphore_mem>>
        %dma_start3A = tpu.memref_slice %arg4[%add3A, %mul3A_19] : memref<32x10368xi32, #tpu.memory_space<hbm>> -> memref<1x128xi32, #tpu.memory_space<hbm>>
        %dma_start3A_30 = tpu.memref_squeeze %dma_start3A : memref<1x128xi32, #tpu.memory_space<hbm>> -> memref<128xi32, #tpu.memory_space<hbm>>
        %dma_start3A_31 = tpu.memref_slice %arg4[%add3A, %mul3A_19] : memref<32x10368xi32, #tpu.memory_space<hbm>> -> memref<1x128xi32, #tpu.memory_space<hbm>>
        %dma_start3A_32 = tpu.memref_squeeze %dma_start3A_31 : memref<1x128xi32, #tpu.memory_space<hbm>> -> memref<128xi32, #tpu.memory_space<hbm>>
        tpu.enqueue_dma source(%dma_start3A_32 : memref<128xi32, #tpu.memory_space<hbm>>) target(%arg10 : memref<128xi32, #tpu.memory_space<vmem>>) target_semaphore(%run_scoped3A : memref<!tpu.dma_semaphore, #tpu.memory_space<semaphore_mem>>)
        %dma_wait3A = tpu.memref_slice %arg4[%add3A, %mul3A_19] : memref<32x10368xi32, #tpu.memory_space<hbm>> -> memref<1x128xi32, #tpu.memory_space<hbm>>
        %dma_wait3A_33 = tpu.memref_squeeze %dma_wait3A : memref<1x128xi32, #tpu.memory_space<hbm>> -> memref<128xi32, #tpu.memory_space<hbm>>
        %dma_wait3A_34 = tpu.memref_slice %arg4[%add3A, %mul3A_19] : memref<32x10368xi32, #tpu.memory_space<hbm>> -> memref<1x128xi32, #tpu.memory_space<hbm>>
        %dma_wait3A_35 = tpu.memref_squeeze %dma_wait3A_34 : memref<1x128xi32, #tpu.memory_space<hbm>> -> memref<128xi32, #tpu.memory_space<hbm>>
        tpu.wait_dma2 semaphore(%run_scoped3A : memref<!tpu.dma_semaphore, #tpu.memory_space<semaphore_mem>>) src(%dma_wait3A_35 : memref<128xi32, #tpu.memory_space<hbm>>) dst(%arg10 : memref<128xi32, #tpu.memory_space<vmem>>)
        tpu.yield
      }) : () -> ()
      %mul3A_20 = arith.constant 128 : i32
      %mul3A_21 = arith.muli %scan3A_16, %mul3A_20 : i32
      "tpu.region"() ({
        %run_scoped3A = tpu.sem_alloc : memref<!tpu.dma_semaphore, #tpu.memory_space<semaphore_mem>>
        %dma_start3A = tpu.memref_slice %arg5[%add3A, %mul3A_21] : memref<32x10368xi32, #tpu.memory_space<hbm>> -> memref<1x128xi32, #tpu.memory_space<hbm>>
        %dma_start3A_30 = tpu.memref_squeeze %dma_start3A : memref<1x128xi32, #tpu.memory_space<hbm>> -> memref<128xi32, #tpu.memory_space<hbm>>
        %dma_start3A_31 = tpu.memref_slice %arg5[%add3A, %mul3A_21] : memref<32x10368xi32, #tpu.memory_space<hbm>> -> memref<1x128xi32, #tpu.memory_space<hbm>>
        %dma_start3A_32 = tpu.memref_squeeze %dma_start3A_31 : memref<1x128xi32, #tpu.memory_space<hbm>> -> memref<128xi32, #tpu.memory_space<hbm>>
        tpu.enqueue_dma source(%dma_start3A_32 : memref<128xi32, #tpu.memory_space<hbm>>) target(%arg11 : memref<128xi32, #tpu.memory_space<vmem>>) target_semaphore(%run_scoped3A : memref<!tpu.dma_semaphore, #tpu.memory_space<semaphore_mem>>)
        %dma_wait3A = tpu.memref_slice %arg5[%add3A, %mul3A_21] : memref<32x10368xi32, #tpu.memory_space<hbm>> -> memref<1x128xi32, #tpu.memory_space<hbm>>
        %dma_wait3A_33 = tpu.memref_squeeze %dma_wait3A : memref<1x128xi32, #tpu.memory_space<hbm>> -> memref<128xi32, #tpu.memory_space<hbm>>
        %dma_wait3A_34 = tpu.memref_slice %arg5[%add3A, %mul3A_21] : memref<32x10368xi32, #tpu.memory_space<hbm>> -> memref<1x128xi32, #tpu.memory_space<hbm>>
        %dma_wait3A_35 = tpu.memref_squeeze %dma_wait3A_34 : memref<1x128xi32, #tpu.memory_space<hbm>> -> memref<128xi32, #tpu.memory_space<hbm>>
        tpu.wait_dma2 semaphore(%run_scoped3A : memref<!tpu.dma_semaphore, #tpu.memory_space<semaphore_mem>>) src(%dma_wait3A_35 : memref<128xi32, #tpu.memory_space<hbm>>) dst(%arg11 : memref<128xi32, #tpu.memory_space<vmem>>)
        tpu.yield
      }) : () -> ()
      "tpu.region"() ({
        %run_scoped3A = tpu.sem_alloc : memref<!tpu.dma_semaphore, #tpu.memory_space<semaphore_mem>>
        %dma_start3A = arith.constant 0 : i32
        %dma_start3A_30 = arith.constant 0 : i32
        %dma_start3A_31 = tpu.memref_slice %arg2[%dma_start3A, %dma_start3A_30] : memref<10000x128xf32, #tpu.memory_space<hbm>> -> memref<10000x128xf32, #tpu.memory_space<hbm>>
        tpu.enqueue_indirect_dma source(%dma_start3A_31 : memref<10000x128xf32, #tpu.memory_space<hbm>>) target(%arg13 : memref<128x128xf32, #tpu.memory_space<vmem>>) offsets(%arg10 : memref<128xi32, #tpu.memory_space<vmem>>) semaphore(%run_scoped3A : memref<!tpu.dma_semaphore, #tpu.memory_space<semaphore_mem>>)
        %dma_wait3A = arith.constant 0 : i32
        %dma_wait3A_32 = arith.constant 0 : i32
        %dma_wait3A_33 = tpu.memref_slice %arg2[%dma_wait3A, %dma_wait3A_32] : memref<10000x128xf32, #tpu.memory_space<hbm>> -> memref<10000x128xf32, #tpu.memory_space<hbm>>
        tpu.wait_indirect_dma semaphore(%run_scoped3A : memref<!tpu.dma_semaphore, #tpu.memory_space<semaphore_mem>>) src(%dma_wait3A_33 : memref<10000x128xf32, #tpu.memory_space<hbm>>) dst(%arg13 : memref<128x128xf32, #tpu.memory_space<vmem>>)
        tpu.yield
      }) : () -> ()
      "tpu.region"() ({
        %run_scoped3A = tpu.sem_alloc : memref<!tpu.dma_semaphore, #tpu.memory_space<semaphore_mem>>
        %dma_start3A = arith.constant 0 : i32
        %dma_start3A_30 = arith.constant 0 : i32
        %dma_start3A_31 = tpu.memref_slice %arg3[%dma_start3A, %dma_start3A_30] : memref<32x128xf32, #tpu.memory_space<hbm>> -> memref<32x128xf32, #tpu.memory_space<hbm>>
        tpu.enqueue_indirect_dma source(%dma_start3A_31 : memref<32x128xf32, #tpu.memory_space<hbm>>) target(%arg14 : memref<128x128xf32, #tpu.memory_space<vmem>>) offsets(%arg11 : memref<128xi32, #tpu.memory_space<vmem>>) semaphore(%run_scoped3A : memref<!tpu.dma_semaphore, #tpu.memory_space<semaphore_mem>>)
        %dma_wait3A = arith.constant 0 : i32
        %dma_wait3A_32 = arith.constant 0 : i32
        %dma_wait3A_33 = tpu.memref_slice %arg3[%dma_wait3A, %dma_wait3A_32] : memref<32x128xf32, #tpu.memory_space<hbm>> -> memref<32x128xf32, #tpu.memory_space<hbm>>
        tpu.wait_indirect_dma semaphore(%run_scoped3A : memref<!tpu.dma_semaphore, #tpu.memory_space<semaphore_mem>>) src(%dma_wait3A_33 : memref<32x128xf32, #tpu.memory_space<hbm>>) dst(%arg14 : memref<128x128xf32, #tpu.memory_space<vmem>>)
        tpu.yield
      }) : () -> ()
      %scan3A_22 = arith.constant 0 : i32
      %scan3A_23 = arith.constant 0 : i32
      %scan3A_24 = arith.constant 128 : i32
      %scan3A_25 = arith.addi %scan3A_23, %scan3A_24 : i32
      %scan3A_26 = arith.constant 1 : i32
      %scan3A_27 = scf.for %scan3A_30 = %scan3A_23 to %scan3A_25 step %scan3A_26 iter_args(%scan3A_31 = %scan3A_22) -> (i32)  : i32 {
        %get3A = arith.index_cast %scan3A_30 : i32 to index
        %get3A_32 = arith.constant 0 : index
        %get3A_33 = tpu.vector_load %arg13[%get3A, %get3A_32] {strides = array<i32>} : memref<128x128xf32, #tpu.memory_space<vmem>>, vector<1x16xf32>,
        %get3A_34 = vector.shape_cast %get3A_33 : vector<1x16xf32> to vector<16xf32>
        %get3A_35 = arith.index_cast %scan3A_30 : i32 to index
        %get3A_36 = arith.constant 0 : index
        %get3A_37 = tpu.vector_load %arg14[%get3A_35, %get3A_36] {strides = array<i32>} : memref<128x128xf32, #tpu.memory_space<vmem>>, vector<1x16xf32>,
        %get3A_38 = vector.shape_cast %get3A_37 : vector<1x16xf32> to vector<16xf32>
        %add3A_39 = arith.addf %get3A_34, %get3A_38 : vector<16xf32>
        %swap3A = arith.index_cast %scan3A_30 : i32 to index
        %swap3A_40 = arith.constant 0 : index
        %swap3A_41 = tpu.vector_load %arg13[%swap3A, %swap3A_40] {strides = array<i32>} : memref<128x128xf32, #tpu.memory_space<vmem>>, vector<1x16xf32>,
        %swap3A_42 = vector.shape_cast %swap3A_41 : vector<1x16xf32> to vector<16xf32>
        %swap3A_43 = vector.shape_cast %add3A_39 : vector<16xf32> to vector<1x16xf32>
        tpu.vector_store %arg13[%swap3A, %swap3A_40], %swap3A_43 {strides = array<i32>} : memref<128x128xf32, #tpu.memory_space<vmem>>, vector<1x16xf32>,
        %get3A_44 = arith.index_cast %scan3A_30 : i32 to index
        %get3A_45 = arith.constant 16 : index
        %get3A_46 = tpu.vector_load %arg13[%get3A_44, %get3A_45] {strides = array<i32>} : memref<128x128xf32, #tpu.memory_space<vmem>>, vector<1x16xf32>,
        %get3A_47 = vector.shape_cast %get3A_46 : vector<1x16xf32> to vector<16xf32>
        %get3A_48 = arith.index_cast %scan3A_30 : i32 to index
        %get3A_49 = arith.constant 16 : index
        %get3A_50 = tpu.vector_load %arg14[%get3A_48, %get3A_49] {strides = array<i32>} : memref<128x128xf32, #tpu.memory_space<vmem>>, vector<1x16xf32>,
        %get3A_51 = vector.shape_cast %get3A_50 : vector<1x16xf32> to vector<16xf32>
        %add3A_52 = arith.addf %get3A_47, %get3A_51 : vector<16xf32>
        %swap3A_53 = arith.index_cast %scan3A_30 : i32 to index
        %swap3A_54 = arith.constant 16 : index
        %swap3A_55 = tpu.vector_load %arg13[%swap3A_53, %swap3A_54] {strides = array<i32>} : memref<128x128xf32, #tpu.memory_space<vmem>>, vector<1x16xf32>,
        %swap3A_56 = vector.shape_cast %swap3A_55 : vector<1x16xf32> to vector<16xf32>
        %swap3A_57 = vector.shape_cast %add3A_52 : vector<16xf32> to vector<1x16xf32>
        tpu.vector_store %arg13[%swap3A_53, %swap3A_54], %swap3A_57 {strides = array<i32>} : memref<128x128xf32, #tpu.memory_space<vmem>>, vector<1x16xf32>,
        %get3A_58 = arith.index_cast %scan3A_30 : i32 to index
        %get3A_59 = arith.constant 32 : index
        %get3A_60 = tpu.vector_load %arg13[%get3A_58, %get3A_59] {strides = array<i32>} : memref<128x128xf32, #tpu.memory_space<vmem>>, vector<1x16xf32>,
        %get3A_61 = vector.shape_cast %get3A_60 : vector<1x16xf32> to vector<16xf32>
        %get3A_62 = arith.index_cast %scan3A_30 : i32 to index
        %get3A_63 = arith.constant 32 : index
        %get3A_64 = tpu.vector_load %arg14[%get3A_62, %get3A_63] {strides = array<i32>} : memref<128x128xf32, #tpu.memory_space<vmem>>, vector<1x16xf32>,
        %get3A_65 = vector.shape_cast %get3A_64 : vector<1x16xf32> to vector<16xf32>
        %add3A_66 = arith.addf %get3A_61, %get3A_65 : vector<16xf32>
        %swap3A_67 = arith.index_cast %scan3A_30 : i32 to index
        %swap3A_68 = arith.constant 32 : index
        %swap3A_69 = tpu.vector_load %arg13[%swap3A_67, %swap3A_68] {strides = array<i32>} : memref<128x128xf32, #tpu.memory_space<vmem>>, vector<1x16xf32>,
        %swap3A_70 = vector.shape_cast %swap3A_69 : vector<1x16xf32> to vector<16xf32>
        %swap3A_71 = vector.shape_cast %add3A_66 : vector<16xf32> to vector<1x16xf32>
        tpu.vector_store %arg13[%swap3A_67, %swap3A_68], %swap3A_71 {strides = array<i32>} : memref<128x128xf32, #tpu.memory_space<vmem>>, vector<1x16xf32>,
        %get3A_72 = arith.index_cast %scan3A_30 : i32 to index
        %get3A_73 = arith.constant 48 : index
        %get3A_74 = tpu.vector_load %arg13[%get3A_72, %get3A_73] {strides = array<i32>} : memref<128x128xf32, #tpu.memory_space<vmem>>, vector<1x16xf32>,
        %get3A_75 = vector.shape_cast %get3A_74 : vector<1x16xf32> to vector<16xf32>
        %get3A_76 = arith.index_cast %scan3A_30 : i32 to index
        %get3A_77 = arith.constant 48 : index
        %get3A_78 = tpu.vector_load %arg14[%get3A_76, %get3A_77] {strides = array<i32>} : memref<128x128xf32, #tpu.memory_space<vmem>>, vector<1x16xf32>,
        %get3A_79 = vector.shape_cast %get3A_78 : vector<1x16xf32> to vector<16xf32>
        %add3A_80 = arith.addf %get3A_75, %get3A_79 : vector<16xf32>
        %swap3A_81 = arith.index_cast %scan3A_30 : i32 to index
        %swap3A_82 = arith.constant 48 : index
        %swap3A_83 = tpu.vector_load %arg13[%swap3A_81, %swap3A_82] {strides = array<i32>} : memref<128x128xf32, #tpu.memory_space<vmem>>, vector<1x16xf32>,
        %swap3A_84 = vector.shape_cast %swap3A_83 : vector<1x16xf32> to vector<16xf32>
        %swap3A_85 = vector.shape_cast %add3A_80 : vector<16xf32> to vector<1x16xf32>
        tpu.vector_store %arg13[%swap3A_81, %swap3A_82], %swap3A_85 {strides = array<i32>} : memref<128x128xf32, #tpu.memory_space<vmem>>, vector<1x16xf32>,
        %get3A_86 = arith.index_cast %scan3A_30 : i32 to index
        %get3A_87 = arith.constant 64 : index
        %get3A_88 = tpu.vector_load %arg13[%get3A_86, %get3A_87] {strides = array<i32>} : memref<128x128xf32, #tpu.memory_space<vmem>>, vector<1x16xf32>,
        %get3A_89 = vector.shape_cast %get3A_88 : vector<1x16xf32> to vector<16xf32>
        %get3A_90 = arith.index_cast %scan3A_30 : i32 to index
        %get3A_91 = arith.constant 64 : index
        %get3A_92 = tpu.vector_load %arg14[%get3A_90, %get3A_91] {strides = array<i32>} : memref<128x128xf32, #tpu.memory_space<vmem>>, vector<1x16xf32>,
        %get3A_93 = vector.shape_cast %get3A_92 : vector<1x16xf32> to vector<16xf32>
        %add3A_94 = arith.addf %get3A_89, %get3A_93 : vector<16xf32>
        %swap3A_95 = arith.index_cast %scan3A_30 : i32 to index
        %swap3A_96 = arith.constant 64 : index
        %swap3A_97 = tpu.vector_load %arg13[%swap3A_95, %swap3A_96] {strides = array<i32>} : memref<128x128xf32, #tpu.memory_space<vmem>>, vector<1x16xf32>,
        %swap3A_98 = vector.shape_cast %swap3A_97 : vector<1x16xf32> to vector<16xf32>
        %swap3A_99 = vector.shape_cast %add3A_94 : vector<16xf32> to vector<1x16xf32>
        tpu.vector_store %arg13[%swap3A_95, %swap3A_96], %swap3A_99 {strides = array<i32>} : memref<128x128xf32, #tpu.memory_space<vmem>>, vector<1x16xf32>,
        %get3A_100 = arith.index_cast %scan3A_30 : i32 to index
        %get3A_101 = arith.constant 80 : index
        %get3A_102 = tpu.vector_load %arg13[%get3A_100, %get3A_101] {strides = array<i32>} : memref<128x128xf32, #tpu.memory_space<vmem>>, vector<1x16xf32>,
        %get3A_103 = vector.shape_cast %get3A_102 : vector<1x16xf32> to vector<16xf32>
        %get3A_104 = arith.index_cast %scan3A_30 : i32 to index
        %get3A_105 = arith.constant 80 : index
        %get3A_106 = tpu.vector_load %arg14[%get3A_104, %get3A_105] {strides = array<i32>} : memref<128x128xf32, #tpu.memory_space<vmem>>, vector<1x16xf32>,
        %get3A_107 = vector.shape_cast %get3A_106 : vector<1x16xf32> to vector<16xf32>
        %add3A_108 = arith.addf %get3A_103, %get3A_107 : vector<16xf32>
        %swap3A_109 = arith.index_cast %scan3A_30 : i32 to index
        %swap3A_110 = arith.constant 80 : index
        %swap3A_111 = tpu.vector_load %arg13[%swap3A_109, %swap3A_110] {strides = array<i32>} : memref<128x128xf32, #tpu.memory_space<vmem>>, vector<1x16xf32>,
        %swap3A_112 = vector.shape_cast %swap3A_111 : vector<1x16xf32> to vector<16xf32>
        %swap3A_113 = vector.shape_cast %add3A_108 : vector<16xf32> to vector<1x16xf32>
        tpu.vector_store %arg13[%swap3A_109, %swap3A_110], %swap3A_113 {strides = array<i32>} : memref<128x128xf32, #tpu.memory_space<vmem>>, vector<1x16xf32>,
        %get3A_114 = arith.index_cast %scan3A_30 : i32 to index
        %get3A_115 = arith.constant 96 : index
        %get3A_116 = tpu.vector_load %arg13[%get3A_114, %get3A_115] {strides = array<i32>} : memref<128x128xf32, #tpu.memory_space<vmem>>, vector<1x16xf32>,
        %get3A_117 = vector.shape_cast %get3A_116 : vector<1x16xf32> to vector<16xf32>
        %get3A_118 = arith.index_cast %scan3A_30 : i32 to index
        %get3A_119 = arith.constant 96 : index
        %get3A_120 = tpu.vector_load %arg14[%get3A_118, %get3A_119] {strides = array<i32>} : memref<128x128xf32, #tpu.memory_space<vmem>>, vector<1x16xf32>,
        %get3A_121 = vector.shape_cast %get3A_120 : vector<1x16xf32> to vector<16xf32>
        %add3A_122 = arith.addf %get3A_117, %get3A_121 : vector<16xf32>
        %swap3A_123 = arith.index_cast %scan3A_30 : i32 to index
        %swap3A_124 = arith.constant 96 : index
        %swap3A_125 = tpu.vector_load %arg13[%swap3A_123, %swap3A_124] {strides = array<i32>} : memref<128x128xf32, #tpu.memory_space<vmem>>, vector<1x16xf32>,
        %swap3A_126 = vector.shape_cast %swap3A_125 : vector<1x16xf32> to vector<16xf32>
        %swap3A_127 = vector.shape_cast %add3A_122 : vector<16xf32> to vector<1x16xf32>
        tpu.vector_store %arg13[%swap3A_123, %swap3A_124], %swap3A_127 {strides = array<i32>} : memref<128x128xf32, #tpu.memory_space<vmem>>, vector<1x16xf32>,
        %get3A_128 = arith.index_cast %scan3A_30 : i32 to index
        %get3A_129 = arith.constant 112 : index
        %get3A_130 = tpu.vector_load %arg13[%get3A_128, %get3A_129] {strides = array<i32>} : memref<128x128xf32, #tpu.memory_space<vmem>>, vector<1x16xf32>,
        %get3A_131 = vector.shape_cast %get3A_130 : vector<1x16xf32> to vector<16xf32>
        %get3A_132 = arith.index_cast %scan3A_30 : i32 to index
        %get3A_133 = arith.constant 112 : index
        %get3A_134 = tpu.vector_load %arg14[%get3A_132, %get3A_133] {strides = array<i32>} : memref<128x128xf32, #tpu.memory_space<vmem>>, vector<1x16xf32>,
        %get3A_135 = vector.shape_cast %get3A_134 : vector<1x16xf32> to vector<16xf32>
        %add3A_136 = arith.addf %get3A_131, %get3A_135 : vector<16xf32>
        %swap3A_137 = arith.index_cast %scan3A_30 : i32 to index
        %swap3A_138 = arith.constant 112 : index
        %swap3A_139 = tpu.vector_load %arg13[%swap3A_137, %swap3A_138] {strides = array<i32>} : memref<128x128xf32, #tpu.memory_space<vmem>>, vector<1x16xf32>,
        %swap3A_140 = vector.shape_cast %swap3A_139 : vector<1x16xf32> to vector<16xf32>
        %swap3A_141 = vector.shape_cast %add3A_136 : vector<16xf32> to vector<1x16xf32>
        tpu.vector_store %arg13[%swap3A_137, %swap3A_138], %swap3A_141 {strides = array<i32>} : memref<128x128xf32, #tpu.memory_space<vmem>>, vector<1x16xf32>,
        %scan3A_142 = arith.constant 0 : i32
        scf.yield %scan3A_142 : i32
      }
      %scan3A_28 = arith.constant 128 : i32
      "tpu.region"() ({
        %run_scoped3A = tpu.sem_alloc : memref<!tpu.dma_semaphore, #tpu.memory_space<semaphore_mem>>
        %dma_start3A = arith.constant 0 : i32
        %dma_start3A_30 = tpu.memref_slice %arg12[%scan3A_16, %dma_start3A] : memref<81x128xi32, #tpu.memory_space<vmem>> -> memref<1x128xi32, #tpu.memory_space<vmem>>
        %dma_start3A_31 = tpu.memref_squeeze %dma_start3A_30 : memref<1x128xi32, #tpu.memory_space<vmem>> -> memref<128xi32, #tpu.memory_space<vmem>>
        %dma_start3A_32 = arith.constant 0 : i32
        %dma_start3A_33 = arith.constant 0 : i32
        %dma_start3A_34 = tpu.memref_slice %arg9[%dma_start3A_32, %dma_start3A_33] : memref<10112x128xf32, #tpu.memory_space<vmem_shared>> -> memref<10112x128xf32, #tpu.memory_space<vmem_shared>>
        tpu.enqueue_indirect_dma source(%arg13 : memref<128x128xf32, #tpu.memory_space<vmem>>) target(%dma_start3A_34 : memref<10112x128xf32, #tpu.memory_space<vmem_shared>>) offsets(%dma_start3A_31 : memref<128xi32, #tpu.memory_space<vmem>>) semaphore(%run_scoped3A : memref<!tpu.dma_semaphore, #tpu.memory_space<semaphore_mem>>) {add = true}
        %dma_wait3A = arith.constant 0 : i32
        %dma_wait3A_35 = tpu.memref_slice %arg12[%scan3A_16, %dma_wait3A] : memref<81x128xi32, #tpu.memory_space<vmem>> -> memref<1x128xi32, #tpu.memory_space<vmem>>
        %dma_wait3A_36 = tpu.memref_squeeze %dma_wait3A_35 : memref<1x128xi32, #tpu.memory_space<vmem>> -> memref<128xi32, #tpu.memory_space<vmem>>
        %dma_wait3A_37 = arith.constant 0 : i32
        %dma_wait3A_38 = arith.constant 0 : i32
        %dma_wait3A_39 = tpu.memref_slice %arg9[%dma_wait3A_37, %dma_wait3A_38] : memref<10112x128xf32, #tpu.memory_space<vmem_shared>> -> memref<10112x128xf32, #tpu.memory_space<vmem_shared>>
        tpu.wait_indirect_dma semaphore(%run_scoped3A : memref<!tpu.dma_semaphore, #tpu.memory_space<semaphore_mem>>) src(%arg13 : memref<128x128xf32, #tpu.memory_space<vmem>>) dst(%dma_wait3A_39 : memref<10112x128xf32, #tpu.memory_space<vmem_shared>>)
        tpu.yield
      }) : () -> ()
      %scan3A_29 = arith.constant 0 : i32
      scf.yield %scan3A_29 : i32
    }
    %scan3A_10 = arith.constant 81 : i32
    %barrier3A_11 = arith.constant 0 : index
    tpu.barrier barrier_id(%barrier3A_11)
    %mul3A_12 = arith.constant 632 : i32
    %mul3A_13 = arith.muli %arg1, %mul3A_12 : i32
    %mul3A_14 = arith.constant 632 : i32
    %mul3A_15 = arith.muli %arg1, %mul3A_14 : i32
    "tpu.region"() ({
      %run_scoped3A = tpu.sem_alloc : memref<!tpu.dma_semaphore, #tpu.memory_space<semaphore_mem>>
      %dma_start3A = arith.constant 0 : i32
      %dma_start3A_16 = tpu.memref_slice %arg8[%arg0, %mul3A_15, %dma_start3A] : memref<2x10112x128xf32, #tpu.memory_space<hbm>> -> memref<1x632x128xf32, #tpu.memory_space<hbm>>
      %dma_start3A_17 = tpu.memref_squeeze %dma_start3A_16 : memref<1x632x128xf32, #tpu.memory_space<hbm>> -> memref<632x128xf32, #tpu.memory_space<hbm>>
      %dma_start3A_18 = arith.constant 0 : i32
      %dma_start3A_19 = tpu.memref_slice %arg9[%mul3A_13, %dma_start3A_18] : memref<10112x128xf32, #tpu.memory_space<vmem_shared>> -> memref<632x128xf32, #tpu.memory_space<vmem_shared>>
      tpu.enqueue_dma source(%dma_start3A_19 : memref<632x128xf32, #tpu.memory_space<vmem_shared>>) target(%dma_start3A_17 : memref<632x128xf32, #tpu.memory_space<hbm>>) target_semaphore(%run_scoped3A : memref<!tpu.dma_semaphore, #tpu.memory_space<semaphore_mem>>)
      %dma_wait3A = arith.constant 0 : i32
      %dma_wait3A_20 = tpu.memref_slice %arg8[%arg0, %mul3A_15, %dma_wait3A] : memref<2x10112x128xf32, #tpu.memory_space<hbm>> -> memref<1x632x128xf32, #tpu.memory_space<hbm>>
      %dma_wait3A_21 = tpu.memref_squeeze %dma_wait3A_20 : memref<1x632x128xf32, #tpu.memory_space<hbm>> -> memref<632x128xf32, #tpu.memory_space<hbm>>
      %dma_wait3A_22 = arith.constant 0 : i32
      %dma_wait3A_23 = tpu.memref_slice %arg9[%mul3A_13, %dma_wait3A_22] : memref<10112x128xf32, #tpu.memory_space<vmem_shared>> -> memref<632x128xf32, #tpu.memory_space<vmem_shared>>
      tpu.wait_dma2 semaphore(%run_scoped3A : memref<!tpu.dma_semaphore, #tpu.memory_space<semaphore_mem>>) src(%dma_wait3A_23 : memref<632x128xf32, #tpu.memory_space<vmem_shared>>) dst(%dma_wait3A_21 : memref<632x128xf32, #tpu.memory_space<hbm>>)
      tpu.yield
    }) : () -> ()
    return
  }
}

#map = affine_map<(d0, d1) -> (0, 0)>
#map1 = affine_map<(d0, d1) -> (0, 0, 0)>
module attributes {stable_mosaic.version = 14 : i64} {
  func.func @sc_gather_scatter(%arg0: i32, %arg1: i32, %arg2: memref<10000x128xf32, #tpu.memory_space<hbm>>, %arg3: memref<32x128xf32, #tpu.memory_space<hbm>>, %arg4: memref<32x10368xi32, #tpu.memory_space<hbm>>, %arg5: memref<32x10368xi32, #tpu.memory_space<hbm>>, %arg6: memref<32x81x128xi32, #tpu.memory_space<hbm>>, %arg7: memref<10112x128xf32, #tpu.memory_space<hbm>>, %arg8: memref<2x10112x128xf32, #tpu.memory_space<hbm>>, %arg9: memref<10112x128xf32, #tpu.memory_space<vmem_shared>>, %arg10: memref<128xi32, #tpu.memory_space<vmem>>, %arg11: memref<128xi32, #tpu.memory_space<vmem>>, %arg12: memref<81x128xi32, #tpu.memory_space<vmem>>, %arg13: memref<128x128xf32, #tpu.memory_space<vmem>>, %arg14: memref<128x128xf32, #tpu.memory_space<vmem>>) attributes {dimension_semantics = [#tpu.dimension_semantics<core_parallel>, #tpu.dimension_semantics<subcore_parallel>], iteration_bounds = array<i64: 2, 16>, scalar_prefetch = 0 : i64, scratch_operands = 6 : i64, tpu.core_type = #tpu.core_type<sc_vector_subcore>, window_params = [{transform_indices = #map}, {transform_indices = #map}, {transform_indices = #map}, {transform_indices = #map}, {transform_indices = #map1}, {transform_indices = #map}, {transform_indices = #map1}]} {
    %mul3A = arith.constant 2 : i32
    %mul3A_0 = arith.muli %arg1, %mul3A : i32
    %add3A = arith.addi %mul3A_0, %arg0 : i32
    %mul3A_1 = arith.constant 632 : i32
    %mul3A_2 = arith.muli %arg1, %mul3A_1 : i32
    %mul3A_3 = arith.constant 632 : i32
    %mul3A_4 = arith.muli %arg1, %mul3A_3 : i32
    "tpu.region"() ({
      %run_scoped3A = tpu.sem_alloc : memref<!tpu.dma_semaphore, #tpu.memory_space<semaphore_mem>>
      %dma_start3A = arith.constant 0 : i32
      %dma_start3A_16 = tpu.memref_slice %arg9[%mul3A_4, %dma_start3A] : memref<10112x128xf32, #tpu.memory_space<vmem_shared>> -> memref<632x128xf32, #tpu.memory_space<vmem_shared>>
      %dma_start3A_17 = arith.constant 0 : i32
      %dma_start3A_18 = tpu.memref_slice %arg7[%mul3A_2, %dma_start3A_17] : memref<10112x128xf32, #tpu.memory_space<hbm>> -> memref<632x128xf32, #tpu.memory_space<hbm>>
      tpu.enqueue_dma source(%dma_start3A_18 : memref<632x128xf32, #tpu.memory_space<hbm>>) target(%dma_start3A_16 : memref<632x128xf32, #tpu.memory_space<vmem_shared>>) target_semaphore(%run_scoped3A : memref<!tpu.dma_semaphore, #tpu.memory_space<semaphore_mem>>)
      %dma_wait3A = arith.constant 0 : i32
      %dma_wait3A_19 = tpu.memref_slice %arg9[%mul3A_4, %dma_wait3A] : memref<10112x128xf32, #tpu.memory_space<vmem_shared>> -> memref<632x128xf32, #tpu.memory_space<vmem_shared>>
      %dma_wait3A_20 = arith.constant 0 : i32
      %dma_wait3A_21 = tpu.memref_slice %arg7[%mul3A_2, %dma_wait3A_20] : memref<10112x128xf32, #tpu.memory_space<hbm>> -> memref<632x128xf32, #tpu.memory_space<hbm>>
      tpu.wait_dma2 semaphore(%run_scoped3A : memref<!tpu.dma_semaphore, #tpu.memory_space<semaphore_mem>>) src(%dma_wait3A_21 : memref<632x128xf32, #tpu.memory_space<hbm>>) dst(%dma_wait3A_19 : memref<632x128xf32, #tpu.memory_space<vmem_shared>>)
      tpu.yield
    }) : () -> ()
    "tpu.region"() ({
      %run_scoped3A = tpu.sem_alloc : memref<!tpu.dma_semaphore, #tpu.memory_space<semaphore_mem>>
      %dma_start3A = arith.constant 0 : i32
      %dma_start3A_16 = arith.constant 0 : i32
      %dma_start3A_17 = tpu.memref_slice %arg6[%add3A, %dma_start3A, %dma_start3A_16] : memref<32x81x128xi32, #tpu.memory_space<hbm>> -> memref<1x81x128xi32, #tpu.memory_space<hbm>>
      %dma_start3A_18 = tpu.memref_squeeze %dma_start3A_17 : memref<1x81x128xi32, #tpu.memory_space<hbm>> -> memref<81x128xi32, #tpu.memory_space<hbm>>
      %dma_start3A_19 = arith.constant 0 : i32
      %dma_start3A_20 = arith.constant 0 : i32
      %dma_start3A_21 = tpu.memref_slice %arg6[%add3A, %dma_start3A_19, %dma_start3A_20] : memref<32x81x128xi32, #tpu.memory_space<hbm>> -> memref<1x81x128xi32, #tpu.memory_space<hbm>>
      %dma_start3A_22 = tpu.memref_squeeze %dma_start3A_21 : memref<1x81x128xi32, #tpu.memory_space<hbm>> -> memref<81x128xi32, #tpu.memory_space<hbm>>
      tpu.enqueue_dma source(%dma_start3A_22 : memref<81x128xi32, #tpu.memory_space<hbm>>) target(%arg12 : memref<81x128xi32, #tpu.memory_space<vmem>>) target_semaphore(%run_scoped3A : memref<!tpu.dma_semaphore, #tpu.memory_space<semaphore_mem>>)
      %dma_wait3A = arith.constant 0 : i32
      %dma_wait3A_23 = arith.constant 0 : i32
      %dma_wait3A_24 = tpu.memref_slice %arg6[%add3A, %dma_wait3A, %dma_wait3A_23] : memref<32x81x128xi32, #tpu.memory_space<hbm>> -> memref<1x81x128xi32, #tpu.memory_space<hbm>>
      %dma_wait3A_25 = tpu.memref_squeeze %dma_wait3A_24 : memref<1x81x128xi32, #tpu.memory_space<hbm>> -> memref<81x128xi32, #tpu.memory_space<hbm>>
      %dma_wait3A_26 = arith.constant 0 : i32
      %dma_wait3A_27 = arith.constant 0 : i32
      %dma_wait3A_28 = tpu.memref_slice %arg6[%add3A, %dma_wait3A_26, %dma_wait3A_27] : memref<32x81x128xi32, #tpu.memory_space<hbm>> -> memref<1x81x128xi32, #tpu.memory_space<hbm>>
      %dma_wait3A_29 = tpu.memref_squeeze %dma_wait3A_28 : memref<1x81x128xi32, #tpu.memory_space<hbm>> -> memref<81x128xi32, #tpu.memory_space<hbm>>
      tpu.wait_dma2 semaphore(%run_scoped3A : memref<!tpu.dma_semaphore, #tpu.memory_space<semaphore_mem>>) src(%dma_wait3A_29 : memref<81x128xi32, #tpu.memory_space<hbm>>) dst(%arg12 : memref<81x128xi32, #tpu.memory_space<vmem>>)
      tpu.yield
    }) : () -> ()
    %barrier3A = arith.constant 0 : index
    tpu.barrier barrier_id(%barrier3A)
    %scan3A = arith.constant 0 : i32
    %scan3A_5 = arith.constant 0 : i32
    %scan3A_6 = arith.constant 81 : i32
    %scan3A_7 = arith.addi %scan3A_5, %scan3A_6 : i32
    %scan3A_8 = arith.constant 1 : i32
    %scan3A_9 = scf.for %scan3A_16 = %scan3A_5 to %scan3A_7 step %scan3A_8 iter_args(%scan3A_17 = %scan3A) -> (i32)  : i32 {
      %mul3A_18 = arith.constant 128 : i32
      %mul3A_19 = arith.muli %scan3A_16, %mul3A_18 : i32
      "tpu.region"() ({
        %run_scoped3A = tpu.sem_alloc : memref<!tpu.dma_semaphore, #tpu.memory_space<semaphore_mem>>
        %dma_start3A = tpu.memref_slice %arg4[%add3A, %mul3A_19] : memref<32x10368xi32, #tpu.memory_space<hbm>> -> memref<1x128xi32, #tpu.memory_space<hbm>>
        %dma_start3A_30 = tpu.memref_squeeze %dma_start3A : memref<1x128xi32, #tpu.memory_space<hbm>> -> memref<128xi32, #tpu.memory_space<hbm>>
        %dma_start3A_31 = tpu.memref_slice %arg4[%add3A, %mul3A_19] : memref<32x10368xi32, #tpu.memory_space<hbm>> -> memref<1x128xi32, #tpu.memory_space<hbm>>
        %dma_start3A_32 = tpu.memref_squeeze %dma_start3A_31 : memref<1x128xi32, #tpu.memory_space<hbm>> -> memref<128xi32, #tpu.memory_space<hbm>>
        tpu.enqueue_dma source(%dma_start3A_32 : memref<128xi32, #tpu.memory_space<hbm>>) target(%arg10 : memref<128xi32, #tpu.memory_space<vmem>>) target_semaphore(%run_scoped3A : memref<!tpu.dma_semaphore, #tpu.memory_space<semaphore_mem>>)
        %dma_wait3A = tpu.memref_slice %arg4[%add3A, %mul3A_19] : memref<32x10368xi32, #tpu.memory_space<hbm>> -> memref<1x128xi32, #tpu.memory_space<hbm>>
        %dma_wait3A_33 = tpu.memref_squeeze %dma_wait3A : memref<1x128xi32, #tpu.memory_space<hbm>> -> memref<128xi32, #tpu.memory_space<hbm>>
        %dma_wait3A_34 = tpu.memref_slice %arg4[%add3A, %mul3A_19] : memref<32x10368xi32, #tpu.memory_space<hbm>> -> memref<1x128xi32, #tpu.memory_space<hbm>>
        %dma_wait3A_35 = tpu.memref_squeeze %dma_wait3A_34 : memref<1x128xi32, #tpu.memory_space<hbm>> -> memref<128xi32, #tpu.memory_space<hbm>>
        tpu.wait_dma2 semaphore(%run_scoped3A : memref<!tpu.dma_semaphore, #tpu.memory_space<semaphore_mem>>) src(%dma_wait3A_35 : memref<128xi32, #tpu.memory_space<hbm>>) dst(%arg10 : memref<128xi32, #tpu.memory_space<vmem>>)
        tpu.yield
      }) : () -> ()
      %mul3A_20 = arith.constant 128 : i32
      %mul3A_21 = arith.muli %scan3A_16, %mul3A_20 : i32
      "tpu.region"() ({
        %run_scoped3A = tpu.sem_alloc : memref<!tpu.dma_semaphore, #tpu.memory_space<semaphore_mem>>
        %dma_start3A = tpu.memref_slice %arg5[%add3A, %mul3A_21] : memref<32x10368xi32, #tpu.memory_space<hbm>> -> memref<1x128xi32, #tpu.memory_space<hbm>>
        %dma_start3A_30 = tpu.memref_squeeze %dma_start3A : memref<1x128xi32, #tpu.memory_space<hbm>> -> memref<128xi32, #tpu.memory_space<hbm>>
        %dma_start3A_31 = tpu.memref_slice %arg5[%add3A, %mul3A_21] : memref<32x10368xi32, #tpu.memory_space<hbm>> -> memref<1x128xi32, #tpu.memory_space<hbm>>
        %dma_start3A_32 = tpu.memref_squeeze %dma_start3A_31 : memref<1x128xi32, #tpu.memory_space<hbm>> -> memref<128xi32, #tpu.memory_space<hbm>>
        tpu.enqueue_dma source(%dma_start3A_32 : memref<128xi32, #tpu.memory_space<hbm>>) target(%arg11 : memref<128xi32, #tpu.memory_space<vmem>>) target_semaphore(%run_scoped3A : memref<!tpu.dma_semaphore, #tpu.memory_space<semaphore_mem>>)
        %dma_wait3A = tpu.memref_slice %arg5[%add3A, %mul3A_21] : memref<32x10368xi32, #tpu.memory_space<hbm>> -> memref<1x128xi32, #tpu.memory_space<hbm>>
        %dma_wait3A_33 = tpu.memref_squeeze %dma_wait3A : memref<1x128xi32, #tpu.memory_space<hbm>> -> memref<128xi32, #tpu.memory_space<hbm>>
        %dma_wait3A_34 = tpu.memref_slice %arg5[%add3A, %mul3A_21] : memref<32x10368xi32, #tpu.memory_space<hbm>> -> memref<1x128xi32, #tpu.memory_space<hbm>>
        %dma_wait3A_35 = tpu.memref_squeeze %dma_wait3A_34 : memref<1x128xi32, #tpu.memory_space<hbm>> -> memref<128xi32, #tpu.memory_space<hbm>>
        tpu.wait_dma2 semaphore(%run_scoped3A : memref<!tpu.dma_semaphore, #tpu.memory_space<semaphore_mem>>) src(%dma_wait3A_35 : memref<128xi32, #tpu.memory_space<hbm>>) dst(%arg11 : memref<128xi32, #tpu.memory_space<vmem>>)
        tpu.yield
      }) : () -> ()
      "tpu.region"() ({
        %run_scoped3A = tpu.sem_alloc : memref<!tpu.dma_semaphore, #tpu.memory_space<semaphore_mem>>
        %dma_start3A = arith.constant 0 : i32
        %dma_start3A_30 = arith.constant 0 : i32
        %dma_start3A_31 = tpu.memref_slice %arg2[%dma_start3A, %dma_start3A_30] : memref<10000x128xf32, #tpu.memory_space<hbm>> -> memref<10000x128xf32, #tpu.memory_space<hbm>>
        tpu.enqueue_indirect_dma source(%dma_start3A_31 : memref<10000x128xf32, #tpu.memory_space<hbm>>) target(%arg13 : memref<128x128xf32, #tpu.memory_space<vmem>>) offsets(%arg10 : memref<128xi32, #tpu.memory_space<vmem>>) semaphore(%run_scoped3A : memref<!tpu.dma_semaphore, #tpu.memory_space<semaphore_mem>>)
        %dma_wait3A = arith.constant 0 : i32
        %dma_wait3A_32 = arith.constant 0 : i32
        %dma_wait3A_33 = tpu.memref_slice %arg2[%dma_wait3A, %dma_wait3A_32] : memref<10000x128xf32, #tpu.memory_space<hbm>> -> memref<10000x128xf32, #tpu.memory_space<hbm>>
        tpu.wait_indirect_dma semaphore(%run_scoped3A : memref<!tpu.dma_semaphore, #tpu.memory_space<semaphore_mem>>) src(%dma_wait3A_33 : memref<10000x128xf32, #tpu.memory_space<hbm>>) dst(%arg13 : memref<128x128xf32, #tpu.memory_space<vmem>>)
        tpu.yield
      }) : () -> ()
      "tpu.region"() ({
        %run_scoped3A = tpu.sem_alloc : memref<!tpu.dma_semaphore, #tpu.memory_space<semaphore_mem>>
        %dma_start3A = arith.constant 0 : i32
        %dma_start3A_30 = arith.constant 0 : i32
        %dma_start3A_31 = tpu.memref_slice %arg3[%dma_start3A, %dma_start3A_30] : memref<32x128xf32, #tpu.memory_space<hbm>> -> memref<32x128xf32, #tpu.memory_space<hbm>>
        tpu.enqueue_indirect_dma source(%dma_start3A_31 : memref<32x128xf32, #tpu.memory_space<hbm>>) target(%arg14 : memref<128x128xf32, #tpu.memory_space<vmem>>) offsets(%arg11 : memref<128xi32, #tpu.memory_space<vmem>>) semaphore(%run_scoped3A : memref<!tpu.dma_semaphore, #tpu.memory_space<semaphore_mem>>)
        %dma_wait3A = arith.constant 0 : i32
        %dma_wait3A_32 = arith.constant 0 : i32
        %dma_wait3A_33 = tpu.memref_slice %arg3[%dma_wait3A, %dma_wait3A_32] : memref<32x128xf32, #tpu.memory_space<hbm>> -> memref<32x128xf32, #tpu.memory_space<hbm>>
        tpu.wait_indirect_dma semaphore(%run_scoped3A : memref<!tpu.dma_semaphore, #tpu.memory_space<semaphore_mem>>) src(%dma_wait3A_33 : memref<32x128xf32, #tpu.memory_space<hbm>>) dst(%arg14 : memref<128x128xf32, #tpu.memory_space<vmem>>)
        tpu.yield
      }) : () -> ()
      %scan3A_22 = arith.constant 0 : i32
      %scan3A_23 = arith.constant 0 : i32
      %scan3A_24 = arith.constant 128 : i32
      %scan3A_25 = arith.addi %scan3A_23, %scan3A_24 : i32
      %scan3A_26 = arith.constant 1 : i32
      %scan3A_27 = scf.for %scan3A_30 = %scan3A_23 to %scan3A_25 step %scan3A_26 iter_args(%scan3A_31 = %scan3A_22) -> (i32)  : i32 {
        %get3A = arith.index_cast %scan3A_30 : i32 to index
        %get3A_32 = arith.constant 0 : index
        %get3A_33 = tpu.vector_load %arg13[%get3A, %get3A_32] {strides = array<i32>} : memref<128x128xf32, #tpu.memory_space<vmem>>, vector<1x16xf32>,
        %get3A_34 = vector.shape_cast %get3A_33 : vector<1x16xf32> to vector<16xf32>
        %get3A_35 = arith.index_cast %scan3A_30 : i32 to index
        %get3A_36 = arith.constant 0 : index
        %get3A_37 = tpu.vector_load %arg14[%get3A_35, %get3A_36] {strides = array<i32>} : memref<128x128xf32, #tpu.memory_space<vmem>>, vector<1x16xf32>,
        %get3A_38 = vector.shape_cast %get3A_37 : vector<1x16xf32> to vector<16xf32>
        %add3A_39 = arith.addf %get3A_34, %get3A_38 : vector<16xf32>
        %swap3A = arith.index_cast %scan3A_30 : i32 to index
        %swap3A_40 = arith.constant 0 : index
        %swap3A_41 = tpu.vector_load %arg13[%swap3A, %swap3A_40] {strides = array<i32>} : memref<128x128xf32, #tpu.memory_space<vmem>>, vector<1x16xf32>,
        %swap3A_42 = vector.shape_cast %swap3A_41 : vector<1x16xf32> to vector<16xf32>
        %swap3A_43 = vector.shape_cast %add3A_39 : vector<16xf32> to vector<1x16xf32>
        tpu.vector_store %arg13[%swap3A, %swap3A_40], %swap3A_43 {strides = array<i32>} : memref<128x128xf32, #tpu.memory_space<vmem>>, vector<1x16xf32>,
        %get3A_44 = arith.index_cast %scan3A_30 : i32 to index
        %get3A_45 = arith.constant 16 : index
        %get3A_46 = tpu.vector_load %arg13[%get3A_44, %get3A_45] {strides = array<i32>} : memref<128x128xf32, #tpu.memory_space<vmem>>, vector<1x16xf32>,
        %get3A_47 = vector.shape_cast %get3A_46 : vector<1x16xf32> to vector<16xf32>
        %get3A_48 = arith.index_cast %scan3A_30 : i32 to index
        %get3A_49 = arith.constant 16 : index
        %get3A_50 = tpu.vector_load %arg14[%get3A_48, %get3A_49] {strides = array<i32>} : memref<128x128xf32, #tpu.memory_space<vmem>>, vector<1x16xf32>,
        %get3A_51 = vector.shape_cast %get3A_50 : vector<1x16xf32> to vector<16xf32>
        %add3A_52 = arith.addf %get3A_47, %get3A_51 : vector<16xf32>
        %swap3A_53 = arith.index_cast %scan3A_30 : i32 to index
        %swap3A_54 = arith.constant 16 : index
        %swap3A_55 = tpu.vector_load %arg13[%swap3A_53, %swap3A_54] {strides = array<i32>} : memref<128x128xf32, #tpu.memory_space<vmem>>, vector<1x16xf32>,
        %swap3A_56 = vector.shape_cast %swap3A_55 : vector<1x16xf32> to vector<16xf32>
        %swap3A_57 = vector.shape_cast %add3A_52 : vector<16xf32> to vector<1x16xf32>
        tpu.vector_store %arg13[%swap3A_53, %swap3A_54], %swap3A_57 {strides = array<i32>} : memref<128x128xf32, #tpu.memory_space<vmem>>, vector<1x16xf32>,
        %get3A_58 = arith.index_cast %scan3A_30 : i32 to index
        %get3A_59 = arith.constant 32 : index
        %get3A_60 = tpu.vector_load %arg13[%get3A_58, %get3A_59] {strides = array<i32>} : memref<128x128xf32, #tpu.memory_space<vmem>>, vector<1x16xf32>,
        %get3A_61 = vector.shape_cast %get3A_60 : vector<1x16xf32> to vector<16xf32>
        %get3A_62 = arith.index_cast %scan3A_30 : i32 to index
        %get3A_63 = arith.constant 32 : index
        %get3A_64 = tpu.vector_load %arg14[%get3A_62, %get3A_63] {strides = array<i32>} : memref<128x128xf32, #tpu.memory_space<vmem>>, vector<1x16xf32>,
        %get3A_65 = vector.shape_cast %get3A_64 : vector<1x16xf32> to vector<16xf32>
        %add3A_66 = arith.addf %get3A_61, %get3A_65 : vector<16xf32>
        %swap3A_67 = arith.index_cast %scan3A_30 : i32 to index
        %swap3A_68 = arith.constant 32 : index
        %swap3A_69 = tpu.vector_load %arg13[%swap3A_67, %swap3A_68] {strides = array<i32>} : memref<128x128xf32, #tpu.memory_space<vmem>>, vector<1x16xf32>,
        %swap3A_70 = vector.shape_cast %swap3A_69 : vector<1x16xf32> to vector<16xf32>
        %swap3A_71 = vector.shape_cast %add3A_66 : vector<16xf32> to vector<1x16xf32>
        tpu.vector_store %arg13[%swap3A_67, %swap3A_68], %swap3A_71 {strides = array<i32>} : memref<128x128xf32, #tpu.memory_space<vmem>>, vector<1x16xf32>,
        %get3A_72 = arith.index_cast %scan3A_30 : i32 to index
        %get3A_73 = arith.constant 48 : index
        %get3A_74 = tpu.vector_load %arg13[%get3A_72, %get3A_73] {strides = array<i32>} : memref<128x128xf32, #tpu.memory_space<vmem>>, vector<1x16xf32>,
        %get3A_75 = vector.shape_cast %get3A_74 : vector<1x16xf32> to vector<16xf32>
        %get3A_76 = arith.index_cast %scan3A_30 : i32 to index
        %get3A_77 = arith.constant 48 : index
        %get3A_78 = tpu.vector_load %arg14[%get3A_76, %get3A_77] {strides = array<i32>} : memref<128x128xf32, #tpu.memory_space<vmem>>, vector<1x16xf32>,
        %get3A_79 = vector.shape_cast %get3A_78 : vector<1x16xf32> to vector<16xf32>
        %add3A_80 = arith.addf %get3A_75, %get3A_79 : vector<16xf32>
        %swap3A_81 = arith.index_cast %scan3A_30 : i32 to index
        %swap3A_82 = arith.constant 48 : index
        %swap3A_83 = tpu.vector_load %arg13[%swap3A_81, %swap3A_82] {strides = array<i32>} : memref<128x128xf32, #tpu.memory_space<vmem>>, vector<1x16xf32>,
        %swap3A_84 = vector.shape_cast %swap3A_83 : vector<1x16xf32> to vector<16xf32>
        %swap3A_85 = vector.shape_cast %add3A_80 : vector<16xf32> to vector<1x16xf32>
        tpu.vector_store %arg13[%swap3A_81, %swap3A_82], %swap3A_85 {strides = array<i32>} : memref<128x128xf32, #tpu.memory_space<vmem>>, vector<1x16xf32>,
        %get3A_86 = arith.index_cast %scan3A_30 : i32 to index
        %get3A_87 = arith.constant 64 : index
        %get3A_88 = tpu.vector_load %arg13[%get3A_86, %get3A_87] {strides = array<i32>} : memref<128x128xf32, #tpu.memory_space<vmem>>, vector<1x16xf32>,
        %get3A_89 = vector.shape_cast %get3A_88 : vector<1x16xf32> to vector<16xf32>
        %get3A_90 = arith.index_cast %scan3A_30 : i32 to index
        %get3A_91 = arith.constant 64 : index
        %get3A_92 = tpu.vector_load %arg14[%get3A_90, %get3A_91] {strides = array<i32>} : memref<128x128xf32, #tpu.memory_space<vmem>>, vector<1x16xf32>,
        %get3A_93 = vector.shape_cast %get3A_92 : vector<1x16xf32> to vector<16xf32>
        %add3A_94 = arith.addf %get3A_89, %get3A_93 : vector<16xf32>
        %swap3A_95 = arith.index_cast %scan3A_30 : i32 to index
        %swap3A_96 = arith.constant 64 : index
        %swap3A_97 = tpu.vector_load %arg13[%swap3A_95, %swap3A_96] {strides = array<i32>} : memref<128x128xf32, #tpu.memory_space<vmem>>, vector<1x16xf32>,
        %swap3A_98 = vector.shape_cast %swap3A_97 : vector<1x16xf32> to vector<16xf32>
        %swap3A_99 = vector.shape_cast %add3A_94 : vector<16xf32> to vector<1x16xf32>
        tpu.vector_store %arg13[%swap3A_95, %swap3A_96], %swap3A_99 {strides = array<i32>} : memref<128x128xf32, #tpu.memory_space<vmem>>, vector<1x16xf32>,
        %get3A_100 = arith.index_cast %scan3A_30 : i32 to index
        %get3A_101 = arith.constant 80 : index
        %get3A_102 = tpu.vector_load %arg13[%get3A_100, %get3A_101] {strides = array<i32>} : memref<128x128xf32, #tpu.memory_space<vmem>>, vector<1x16xf32>,
        %get3A_103 = vector.shape_cast %get3A_102 : vector<1x16xf32> to vector<16xf32>
        %get3A_104 = arith.index_cast %scan3A_30 : i32 to index
        %get3A_105 = arith.constant 80 : index
        %get3A_106 = tpu.vector_load %arg14[%get3A_104, %get3A_105] {strides = array<i32>} : memref<128x128xf32, #tpu.memory_space<vmem>>, vector<1x16xf32>,
        %get3A_107 = vector.shape_cast %get3A_106 : vector<1x16xf32> to vector<16xf32>
        %add3A_108 = arith.addf %get3A_103, %get3A_107 : vector<16xf32>
        %swap3A_109 = arith.index_cast %scan3A_30 : i32 to index
        %swap3A_110 = arith.constant 80 : index
        %swap3A_111 = tpu.vector_load %arg13[%swap3A_109, %swap3A_110] {strides = array<i32>} : memref<128x128xf32, #tpu.memory_space<vmem>>, vector<1x16xf32>,
        %swap3A_112 = vector.shape_cast %swap3A_111 : vector<1x16xf32> to vector<16xf32>
        %swap3A_113 = vector.shape_cast %add3A_108 : vector<16xf32> to vector<1x16xf32>
        tpu.vector_store %arg13[%swap3A_109, %swap3A_110], %swap3A_113 {strides = array<i32>} : memref<128x128xf32, #tpu.memory_space<vmem>>, vector<1x16xf32>,
        %get3A_114 = arith.index_cast %scan3A_30 : i32 to index
        %get3A_115 = arith.constant 96 : index
        %get3A_116 = tpu.vector_load %arg13[%get3A_114, %get3A_115] {strides = array<i32>} : memref<128x128xf32, #tpu.memory_space<vmem>>, vector<1x16xf32>,
        %get3A_117 = vector.shape_cast %get3A_116 : vector<1x16xf32> to vector<16xf32>
        %get3A_118 = arith.index_cast %scan3A_30 : i32 to index
        %get3A_119 = arith.constant 96 : index
        %get3A_120 = tpu.vector_load %arg14[%get3A_118, %get3A_119] {strides = array<i32>} : memref<128x128xf32, #tpu.memory_space<vmem>>, vector<1x16xf32>,
        %get3A_121 = vector.shape_cast %get3A_120 : vector<1x16xf32> to vector<16xf32>
        %add3A_122 = arith.addf %get3A_117, %get3A_121 : vector<16xf32>
        %swap3A_123 = arith.index_cast %scan3A_30 : i32 to index
        %swap3A_124 = arith.constant 96 : index
        %swap3A_125 = tpu.vector_load %arg13[%swap3A_123, %swap3A_124] {strides = array<i32>} : memref<128x128xf32, #tpu.memory_space<vmem>>, vector<1x16xf32>,
        %swap3A_126 = vector.shape_cast %swap3A_125 : vector<1x16xf32> to vector<16xf32>
        %swap3A_127 = vector.shape_cast %add3A_122 : vector<16xf32> to vector<1x16xf32>
        tpu.vector_store %arg13[%swap3A_123, %swap3A_124], %swap3A_127 {strides = array<i32>} : memref<128x128xf32, #tpu.memory_space<vmem>>, vector<1x16xf32>,
        %get3A_128 = arith.index_cast %scan3A_30 : i32 to index
        %get3A_129 = arith.constant 112 : index
        %get3A_130 = tpu.vector_load %arg13[%get3A_128, %get3A_129] {strides = array<i32>} : memref<128x128xf32, #tpu.memory_space<vmem>>, vector<1x16xf32>,
        %get3A_131 = vector.shape_cast %get3A_130 : vector<1x16xf32> to vector<16xf32>
        %get3A_132 = arith.index_cast %scan3A_30 : i32 to index
        %get3A_133 = arith.constant 112 : index
        %get3A_134 = tpu.vector_load %arg14[%get3A_132, %get3A_133] {strides = array<i32>} : memref<128x128xf32, #tpu.memory_space<vmem>>, vector<1x16xf32>,
        %get3A_135 = vector.shape_cast %get3A_134 : vector<1x16xf32> to vector<16xf32>
        %add3A_136 = arith.addf %get3A_131, %get3A_135 : vector<16xf32>
        %swap3A_137 = arith.index_cast %scan3A_30 : i32 to index
        %swap3A_138 = arith.constant 112 : index
        %swap3A_139 = tpu.vector_load %arg13[%swap3A_137, %swap3A_138] {strides = array<i32>} : memref<128x128xf32, #tpu.memory_space<vmem>>, vector<1x16xf32>,
        %swap3A_140 = vector.shape_cast %swap3A_139 : vector<1x16xf32> to vector<16xf32>
        %swap3A_141 = vector.shape_cast %add3A_136 : vector<16xf32> to vector<1x16xf32>
        tpu.vector_store %arg13[%swap3A_137, %swap3A_138], %swap3A_141 {strides = array<i32>} : memref<128x128xf32, #tpu.memory_space<vmem>>, vector<1x16xf32>,
        %scan3A_142 = arith.constant 0 : i32
        scf.yield %scan3A_142 : i32
      }
      %scan3A_28 = arith.constant 128 : i32
      "tpu.region"() ({
        %run_scoped3A = tpu.sem_alloc : memref<!tpu.dma_semaphore, #tpu.memory_space<semaphore_mem>>
        %dma_start3A = arith.constant 0 : i32
        %dma_start3A_30 = tpu.memref_slice %arg12[%scan3A_16, %dma_start3A] : memref<81x128xi32, #tpu.memory_space<vmem>> -> memref<1x128xi32, #tpu.memory_space<vmem>>
        %dma_start3A_31 = tpu.memref_squeeze %dma_start3A_30 : memref<1x128xi32, #tpu.memory_space<vmem>> -> memref<128xi32, #tpu.memory_space<vmem>>
        %dma_start3A_32 = arith.constant 0 : i32
        %dma_start3A_33 = arith.constant 0 : i32
        %dma_start3A_34 = tpu.memref_slice %arg9[%dma_start3A_32, %dma_start3A_33] : memref<10112x128xf32, #tpu.memory_space<vmem_shared>> -> memref<10112x128xf32, #tpu.memory_space<vmem_shared>>
        tpu.enqueue_indirect_dma source(%arg13 : memref<128x128xf32, #tpu.memory_space<vmem>>) target(%dma_start3A_34 : memref<10112x128xf32, #tpu.memory_space<vmem_shared>>) offsets(%dma_start3A_31 : memref<128xi32, #tpu.memory_space<vmem>>) semaphore(%run_scoped3A : memref<!tpu.dma_semaphore, #tpu.memory_space<semaphore_mem>>) {add = true}
        %dma_wait3A = arith.constant 0 : i32
        %dma_wait3A_35 = tpu.memref_slice %arg12[%scan3A_16, %dma_wait3A] : memref<81x128xi32, #tpu.memory_space<vmem>> -> memref<1x128xi32, #tpu.memory_space<vmem>>
        %dma_wait3A_36 = tpu.memref_squeeze %dma_wait3A_35 : memref<1x128xi32, #tpu.memory_space<vmem>> -> memref<128xi32, #tpu.memory_space<vmem>>
        %dma_wait3A_37 = arith.constant 0 : i32
        %dma_wait3A_38 = arith.constant 0 : i32
        %dma_wait3A_39 = tpu.memref_slice %arg9[%dma_wait3A_37, %dma_wait3A_38] : memref<10112x128xf32, #tpu.memory_space<vmem_shared>> -> memref<10112x128xf32, #tpu.memory_space<vmem_shared>>
        tpu.wait_indirect_dma semaphore(%run_scoped3A : memref<!tpu.dma_semaphore, #tpu.memory_space<semaphore_mem>>) src(%arg13 : memref<128x128xf32, #tpu.memory_space<vmem>>) dst(%dma_wait3A_39 : memref<10112x128xf32, #tpu.memory_space<vmem_shared>>)
        tpu.yield
      }) : () -> ()
      %scan3A_29 = arith.constant 0 : i32
      scf.yield %scan3A_29 : i32
    }
    %scan3A_10 = arith.constant 81 : i32
    %barrier3A_11 = arith.constant 0 : index
    tpu.barrier barrier_id(%barrier3A_11)
    %mul3A_12 = arith.constant 632 : i32
    %mul3A_13 = arith.muli %arg1, %mul3A_12 : i32
    %mul3A_14 = arith.constant 632 : i32
    %mul3A_15 = arith.muli %arg1, %mul3A_14 : i32
    "tpu.region"() ({
      %run_scoped3A = tpu.sem_alloc : memref<!tpu.dma_semaphore, #tpu.memory_space<semaphore_mem>>
      %dma_start3A = arith.constant 0 : i32
      %dma_start3A_16 = tpu.memref_slice %arg8[%arg0, %mul3A_15, %dma_start3A] : memref<2x10112x128xf32, #tpu.memory_space<hbm>> -> memref<1x632x128xf32, #tpu.memory_space<hbm>>
      %dma_start3A_17 = tpu.memref_squeeze %dma_start3A_16 : memref<1x632x128xf32, #tpu.memory_space<hbm>> -> memref<632x128xf32, #tpu.memory_space<hbm>>
      %dma_start3A_18 = arith.constant 0 : i32
      %dma_start3A_19 = tpu.memref_slice %arg9[%mul3A_13, %dma_start3A_18] : memref<10112x128xf32, #tpu.memory_space<vmem_shared>> -> memref<632x128xf32, #tpu.memory_space<vmem_shared>>
      tpu.enqueue_dma source(%dma_start3A_19 : memref<632x128xf32, #tpu.memory_space<vmem_shared>>) target(%dma_start3A_17 : memref<632x128xf32, #tpu.memory_space<hbm>>) target_semaphore(%run_scoped3A : memref<!tpu.dma_semaphore, #tpu.memory_space<semaphore_mem>>)
      %dma_wait3A = arith.constant 0 : i32
      %dma_wait3A_20 = tpu.memref_slice %arg8[%arg0, %mul3A_15, %dma_wait3A] : memref<2x10112x128xf32, #tpu.memory_space<hbm>> -> memref<1x632x128xf32, #tpu.memory_space<hbm>>
      %dma_wait3A_21 = tpu.memref_squeeze %dma_wait3A_20 : memref<1x632x128xf32, #tpu.memory_space<hbm>> -> memref<632x128xf32, #tpu.memory_space<hbm>>
      %dma_wait3A_22 = arith.constant 0 : i32
      %dma_wait3A_23 = tpu.memref_slice %arg9[%mul3A_13, %dma_wait3A_22] : memref<10112x128xf32, #tpu.memory_space<vmem_shared>> -> memref<632x128xf32, #tpu.memory_space<vmem_shared>>
      tpu.wait_dma2 semaphore(%run_scoped3A : memref<!tpu.dma_semaphore, #tpu.memory_space<semaphore_mem>>) src(%dma_wait3A_23 : memref<632x128xf32, #tpu.memory_space<vmem_shared>>) dst(%dma_wait3A_21 : memref<632x128xf32, #tpu.memory_space<hbm>>)
      tpu.yield
    }) : () -> ()
    return
  }
}

#map = affine_map<(d0, d1) -> (0, 0)>
#map1 = affine_map<(d0, d1) -> (0, 0, 0)>
module attributes {stable_mosaic.version = 14 : i64} {
  func.func @sc_gather_scatter(%arg0: i32, %arg1: i32, %arg2: memref<10000x128xf32, #tpu.memory_space<hbm>>, %arg3: memref<32x128xf32, #tpu.memory_space<hbm>>, %arg4: memref<32x10368xi32, #tpu.memory_space<hbm>>, %arg5: memref<32x10368xi32, #tpu.memory_space<hbm>>, %arg6: memref<32x81x128xi32, #tpu.memory_space<hbm>>, %arg7: memref<10112x128xf32, #tpu.memory_space<hbm>>, %arg8: memref<2x10112x128xf32, #tpu.memory_space<hbm>>, %arg9: memref<10112x128xf32, #tpu.memory_space<vmem_shared>>, %arg10: memref<128xi32, #tpu.memory_space<vmem>>, %arg11: memref<128xi32, #tpu.memory_space<vmem>>, %arg12: memref<81x128xi32, #tpu.memory_space<vmem>>, %arg13: memref<128x128xf32, #tpu.memory_space<vmem>>, %arg14: memref<128x128xf32, #tpu.memory_space<vmem>>) attributes {dimension_semantics = [#tpu.dimension_semantics<core_parallel>, #tpu.dimension_semantics<subcore_parallel>], iteration_bounds = array<i64: 2, 16>, scalar_prefetch = 0 : i64, scratch_operands = 6 : i64, tpu.core_type = #tpu.core_type<sc_vector_subcore>, window_params = [{transform_indices = #map}, {transform_indices = #map}, {transform_indices = #map}, {transform_indices = #map}, {transform_indices = #map1}, {transform_indices = #map}, {transform_indices = #map1}]} {
    %mul3A = arith.constant 2 : i32
    %mul3A_0 = arith.muli %arg1, %mul3A : i32
    %add3A = arith.addi %mul3A_0, %arg0 : i32
    %mul3A_1 = arith.constant 632 : i32
    %mul3A_2 = arith.muli %arg1, %mul3A_1 : i32
    %mul3A_3 = arith.constant 632 : i32
    %mul3A_4 = arith.muli %arg1, %mul3A_3 : i32
    "tpu.region"() ({
      %run_scoped3A = tpu.sem_alloc : memref<!tpu.dma_semaphore, #tpu.memory_space<semaphore_mem>>
      %dma_start3A = arith.constant 0 : i32
      %dma_start3A_16 = tpu.memref_slice %arg9[%mul3A_4, %dma_start3A] : memref<10112x128xf32, #tpu.memory_space<vmem_shared>> -> memref<632x128xf32, #tpu.memory_space<vmem_shared>>
      %dma_start3A_17 = arith.constant 0 : i32
      %dma_start3A_18 = tpu.memref_slice %arg7[%mul3A_2, %dma_start3A_17] : memref<10112x128xf32, #tpu.memory_space<hbm>> -> memref<632x128xf32, #tpu.memory_space<hbm>>
      tpu.enqueue_dma source(%dma_start3A_18 : memref<632x128xf32, #tpu.memory_space<hbm>>) target(%dma_start3A_16 : memref<632x128xf32, #tpu.memory_space<vmem_shared>>) target_semaphore(%run_scoped3A : memref<!tpu.dma_semaphore, #tpu.memory_space<semaphore_mem>>)
      %dma_wait3A = arith.constant 0 : i32
      %dma_wait3A_19 = tpu.memref_slice %arg9[%mul3A_4, %dma_wait3A] : memref<10112x128xf32, #tpu.memory_space<vmem_shared>> -> memref<632x128xf32, #tpu.memory_space<vmem_shared>>
      %dma_wait3A_20 = arith.constant 0 : i32
      %dma_wait3A_21 = tpu.memref_slice %arg7[%mul3A_2, %dma_wait3A_20] : memref<10112x128xf32, #tpu.memory_space<hbm>> -> memref<632x128xf32, #tpu.memory_space<hbm>>
      tpu.wait_dma2 semaphore(%run_scoped3A : memref<!tpu.dma_semaphore, #tpu.memory_space<semaphore_mem>>) src(%dma_wait3A_21 : memref<632x128xf32, #tpu.memory_space<hbm>>) dst(%dma_wait3A_19 : memref<632x128xf32, #tpu.memory_space<vmem_shared>>)
      tpu.yield
    }) : () -> ()
    "tpu.region"() ({
      %run_scoped3A = tpu.sem_alloc : memref<!tpu.dma_semaphore, #tpu.memory_space<semaphore_mem>>
      %dma_start3A = arith.constant 0 : i32
      %dma_start3A_16 = arith.constant 0 : i32
      %dma_start3A_17 = tpu.memref_slice %arg6[%add3A, %dma_start3A, %dma_start3A_16] : memref<32x81x128xi32, #tpu.memory_space<hbm>> -> memref<1x81x128xi32, #tpu.memory_space<hbm>>
      %dma_start3A_18 = tpu.memref_squeeze %dma_start3A_17 : memref<1x81x128xi32, #tpu.memory_space<hbm>> -> memref<81x128xi32, #tpu.memory_space<hbm>>
      %dma_start3A_19 = arith.constant 0 : i32
      %dma_start3A_20 = arith.constant 0 : i32
      %dma_start3A_21 = tpu.memref_slice %arg6[%add3A, %dma_start3A_19, %dma_start3A_20] : memref<32x81x128xi32, #tpu.memory_space<hbm>> -> memref<1x81x128xi32, #tpu.memory_space<hbm>>
      %dma_start3A_22 = tpu.memref_squeeze %dma_start3A_21 : memref<1x81x128xi32, #tpu.memory_space<hbm>> -> memref<81x128xi32, #tpu.memory_space<hbm>>
      tpu.enqueue_dma source(%dma_start3A_22 : memref<81x128xi32, #tpu.memory_space<hbm>>) target(%arg12 : memref<81x128xi32, #tpu.memory_space<vmem>>) target_semaphore(%run_scoped3A : memref<!tpu.dma_semaphore, #tpu.memory_space<semaphore_mem>>)
      %dma_wait3A = arith.constant 0 : i32
      %dma_wait3A_23 = arith.constant 0 : i32
      %dma_wait3A_24 = tpu.memref_slice %arg6[%add3A, %dma_wait3A, %dma_wait3A_23] : memref<32x81x128xi32, #tpu.memory_space<hbm>> -> memref<1x81x128xi32, #tpu.memory_space<hbm>>
      %dma_wait3A_25 = tpu.memref_squeeze %dma_wait3A_24 : memref<1x81x128xi32, #tpu.memory_space<hbm>> -> memref<81x128xi32, #tpu.memory_space<hbm>>
      %dma_wait3A_26 = arith.constant 0 : i32
      %dma_wait3A_27 = arith.constant 0 : i32
      %dma_wait3A_28 = tpu.memref_slice %arg6[%add3A, %dma_wait3A_26, %dma_wait3A_27] : memref<32x81x128xi32, #tpu.memory_space<hbm>> -> memref<1x81x128xi32, #tpu.memory_space<hbm>>
      %dma_wait3A_29 = tpu.memref_squeeze %dma_wait3A_28 : memref<1x81x128xi32, #tpu.memory_space<hbm>> -> memref<81x128xi32, #tpu.memory_space<hbm>>
      tpu.wait_dma2 semaphore(%run_scoped3A : memref<!tpu.dma_semaphore, #tpu.memory_space<semaphore_mem>>) src(%dma_wait3A_29 : memref<81x128xi32, #tpu.memory_space<hbm>>) dst(%arg12 : memref<81x128xi32, #tpu.memory_space<vmem>>)
      tpu.yield
    }) : () -> ()
    %barrier3A = arith.constant 0 : index
    tpu.barrier barrier_id(%barrier3A)
    %scan3A = arith.constant 0 : i32
    %scan3A_5 = arith.constant 0 : i32
    %scan3A_6 = arith.constant 81 : i32
    %scan3A_7 = arith.addi %scan3A_5, %scan3A_6 : i32
    %scan3A_8 = arith.constant 1 : i32
    %scan3A_9 = scf.for %scan3A_16 = %scan3A_5 to %scan3A_7 step %scan3A_8 iter_args(%scan3A_17 = %scan3A) -> (i32)  : i32 {
      %mul3A_18 = arith.constant 128 : i32
      %mul3A_19 = arith.muli %scan3A_16, %mul3A_18 : i32
      "tpu.region"() ({
        %run_scoped3A = tpu.sem_alloc : memref<!tpu.dma_semaphore, #tpu.memory_space<semaphore_mem>>
        %dma_start3A = tpu.memref_slice %arg4[%add3A, %mul3A_19] : memref<32x10368xi32, #tpu.memory_space<hbm>> -> memref<1x128xi32, #tpu.memory_space<hbm>>
        %dma_start3A_30 = tpu.memref_squeeze %dma_start3A : memref<1x128xi32, #tpu.memory_space<hbm>> -> memref<128xi32, #tpu.memory_space<hbm>>
        %dma_start3A_31 = tpu.memref_slice %arg4[%add3A, %mul3A_19] : memref<32x10368xi32, #tpu.memory_space<hbm>> -> memref<1x128xi32, #tpu.memory_space<hbm>>
        %dma_start3A_32 = tpu.memref_squeeze %dma_start3A_31 : memref<1x128xi32, #tpu.memory_space<hbm>> -> memref<128xi32, #tpu.memory_space<hbm>>
        tpu.enqueue_dma source(%dma_start3A_32 : memref<128xi32, #tpu.memory_space<hbm>>) target(%arg10 : memref<128xi32, #tpu.memory_space<vmem>>) target_semaphore(%run_scoped3A : memref<!tpu.dma_semaphore, #tpu.memory_space<semaphore_mem>>)
        %dma_wait3A = tpu.memref_slice %arg4[%add3A, %mul3A_19] : memref<32x10368xi32, #tpu.memory_space<hbm>> -> memref<1x128xi32, #tpu.memory_space<hbm>>
        %dma_wait3A_33 = tpu.memref_squeeze %dma_wait3A : memref<1x128xi32, #tpu.memory_space<hbm>> -> memref<128xi32, #tpu.memory_space<hbm>>
        %dma_wait3A_34 = tpu.memref_slice %arg4[%add3A, %mul3A_19] : memref<32x10368xi32, #tpu.memory_space<hbm>> -> memref<1x128xi32, #tpu.memory_space<hbm>>
        %dma_wait3A_35 = tpu.memref_squeeze %dma_wait3A_34 : memref<1x128xi32, #tpu.memory_space<hbm>> -> memref<128xi32, #tpu.memory_space<hbm>>
        tpu.wait_dma2 semaphore(%run_scoped3A : memref<!tpu.dma_semaphore, #tpu.memory_space<semaphore_mem>>) src(%dma_wait3A_35 : memref<128xi32, #tpu.memory_space<hbm>>) dst(%arg10 : memref<128xi32, #tpu.memory_space<vmem>>)
        tpu.yield
      }) : () -> ()
      %mul3A_20 = arith.constant 128 : i32
      %mul3A_21 = arith.muli %scan3A_16, %mul3A_20 : i32
      "tpu.region"() ({
        %run_scoped3A = tpu.sem_alloc : memref<!tpu.dma_semaphore, #tpu.memory_space<semaphore_mem>>
        %dma_start3A = tpu.memref_slice %arg5[%add3A, %mul3A_21] : memref<32x10368xi32, #tpu.memory_space<hbm>> -> memref<1x128xi32, #tpu.memory_space<hbm>>
        %dma_start3A_30 = tpu.memref_squeeze %dma_start3A : memref<1x128xi32, #tpu.memory_space<hbm>> -> memref<128xi32, #tpu.memory_space<hbm>>
        %dma_start3A_31 = tpu.memref_slice %arg5[%add3A, %mul3A_21] : memref<32x10368xi32, #tpu.memory_space<hbm>> -> memref<1x128xi32, #tpu.memory_space<hbm>>
        %dma_start3A_32 = tpu.memref_squeeze %dma_start3A_31 : memref<1x128xi32, #tpu.memory_space<hbm>> -> memref<128xi32, #tpu.memory_space<hbm>>
        tpu.enqueue_dma source(%dma_start3A_32 : memref<128xi32, #tpu.memory_space<hbm>>) target(%arg11 : memref<128xi32, #tpu.memory_space<vmem>>) target_semaphore(%run_scoped3A : memref<!tpu.dma_semaphore, #tpu.memory_space<semaphore_mem>>)
        %dma_wait3A = tpu.memref_slice %arg5[%add3A, %mul3A_21] : memref<32x10368xi32, #tpu.memory_space<hbm>> -> memref<1x128xi32, #tpu.memory_space<hbm>>
        %dma_wait3A_33 = tpu.memref_squeeze %dma_wait3A : memref<1x128xi32, #tpu.memory_space<hbm>> -> memref<128xi32, #tpu.memory_space<hbm>>
        %dma_wait3A_34 = tpu.memref_slice %arg5[%add3A, %mul3A_21] : memref<32x10368xi32, #tpu.memory_space<hbm>> -> memref<1x128xi32, #tpu.memory_space<hbm>>
        %dma_wait3A_35 = tpu.memref_squeeze %dma_wait3A_34 : memref<1x128xi32, #tpu.memory_space<hbm>> -> memref<128xi32, #tpu.memory_space<hbm>>
        tpu.wait_dma2 semaphore(%run_scoped3A : memref<!tpu.dma_semaphore, #tpu.memory_space<semaphore_mem>>) src(%dma_wait3A_35 : memref<128xi32, #tpu.memory_space<hbm>>) dst(%arg11 : memref<128xi32, #tpu.memory_space<vmem>>)
        tpu.yield
      }) : () -> ()
      "tpu.region"() ({
        %run_scoped3A = tpu.sem_alloc : memref<!tpu.dma_semaphore, #tpu.memory_space<semaphore_mem>>
        %dma_start3A = arith.constant 0 : i32
        %dma_start3A_30 = arith.constant 0 : i32
        %dma_start3A_31 = tpu.memref_slice %arg2[%dma_start3A, %dma_start3A_30] : memref<10000x128xf32, #tpu.memory_space<hbm>> -> memref<10000x128xf32, #tpu.memory_space<hbm>>
        tpu.enqueue_indirect_dma source(%dma_start3A_31 : memref<10000x128xf32, #tpu.memory_space<hbm>>) target(%arg13 : memref<128x128xf32, #tpu.memory_space<vmem>>) offsets(%arg10 : memref<128xi32, #tpu.memory_space<vmem>>) semaphore(%run_scoped3A : memref<!tpu.dma_semaphore, #tpu.memory_space<semaphore_mem>>)
        %dma_wait3A = arith.constant 0 : i32
        %dma_wait3A_32 = arith.constant 0 : i32
        %dma_wait3A_33 = tpu.memref_slice %arg2[%dma_wait3A, %dma_wait3A_32] : memref<10000x128xf32, #tpu.memory_space<hbm>> -> memref<10000x128xf32, #tpu.memory_space<hbm>>
        tpu.wait_indirect_dma semaphore(%run_scoped3A : memref<!tpu.dma_semaphore, #tpu.memory_space<semaphore_mem>>) src(%dma_wait3A_33 : memref<10000x128xf32, #tpu.memory_space<hbm>>) dst(%arg13 : memref<128x128xf32, #tpu.memory_space<vmem>>)
        tpu.yield
      }) : () -> ()
      "tpu.region"() ({
        %run_scoped3A = tpu.sem_alloc : memref<!tpu.dma_semaphore, #tpu.memory_space<semaphore_mem>>
        %dma_start3A = arith.constant 0 : i32
        %dma_start3A_30 = arith.constant 0 : i32
        %dma_start3A_31 = tpu.memref_slice %arg3[%dma_start3A, %dma_start3A_30] : memref<32x128xf32, #tpu.memory_space<hbm>> -> memref<32x128xf32, #tpu.memory_space<hbm>>
        tpu.enqueue_indirect_dma source(%dma_start3A_31 : memref<32x128xf32, #tpu.memory_space<hbm>>) target(%arg14 : memref<128x128xf32, #tpu.memory_space<vmem>>) offsets(%arg11 : memref<128xi32, #tpu.memory_space<vmem>>) semaphore(%run_scoped3A : memref<!tpu.dma_semaphore, #tpu.memory_space<semaphore_mem>>)
        %dma_wait3A = arith.constant 0 : i32
        %dma_wait3A_32 = arith.constant 0 : i32
        %dma_wait3A_33 = tpu.memref_slice %arg3[%dma_wait3A, %dma_wait3A_32] : memref<32x128xf32, #tpu.memory_space<hbm>> -> memref<32x128xf32, #tpu.memory_space<hbm>>
        tpu.wait_indirect_dma semaphore(%run_scoped3A : memref<!tpu.dma_semaphore, #tpu.memory_space<semaphore_mem>>) src(%dma_wait3A_33 : memref<32x128xf32, #tpu.memory_space<hbm>>) dst(%arg14 : memref<128x128xf32, #tpu.memory_space<vmem>>)
        tpu.yield
      }) : () -> ()
      %scan3A_22 = arith.constant 0 : i32
      %scan3A_23 = arith.constant 0 : i32
      %scan3A_24 = arith.constant 128 : i32
      %scan3A_25 = arith.addi %scan3A_23, %scan3A_24 : i32
      %scan3A_26 = arith.constant 1 : i32
      %scan3A_27 = scf.for %scan3A_30 = %scan3A_23 to %scan3A_25 step %scan3A_26 iter_args(%scan3A_31 = %scan3A_22) -> (i32)  : i32 {
        %get3A = arith.index_cast %scan3A_30 : i32 to index
        %get3A_32 = arith.constant 0 : index
        %get3A_33 = tpu.vector_load %arg13[%get3A, %get3A_32] {strides = array<i32>} : memref<128x128xf32, #tpu.memory_space<vmem>>, vector<1x16xf32>,
        %get3A_34 = vector.shape_cast %get3A_33 : vector<1x16xf32> to vector<16xf32>
        %get3A_35 = arith.index_cast %scan3A_30 : i32 to index
        %get3A_36 = arith.constant 0 : index
        %get3A_37 = tpu.vector_load %arg14[%get3A_35, %get3A_36] {strides = array<i32>} : memref<128x128xf32, #tpu.memory_space<vmem>>, vector<1x16xf32>,
        %get3A_38 = vector.shape_cast %get3A_37 : vector<1x16xf32> to vector<16xf32>
        %add3A_39 = arith.addf %get3A_34, %get3A_38 : vector<16xf32>
        %swap3A = arith.index_cast %scan3A_30 : i32 to index
        %swap3A_40 = arith.constant 0 : index
        %swap3A_41 = tpu.vector_load %arg13[%swap3A, %swap3A_40] {strides = array<i32>} : memref<128x128xf32, #tpu.memory_space<vmem>>, vector<1x16xf32>,
        %swap3A_42 = vector.shape_cast %swap3A_41 : vector<1x16xf32> to vector<16xf32>
        %swap3A_43 = vector.shape_cast %add3A_39 : vector<16xf32> to vector<1x16xf32>
        tpu.vector_store %arg13[%swap3A, %swap3A_40], %swap3A_43 {strides = array<i32>} : memref<128x128xf32, #tpu.memory_space<vmem>>, vector<1x16xf32>,
        %get3A_44 = arith.index_cast %scan3A_30 : i32 to index
        %get3A_45 = arith.constant 16 : index
        %get3A_46 = tpu.vector_load %arg13[%get3A_44, %get3A_45] {strides = array<i32>} : memref<128x128xf32, #tpu.memory_space<vmem>>, vector<1x16xf32>,
        %get3A_47 = vector.shape_cast %get3A_46 : vector<1x16xf32> to vector<16xf32>
        %get3A_48 = arith.index_cast %scan3A_30 : i32 to index
        %get3A_49 = arith.constant 16 : index
        %get3A_50 = tpu.vector_load %arg14[%get3A_48, %get3A_49] {strides = array<i32>} : memref<128x128xf32, #tpu.memory_space<vmem>>, vector<1x16xf32>,
        %get3A_51 = vector.shape_cast %get3A_50 : vector<1x16xf32> to vector<16xf32>
        %add3A_52 = arith.addf %get3A_47, %get3A_51 : vector<16xf32>
        %swap3A_53 = arith.index_cast %scan3A_30 : i32 to index
        %swap3A_54 = arith.constant 16 : index
        %swap3A_55 = tpu.vector_load %arg13[%swap3A_53, %swap3A_54] {strides = array<i32>} : memref<128x128xf32, #tpu.memory_space<vmem>>, vector<1x16xf32>,
        %swap3A_56 = vector.shape_cast %swap3A_55 : vector<1x16xf32> to vector<16xf32>
        %swap3A_57 = vector.shape_cast %add3A_52 : vector<16xf32> to vector<1x16xf32>
        tpu.vector_store %arg13[%swap3A_53, %swap3A_54], %swap3A_57 {strides = array<i32>} : memref<128x128xf32, #tpu.memory_space<vmem>>, vector<1x16xf32>,
        %get3A_58 = arith.index_cast %scan3A_30 : i32 to index
        %get3A_59 = arith.constant 32 : index
        %get3A_60 = tpu.vector_load %arg13[%get3A_58, %get3A_59] {strides = array<i32>} : memref<128x128xf32, #tpu.memory_space<vmem>>, vector<1x16xf32>,
        %get3A_61 = vector.shape_cast %get3A_60 : vector<1x16xf32> to vector<16xf32>
        %get3A_62 = arith.index_cast %scan3A_30 : i32 to index
        %get3A_63 = arith.constant 32 : index
        %get3A_64 = tpu.vector_load %arg14[%get3A_62, %get3A_63] {strides = array<i32>} : memref<128x128xf32, #tpu.memory_space<vmem>>, vector<1x16xf32>,
        %get3A_65 = vector.shape_cast %get3A_64 : vector<1x16xf32> to vector<16xf32>
        %add3A_66 = arith.addf %get3A_61, %get3A_65 : vector<16xf32>
        %swap3A_67 = arith.index_cast %scan3A_30 : i32 to index
        %swap3A_68 = arith.constant 32 : index
        %swap3A_69 = tpu.vector_load %arg13[%swap3A_67, %swap3A_68] {strides = array<i32>} : memref<128x128xf32, #tpu.memory_space<vmem>>, vector<1x16xf32>,
        %swap3A_70 = vector.shape_cast %swap3A_69 : vector<1x16xf32> to vector<16xf32>
        %swap3A_71 = vector.shape_cast %add3A_66 : vector<16xf32> to vector<1x16xf32>
        tpu.vector_store %arg13[%swap3A_67, %swap3A_68], %swap3A_71 {strides = array<i32>} : memref<128x128xf32, #tpu.memory_space<vmem>>, vector<1x16xf32>,
        %get3A_72 = arith.index_cast %scan3A_30 : i32 to index
        %get3A_73 = arith.constant 48 : index
        %get3A_74 = tpu.vector_load %arg13[%get3A_72, %get3A_73] {strides = array<i32>} : memref<128x128xf32, #tpu.memory_space<vmem>>, vector<1x16xf32>,
        %get3A_75 = vector.shape_cast %get3A_74 : vector<1x16xf32> to vector<16xf32>
        %get3A_76 = arith.index_cast %scan3A_30 : i32 to index
        %get3A_77 = arith.constant 48 : index
        %get3A_78 = tpu.vector_load %arg14[%get3A_76, %get3A_77] {strides = array<i32>} : memref<128x128xf32, #tpu.memory_space<vmem>>, vector<1x16xf32>,
        %get3A_79 = vector.shape_cast %get3A_78 : vector<1x16xf32> to vector<16xf32>
        %add3A_80 = arith.addf %get3A_75, %get3A_79 : vector<16xf32>
        %swap3A_81 = arith.index_cast %scan3A_30 : i32 to index
        %swap3A_82 = arith.constant 48 : index
        %swap3A_83 = tpu.vector_load %arg13[%swap3A_81, %swap3A_82] {strides = array<i32>} : memref<128x128xf32, #tpu.memory_space<vmem>>, vector<1x16xf32>,
        %swap3A_84 = vector.shape_cast %swap3A_83 : vector<1x16xf32> to vector<16xf32>
        %swap3A_85 = vector.shape_cast %add3A_80 : vector<16xf32> to vector<1x16xf32>
        tpu.vector_store %arg13[%swap3A_81, %swap3A_82], %swap3A_85 {strides = array<i32>} : memref<128x128xf32, #tpu.memory_space<vmem>>, vector<1x16xf32>,
        %get3A_86 = arith.index_cast %scan3A_30 : i32 to index
        %get3A_87 = arith.constant 64 : index
        %get3A_88 = tpu.vector_load %arg13[%get3A_86, %get3A_87] {strides = array<i32>} : memref<128x128xf32, #tpu.memory_space<vmem>>, vector<1x16xf32>,
        %get3A_89 = vector.shape_cast %get3A_88 : vector<1x16xf32> to vector<16xf32>
        %get3A_90 = arith.index_cast %scan3A_30 : i32 to index
        %get3A_91 = arith.constant 64 : index
        %get3A_92 = tpu.vector_load %arg14[%get3A_90, %get3A_91] {strides = array<i32>} : memref<128x128xf32, #tpu.memory_space<vmem>>, vector<1x16xf32>,
        %get3A_93 = vector.shape_cast %get3A_92 : vector<1x16xf32> to vector<16xf32>
        %add3A_94 = arith.addf %get3A_89, %get3A_93 : vector<16xf32>
        %swap3A_95 = arith.index_cast %scan3A_30 : i32 to index
        %swap3A_96 = arith.constant 64 : index
        %swap3A_97 = tpu.vector_load %arg13[%swap3A_95, %swap3A_96] {strides = array<i32>} : memref<128x128xf32, #tpu.memory_space<vmem>>, vector<1x16xf32>,
        %swap3A_98 = vector.shape_cast %swap3A_97 : vector<1x16xf32> to vector<16xf32>
        %swap3A_99 = vector.shape_cast %add3A_94 : vector<16xf32> to vector<1x16xf32>
        tpu.vector_store %arg13[%swap3A_95, %swap3A_96], %swap3A_99 {strides = array<i32>} : memref<128x128xf32, #tpu.memory_space<vmem>>, vector<1x16xf32>,
        %get3A_100 = arith.index_cast %scan3A_30 : i32 to index
        %get3A_101 = arith.constant 80 : index
        %get3A_102 = tpu.vector_load %arg13[%get3A_100, %get3A_101] {strides = array<i32>} : memref<128x128xf32, #tpu.memory_space<vmem>>, vector<1x16xf32>,
        %get3A_103 = vector.shape_cast %get3A_102 : vector<1x16xf32> to vector<16xf32>
        %get3A_104 = arith.index_cast %scan3A_30 : i32 to index
        %get3A_105 = arith.constant 80 : index
        %get3A_106 = tpu.vector_load %arg14[%get3A_104, %get3A_105] {strides = array<i32>} : memref<128x128xf32, #tpu.memory_space<vmem>>, vector<1x16xf32>,
        %get3A_107 = vector.shape_cast %get3A_106 : vector<1x16xf32> to vector<16xf32>
        %add3A_108 = arith.addf %get3A_103, %get3A_107 : vector<16xf32>
        %swap3A_109 = arith.index_cast %scan3A_30 : i32 to index
        %swap3A_110 = arith.constant 80 : index
        %swap3A_111 = tpu.vector_load %arg13[%swap3A_109, %swap3A_110] {strides = array<i32>} : memref<128x128xf32, #tpu.memory_space<vmem>>, vector<1x16xf32>,
        %swap3A_112 = vector.shape_cast %swap3A_111 : vector<1x16xf32> to vector<16xf32>
        %swap3A_113 = vector.shape_cast %add3A_108 : vector<16xf32> to vector<1x16xf32>
        tpu.vector_store %arg13[%swap3A_109, %swap3A_110], %swap3A_113 {strides = array<i32>} : memref<128x128xf32, #tpu.memory_space<vmem>>, vector<1x16xf32>,
        %get3A_114 = arith.index_cast %scan3A_30 : i32 to index
        %get3A_115 = arith.constant 96 : index
        %get3A_116 = tpu.vector_load %arg13[%get3A_114, %get3A_115] {strides = array<i32>} : memref<128x128xf32, #tpu.memory_space<vmem>>, vector<1x16xf32>,
        %get3A_117 = vector.shape_cast %get3A_116 : vector<1x16xf32> to vector<16xf32>
        %get3A_118 = arith.index_cast %scan3A_30 : i32 to index
        %get3A_119 = arith.constant 96 : index
        %get3A_120 = tpu.vector_load %arg14[%get3A_118, %get3A_119] {strides = array<i32>} : memref<128x128xf32, #tpu.memory_space<vmem>>, vector<1x16xf32>,
        %get3A_121 = vector.shape_cast %get3A_120 : vector<1x16xf32> to vector<16xf32>
        %add3A_122 = arith.addf %get3A_117, %get3A_121 : vector<16xf32>
        %swap3A_123 = arith.index_cast %scan3A_30 : i32 to index
        %swap3A_124 = arith.constant 96 : index
        %swap3A_125 = tpu.vector_load %arg13[%swap3A_123, %swap3A_124] {strides = array<i32>} : memref<128x128xf32, #tpu.memory_space<vmem>>, vector<1x16xf32>,
        %swap3A_126 = vector.shape_cast %swap3A_125 : vector<1x16xf32> to vector<16xf32>
        %swap3A_127 = vector.shape_cast %add3A_122 : vector<16xf32> to vector<1x16xf32>
        tpu.vector_store %arg13[%swap3A_123, %swap3A_124], %swap3A_127 {strides = array<i32>} : memref<128x128xf32, #tpu.memory_space<vmem>>, vector<1x16xf32>,
        %get3A_128 = arith.index_cast %scan3A_30 : i32 to index
        %get3A_129 = arith.constant 112 : index
        %get3A_130 = tpu.vector_load %arg13[%get3A_128, %get3A_129] {strides = array<i32>} : memref<128x128xf32, #tpu.memory_space<vmem>>, vector<1x16xf32>,
        %get3A_131 = vector.shape_cast %get3A_130 : vector<1x16xf32> to vector<16xf32>
        %get3A_132 = arith.index_cast %scan3A_30 : i32 to index
        %get3A_133 = arith.constant 112 : index
        %get3A_134 = tpu.vector_load %arg14[%get3A_132, %get3A_133] {strides = array<i32>} : memref<128x128xf32, #tpu.memory_space<vmem>>, vector<1x16xf32>,
        %get3A_135 = vector.shape_cast %get3A_134 : vector<1x16xf32> to vector<16xf32>
        %add3A_136 = arith.addf %get3A_131, %get3A_135 : vector<16xf32>
        %swap3A_137 = arith.index_cast %scan3A_30 : i32 to index
        %swap3A_138 = arith.constant 112 : index
        %swap3A_139 = tpu.vector_load %arg13[%swap3A_137, %swap3A_138] {strides = array<i32>} : memref<128x128xf32, #tpu.memory_space<vmem>>, vector<1x16xf32>,
        %swap3A_140 = vector.shape_cast %swap3A_139 : vector<1x16xf32> to vector<16xf32>
        %swap3A_141 = vector.shape_cast %add3A_136 : vector<16xf32> to vector<1x16xf32>
        tpu.vector_store %arg13[%swap3A_137, %swap3A_138], %swap3A_141 {strides = array<i32>} : memref<128x128xf32, #tpu.memory_space<vmem>>, vector<1x16xf32>,
        %scan3A_142 = arith.constant 0 : i32
        scf.yield %scan3A_142 : i32
      }
      %scan3A_28 = arith.constant 128 : i32
      "tpu.region"() ({
        %run_scoped3A = tpu.sem_alloc : memref<!tpu.dma_semaphore, #tpu.memory_space<semaphore_mem>>
        %dma_start3A = arith.constant 0 : i32
        %dma_start3A_30 = tpu.memref_slice %arg12[%scan3A_16, %dma_start3A] : memref<81x128xi32, #tpu.memory_space<vmem>> -> memref<1x128xi32, #tpu.memory_space<vmem>>
        %dma_start3A_31 = tpu.memref_squeeze %dma_start3A_30 : memref<1x128xi32, #tpu.memory_space<vmem>> -> memref<128xi32, #tpu.memory_space<vmem>>
        %dma_start3A_32 = arith.constant 0 : i32
        %dma_start3A_33 = arith.constant 0 : i32
        %dma_start3A_34 = tpu.memref_slice %arg9[%dma_start3A_32, %dma_start3A_33] : memref<10112x128xf32, #tpu.memory_space<vmem_shared>> -> memref<10112x128xf32, #tpu.memory_space<vmem_shared>>
        tpu.enqueue_indirect_dma source(%arg13 : memref<128x128xf32, #tpu.memory_space<vmem>>) target(%dma_start3A_34 : memref<10112x128xf32, #tpu.memory_space<vmem_shared>>) offsets(%dma_start3A_31 : memref<128xi32, #tpu.memory_space<vmem>>) semaphore(%run_scoped3A : memref<!tpu.dma_semaphore, #tpu.memory_space<semaphore_mem>>) {add = true}
        %dma_wait3A = arith.constant 0 : i32
        %dma_wait3A_35 = tpu.memref_slice %arg12[%scan3A_16, %dma_wait3A] : memref<81x128xi32, #tpu.memory_space<vmem>> -> memref<1x128xi32, #tpu.memory_space<vmem>>
        %dma_wait3A_36 = tpu.memref_squeeze %dma_wait3A_35 : memref<1x128xi32, #tpu.memory_space<vmem>> -> memref<128xi32, #tpu.memory_space<vmem>>
        %dma_wait3A_37 = arith.constant 0 : i32
        %dma_wait3A_38 = arith.constant 0 : i32
        %dma_wait3A_39 = tpu.memref_slice %arg9[%dma_wait3A_37, %dma_wait3A_38] : memref<10112x128xf32, #tpu.memory_space<vmem_shared>> -> memref<10112x128xf32, #tpu.memory_space<vmem_shared>>
        tpu.wait_indirect_dma semaphore(%run_scoped3A : memref<!tpu.dma_semaphore, #tpu.memory_space<semaphore_mem>>) src(%arg13 : memref<128x128xf32, #tpu.memory_space<vmem>>) dst(%dma_wait3A_39 : memref<10112x128xf32, #tpu.memory_space<vmem_shared>>)
        tpu.yield
      }) : () -> ()
      %scan3A_29 = arith.constant 0 : i32
      scf.yield %scan3A_29 : i32
    }
    %scan3A_10 = arith.constant 81 : i32
    %barrier3A_11 = arith.constant 0 : index
    tpu.barrier barrier_id(%barrier3A_11)
    %mul3A_12 = arith.constant 632 : i32
    %mul3A_13 = arith.muli %arg1, %mul3A_12 : i32
    %mul3A_14 = arith.constant 632 : i32
    %mul3A_15 = arith.muli %arg1, %mul3A_14 : i32
    "tpu.region"() ({
      %run_scoped3A = tpu.sem_alloc : memref<!tpu.dma_semaphore, #tpu.memory_space<semaphore_mem>>
      %dma_start3A = arith.constant 0 : i32
      %dma_start3A_16 = tpu.memref_slice %arg8[%arg0, %mul3A_15, %dma_start3A] : memref<2x10112x128xf32, #tpu.memory_space<hbm>> -> memref<1x632x128xf32, #tpu.memory_space<hbm>>
      %dma_start3A_17 = tpu.memref_squeeze %dma_start3A_16 : memref<1x632x128xf32, #tpu.memory_space<hbm>> -> memref<632x128xf32, #tpu.memory_space<hbm>>
      %dma_start3A_18 = arith.constant 0 : i32
      %dma_start3A_19 = tpu.memref_slice %arg9[%mul3A_13, %dma_start3A_18] : memref<10112x128xf32, #tpu.memory_space<vmem_shared>> -> memref<632x128xf32, #tpu.memory_space<vmem_shared>>
      tpu.enqueue_dma source(%dma_start3A_19 : memref<632x128xf32, #tpu.memory_space<vmem_shared>>) target(%dma_start3A_17 : memref<632x128xf32, #tpu.memory_space<hbm>>) target_semaphore(%run_scoped3A : memref<!tpu.dma_semaphore, #tpu.memory_space<semaphore_mem>>)
      %dma_wait3A = arith.constant 0 : i32
      %dma_wait3A_20 = tpu.memref_slice %arg8[%arg0, %mul3A_15, %dma_wait3A] : memref<2x10112x128xf32, #tpu.memory_space<hbm>> -> memref<1x632x128xf32, #tpu.memory_space<hbm>>
      %dma_wait3A_21 = tpu.memref_squeeze %dma_wait3A_20 : memref<1x632x128xf32, #tpu.memory_space<hbm>> -> memref<632x128xf32, #tpu.memory_space<hbm>>
      %dma_wait3A_22 = arith.constant 0 : i32
      %dma_wait3A_23 = tpu.memref_slice %arg9[%mul3A_13, %dma_wait3A_22] : memref<10112x128xf32, #tpu.memory_space<vmem_shared>> -> memref<632x128xf32, #tpu.memory_space<vmem_shared>>
      tpu.wait_dma2 semaphore(%run_scoped3A : memref<!tpu.dma_semaphore, #tpu.memory_space<semaphore_mem>>) src(%dma_wait3A_23 : memref<632x128xf32, #tpu.memory_space<vmem_shared>>) dst(%dma_wait3A_21 : memref<632x128xf32, #tpu.memory_space<hbm>>)
      tpu.yield
    }) : () -> ()
    return
  }
}

#map = affine_map<(d0, d1) -> (0, 0)>
#map1 = affine_map<(d0, d1) -> (0, 0, 0)>
module attributes {stable_mosaic.version = 14 : i64} {
  func.func @sc_gather_scatter(%arg0: i32, %arg1: i32, %arg2: memref<10000x128xf32, #tpu.memory_space<hbm>>, %arg3: memref<32x128xf32, #tpu.memory_space<hbm>>, %arg4: memref<32x10368xi32, #tpu.memory_space<hbm>>, %arg5: memref<32x10368xi32, #tpu.memory_space<hbm>>, %arg6: memref<32x81x128xi32, #tpu.memory_space<hbm>>, %arg7: memref<10112x128xf32, #tpu.memory_space<hbm>>, %arg8: memref<2x10112x128xf32, #tpu.memory_space<hbm>>, %arg9: memref<10112x128xf32, #tpu.memory_space<vmem_shared>>, %arg10: memref<128xi32, #tpu.memory_space<vmem>>, %arg11: memref<128xi32, #tpu.memory_space<vmem>>, %arg12: memref<81x128xi32, #tpu.memory_space<vmem>>, %arg13: memref<128x128xf32, #tpu.memory_space<vmem>>, %arg14: memref<128x128xf32, #tpu.memory_space<vmem>>) attributes {dimension_semantics = [#tpu.dimension_semantics<core_parallel>, #tpu.dimension_semantics<subcore_parallel>], iteration_bounds = array<i64: 2, 16>, scalar_prefetch = 0 : i64, scratch_operands = 6 : i64, tpu.core_type = #tpu.core_type<sc_vector_subcore>, window_params = [{transform_indices = #map}, {transform_indices = #map}, {transform_indices = #map}, {transform_indices = #map}, {transform_indices = #map1}, {transform_indices = #map}, {transform_indices = #map1}]} {
    %mul3A = arith.constant 2 : i32
    %mul3A_0 = arith.muli %arg1, %mul3A : i32
    %add3A = arith.addi %mul3A_0, %arg0 : i32
    %mul3A_1 = arith.constant 632 : i32
    %mul3A_2 = arith.muli %arg1, %mul3A_1 : i32
    %mul3A_3 = arith.constant 632 : i32
    %mul3A_4 = arith.muli %arg1, %mul3A_3 : i32
    "tpu.region"() ({
      %run_scoped3A = tpu.sem_alloc : memref<!tpu.dma_semaphore, #tpu.memory_space<semaphore_mem>>
      %dma_start3A = arith.constant 0 : i32
      %dma_start3A_16 = tpu.memref_slice %arg9[%mul3A_4, %dma_start3A] : memref<10112x128xf32, #tpu.memory_space<vmem_shared>> -> memref<632x128xf32, #tpu.memory_space<vmem_shared>>
      %dma_start3A_17 = arith.constant 0 : i32
      %dma_start3A_18 = tpu.memref_slice %arg7[%mul3A_2, %dma_start3A_17] : memref<10112x128xf32, #tpu.memory_space<hbm>> -> memref<632x128xf32, #tpu.memory_space<hbm>>
      tpu.enqueue_dma source(%dma_start3A_18 : memref<632x128xf32, #tpu.memory_space<hbm>>) target(%dma_start3A_16 : memref<632x128xf32, #tpu.memory_space<vmem_shared>>) target_semaphore(%run_scoped3A : memref<!tpu.dma_semaphore, #tpu.memory_space<semaphore_mem>>)
      %dma_wait3A = arith.constant 0 : i32
      %dma_wait3A_19 = tpu.memref_slice %arg9[%mul3A_4, %dma_wait3A] : memref<10112x128xf32, #tpu.memory_space<vmem_shared>> -> memref<632x128xf32, #tpu.memory_space<vmem_shared>>
      %dma_wait3A_20 = arith.constant 0 : i32
      %dma_wait3A_21 = tpu.memref_slice %arg7[%mul3A_2, %dma_wait3A_20] : memref<10112x128xf32, #tpu.memory_space<hbm>> -> memref<632x128xf32, #tpu.memory_space<hbm>>
      tpu.wait_dma2 semaphore(%run_scoped3A : memref<!tpu.dma_semaphore, #tpu.memory_space<semaphore_mem>>) src(%dma_wait3A_21 : memref<632x128xf32, #tpu.memory_space<hbm>>) dst(%dma_wait3A_19 : memref<632x128xf32, #tpu.memory_space<vmem_shared>>)
      tpu.yield
    }) : () -> ()
    "tpu.region"() ({
      %run_scoped3A = tpu.sem_alloc : memref<!tpu.dma_semaphore, #tpu.memory_space<semaphore_mem>>
      %dma_start3A = arith.constant 0 : i32
      %dma_start3A_16 = arith.constant 0 : i32
      %dma_start3A_17 = tpu.memref_slice %arg6[%add3A, %dma_start3A, %dma_start3A_16] : memref<32x81x128xi32, #tpu.memory_space<hbm>> -> memref<1x81x128xi32, #tpu.memory_space<hbm>>
      %dma_start3A_18 = tpu.memref_squeeze %dma_start3A_17 : memref<1x81x128xi32, #tpu.memory_space<hbm>> -> memref<81x128xi32, #tpu.memory_space<hbm>>
      %dma_start3A_19 = arith.constant 0 : i32
      %dma_start3A_20 = arith.constant 0 : i32
      %dma_start3A_21 = tpu.memref_slice %arg6[%add3A, %dma_start3A_19, %dma_start3A_20] : memref<32x81x128xi32, #tpu.memory_space<hbm>> -> memref<1x81x128xi32, #tpu.memory_space<hbm>>
      %dma_start3A_22 = tpu.memref_squeeze %dma_start3A_21 : memref<1x81x128xi32, #tpu.memory_space<hbm>> -> memref<81x128xi32, #tpu.memory_space<hbm>>
      tpu.enqueue_dma source(%dma_start3A_22 : memref<81x128xi32, #tpu.memory_space<hbm>>) target(%arg12 : memref<81x128xi32, #tpu.memory_space<vmem>>) target_semaphore(%run_scoped3A : memref<!tpu.dma_semaphore, #tpu.memory_space<semaphore_mem>>)
      %dma_wait3A = arith.constant 0 : i32
      %dma_wait3A_23 = arith.constant 0 : i32
      %dma_wait3A_24 = tpu.memref_slice %arg6[%add3A, %dma_wait3A, %dma_wait3A_23] : memref<32x81x128xi32, #tpu.memory_space<hbm>> -> memref<1x81x128xi32, #tpu.memory_space<hbm>>
      %dma_wait3A_25 = tpu.memref_squeeze %dma_wait3A_24 : memref<1x81x128xi32, #tpu.memory_space<hbm>> -> memref<81x128xi32, #tpu.memory_space<hbm>>
      %dma_wait3A_26 = arith.constant 0 : i32
      %dma_wait3A_27 = arith.constant 0 : i32
      %dma_wait3A_28 = tpu.memref_slice %arg6[%add3A, %dma_wait3A_26, %dma_wait3A_27] : memref<32x81x128xi32, #tpu.memory_space<hbm>> -> memref<1x81x128xi32, #tpu.memory_space<hbm>>
      %dma_wait3A_29 = tpu.memref_squeeze %dma_wait3A_28 : memref<1x81x128xi32, #tpu.memory_space<hbm>> -> memref<81x128xi32, #tpu.memory_space<hbm>>
      tpu.wait_dma2 semaphore(%run_scoped3A : memref<!tpu.dma_semaphore, #tpu.memory_space<semaphore_mem>>) src(%dma_wait3A_29 : memref<81x128xi32, #tpu.memory_space<hbm>>) dst(%arg12 : memref<81x128xi32, #tpu.memory_space<vmem>>)
      tpu.yield
    }) : () -> ()
    %barrier3A = arith.constant 0 : index
    tpu.barrier barrier_id(%barrier3A)
    %scan3A = arith.constant 0 : i32
    %scan3A_5 = arith.constant 0 : i32
    %scan3A_6 = arith.constant 81 : i32
    %scan3A_7 = arith.addi %scan3A_5, %scan3A_6 : i32
    %scan3A_8 = arith.constant 1 : i32
    %scan3A_9 = scf.for %scan3A_16 = %scan3A_5 to %scan3A_7 step %scan3A_8 iter_args(%scan3A_17 = %scan3A) -> (i32)  : i32 {
      %mul3A_18 = arith.constant 128 : i32
      %mul3A_19 = arith.muli %scan3A_16, %mul3A_18 : i32
      "tpu.region"() ({
        %run_scoped3A = tpu.sem_alloc : memref<!tpu.dma_semaphore, #tpu.memory_space<semaphore_mem>>
        %dma_start3A = tpu.memref_slice %arg4[%add3A, %mul3A_19] : memref<32x10368xi32, #tpu.memory_space<hbm>> -> memref<1x128xi32, #tpu.memory_space<hbm>>
        %dma_start3A_30 = tpu.memref_squeeze %dma_start3A : memref<1x128xi32, #tpu.memory_space<hbm>> -> memref<128xi32, #tpu.memory_space<hbm>>
        %dma_start3A_31 = tpu.memref_slice %arg4[%add3A, %mul3A_19] : memref<32x10368xi32, #tpu.memory_space<hbm>> -> memref<1x128xi32, #tpu.memory_space<hbm>>
        %dma_start3A_32 = tpu.memref_squeeze %dma_start3A_31 : memref<1x128xi32, #tpu.memory_space<hbm>> -> memref<128xi32, #tpu.memory_space<hbm>>
        tpu.enqueue_dma source(%dma_start3A_32 : memref<128xi32, #tpu.memory_space<hbm>>) target(%arg10 : memref<128xi32, #tpu.memory_space<vmem>>) target_semaphore(%run_scoped3A : memref<!tpu.dma_semaphore, #tpu.memory_space<semaphore_mem>>)
        %dma_wait3A = tpu.memref_slice %arg4[%add3A, %mul3A_19] : memref<32x10368xi32, #tpu.memory_space<hbm>> -> memref<1x128xi32, #tpu.memory_space<hbm>>
        %dma_wait3A_33 = tpu.memref_squeeze %dma_wait3A : memref<1x128xi32, #tpu.memory_space<hbm>> -> memref<128xi32, #tpu.memory_space<hbm>>
        %dma_wait3A_34 = tpu.memref_slice %arg4[%add3A, %mul3A_19] : memref<32x10368xi32, #tpu.memory_space<hbm>> -> memref<1x128xi32, #tpu.memory_space<hbm>>
        %dma_wait3A_35 = tpu.memref_squeeze %dma_wait3A_34 : memref<1x128xi32, #tpu.memory_space<hbm>> -> memref<128xi32, #tpu.memory_space<hbm>>
        tpu.wait_dma2 semaphore(%run_scoped3A : memref<!tpu.dma_semaphore, #tpu.memory_space<semaphore_mem>>) src(%dma_wait3A_35 : memref<128xi32, #tpu.memory_space<hbm>>) dst(%arg10 : memref<128xi32, #tpu.memory_space<vmem>>)
        tpu.yield
      }) : () -> ()
      %mul3A_20 = arith.constant 128 : i32
      %mul3A_21 = arith.muli %scan3A_16, %mul3A_20 : i32
      "tpu.region"() ({
        %run_scoped3A = tpu.sem_alloc : memref<!tpu.dma_semaphore, #tpu.memory_space<semaphore_mem>>
        %dma_start3A = tpu.memref_slice %arg5[%add3A, %mul3A_21] : memref<32x10368xi32, #tpu.memory_space<hbm>> -> memref<1x128xi32, #tpu.memory_space<hbm>>
        %dma_start3A_30 = tpu.memref_squeeze %dma_start3A : memref<1x128xi32, #tpu.memory_space<hbm>> -> memref<128xi32, #tpu.memory_space<hbm>>
        %dma_start3A_31 = tpu.memref_slice %arg5[%add3A, %mul3A_21] : memref<32x10368xi32, #tpu.memory_space<hbm>> -> memref<1x128xi32, #tpu.memory_space<hbm>>
        %dma_start3A_32 = tpu.memref_squeeze %dma_start3A_31 : memref<1x128xi32, #tpu.memory_space<hbm>> -> memref<128xi32, #tpu.memory_space<hbm>>
        tpu.enqueue_dma source(%dma_start3A_32 : memref<128xi32, #tpu.memory_space<hbm>>) target(%arg11 : memref<128xi32, #tpu.memory_space<vmem>>) target_semaphore(%run_scoped3A : memref<!tpu.dma_semaphore, #tpu.memory_space<semaphore_mem>>)
        %dma_wait3A = tpu.memref_slice %arg5[%add3A, %mul3A_21] : memref<32x10368xi32, #tpu.memory_space<hbm>> -> memref<1x128xi32, #tpu.memory_space<hbm>>
        %dma_wait3A_33 = tpu.memref_squeeze %dma_wait3A : memref<1x128xi32, #tpu.memory_space<hbm>> -> memref<128xi32, #tpu.memory_space<hbm>>
        %dma_wait3A_34 = tpu.memref_slice %arg5[%add3A, %mul3A_21] : memref<32x10368xi32, #tpu.memory_space<hbm>> -> memref<1x128xi32, #tpu.memory_space<hbm>>
        %dma_wait3A_35 = tpu.memref_squeeze %dma_wait3A_34 : memref<1x128xi32, #tpu.memory_space<hbm>> -> memref<128xi32, #tpu.memory_space<hbm>>
        tpu.wait_dma2 semaphore(%run_scoped3A : memref<!tpu.dma_semaphore, #tpu.memory_space<semaphore_mem>>) src(%dma_wait3A_35 : memref<128xi32, #tpu.memory_space<hbm>>) dst(%arg11 : memref<128xi32, #tpu.memory_space<vmem>>)
        tpu.yield
      }) : () -> ()
      "tpu.region"() ({
        %run_scoped3A = tpu.sem_alloc : memref<!tpu.dma_semaphore, #tpu.memory_space<semaphore_mem>>
        %dma_start3A = arith.constant 0 : i32
        %dma_start3A_30 = arith.constant 0 : i32
        %dma_start3A_31 = tpu.memref_slice %arg2[%dma_start3A, %dma_start3A_30] : memref<10000x128xf32, #tpu.memory_space<hbm>> -> memref<10000x128xf32, #tpu.memory_space<hbm>>
        tpu.enqueue_indirect_dma source(%dma_start3A_31 : memref<10000x128xf32, #tpu.memory_space<hbm>>) target(%arg13 : memref<128x128xf32, #tpu.memory_space<vmem>>) offsets(%arg10 : memref<128xi32, #tpu.memory_space<vmem>>) semaphore(%run_scoped3A : memref<!tpu.dma_semaphore, #tpu.memory_space<semaphore_mem>>)
        %dma_wait3A = arith.constant 0 : i32
        %dma_wait3A_32 = arith.constant 0 : i32
        %dma_wait3A_33 = tpu.memref_slice %arg2[%dma_wait3A, %dma_wait3A_32] : memref<10000x128xf32, #tpu.memory_space<hbm>> -> memref<10000x128xf32, #tpu.memory_space<hbm>>
        tpu.wait_indirect_dma semaphore(%run_scoped3A : memref<!tpu.dma_semaphore, #tpu.memory_space<semaphore_mem>>) src(%dma_wait3A_33 : memref<10000x128xf32, #tpu.memory_space<hbm>>) dst(%arg13 : memref<128x128xf32, #tpu.memory_space<vmem>>)
        tpu.yield
      }) : () -> ()
      "tpu.region"() ({
        %run_scoped3A = tpu.sem_alloc : memref<!tpu.dma_semaphore, #tpu.memory_space<semaphore_mem>>
        %dma_start3A = arith.constant 0 : i32
        %dma_start3A_30 = arith.constant 0 : i32
        %dma_start3A_31 = tpu.memref_slice %arg3[%dma_start3A, %dma_start3A_30] : memref<32x128xf32, #tpu.memory_space<hbm>> -> memref<32x128xf32, #tpu.memory_space<hbm>>
        tpu.enqueue_indirect_dma source(%dma_start3A_31 : memref<32x128xf32, #tpu.memory_space<hbm>>) target(%arg14 : memref<128x128xf32, #tpu.memory_space<vmem>>) offsets(%arg11 : memref<128xi32, #tpu.memory_space<vmem>>) semaphore(%run_scoped3A : memref<!tpu.dma_semaphore, #tpu.memory_space<semaphore_mem>>)
        %dma_wait3A = arith.constant 0 : i32
        %dma_wait3A_32 = arith.constant 0 : i32
        %dma_wait3A_33 = tpu.memref_slice %arg3[%dma_wait3A, %dma_wait3A_32] : memref<32x128xf32, #tpu.memory_space<hbm>> -> memref<32x128xf32, #tpu.memory_space<hbm>>
        tpu.wait_indirect_dma semaphore(%run_scoped3A : memref<!tpu.dma_semaphore, #tpu.memory_space<semaphore_mem>>) src(%dma_wait3A_33 : memref<32x128xf32, #tpu.memory_space<hbm>>) dst(%arg14 : memref<128x128xf32, #tpu.memory_space<vmem>>)
        tpu.yield
      }) : () -> ()
      %scan3A_22 = arith.constant 0 : i32
      %scan3A_23 = arith.constant 0 : i32
      %scan3A_24 = arith.constant 128 : i32
      %scan3A_25 = arith.addi %scan3A_23, %scan3A_24 : i32
      %scan3A_26 = arith.constant 1 : i32
      %scan3A_27 = scf.for %scan3A_30 = %scan3A_23 to %scan3A_25 step %scan3A_26 iter_args(%scan3A_31 = %scan3A_22) -> (i32)  : i32 {
        %get3A = arith.index_cast %scan3A_30 : i32 to index
        %get3A_32 = arith.constant 0 : index
        %get3A_33 = tpu.vector_load %arg13[%get3A, %get3A_32] {strides = array<i32>} : memref<128x128xf32, #tpu.memory_space<vmem>>, vector<1x16xf32>,
        %get3A_34 = vector.shape_cast %get3A_33 : vector<1x16xf32> to vector<16xf32>
        %get3A_35 = arith.index_cast %scan3A_30 : i32 to index
        %get3A_36 = arith.constant 0 : index
        %get3A_37 = tpu.vector_load %arg14[%get3A_35, %get3A_36] {strides = array<i32>} : memref<128x128xf32, #tpu.memory_space<vmem>>, vector<1x16xf32>,
        %get3A_38 = vector.shape_cast %get3A_37 : vector<1x16xf32> to vector<16xf32>
        %add3A_39 = arith.addf %get3A_34, %get3A_38 : vector<16xf32>
        %swap3A = arith.index_cast %scan3A_30 : i32 to index
        %swap3A_40 = arith.constant 0 : index
        %swap3A_41 = tpu.vector_load %arg13[%swap3A, %swap3A_40] {strides = array<i32>} : memref<128x128xf32, #tpu.memory_space<vmem>>, vector<1x16xf32>,
        %swap3A_42 = vector.shape_cast %swap3A_41 : vector<1x16xf32> to vector<16xf32>
        %swap3A_43 = vector.shape_cast %add3A_39 : vector<16xf32> to vector<1x16xf32>
        tpu.vector_store %arg13[%swap3A, %swap3A_40], %swap3A_43 {strides = array<i32>} : memref<128x128xf32, #tpu.memory_space<vmem>>, vector<1x16xf32>,
        %get3A_44 = arith.index_cast %scan3A_30 : i32 to index
        %get3A_45 = arith.constant 16 : index
        %get3A_46 = tpu.vector_load %arg13[%get3A_44, %get3A_45] {strides = array<i32>} : memref<128x128xf32, #tpu.memory_space<vmem>>, vector<1x16xf32>,
        %get3A_47 = vector.shape_cast %get3A_46 : vector<1x16xf32> to vector<16xf32>
        %get3A_48 = arith.index_cast %scan3A_30 : i32 to index
        %get3A_49 = arith.constant 16 : index
        %get3A_50 = tpu.vector_load %arg14[%get3A_48, %get3A_49] {strides = array<i32>} : memref<128x128xf32, #tpu.memory_space<vmem>>, vector<1x16xf32>,
        %get3A_51 = vector.shape_cast %get3A_50 : vector<1x16xf32> to vector<16xf32>
        %add3A_52 = arith.addf %get3A_47, %get3A_51 : vector<16xf32>
        %swap3A_53 = arith.index_cast %scan3A_30 : i32 to index
        %swap3A_54 = arith.constant 16 : index
        %swap3A_55 = tpu.vector_load %arg13[%swap3A_53, %swap3A_54] {strides = array<i32>} : memref<128x128xf32, #tpu.memory_space<vmem>>, vector<1x16xf32>,
        %swap3A_56 = vector.shape_cast %swap3A_55 : vector<1x16xf32> to vector<16xf32>
        %swap3A_57 = vector.shape_cast %add3A_52 : vector<16xf32> to vector<1x16xf32>
        tpu.vector_store %arg13[%swap3A_53, %swap3A_54], %swap3A_57 {strides = array<i32>} : memref<128x128xf32, #tpu.memory_space<vmem>>, vector<1x16xf32>,
        %get3A_58 = arith.index_cast %scan3A_30 : i32 to index
        %get3A_59 = arith.constant 32 : index
        %get3A_60 = tpu.vector_load %arg13[%get3A_58, %get3A_59] {strides = array<i32>} : memref<128x128xf32, #tpu.memory_space<vmem>>, vector<1x16xf32>,
        %get3A_61 = vector.shape_cast %get3A_60 : vector<1x16xf32> to vector<16xf32>
        %get3A_62 = arith.index_cast %scan3A_30 : i32 to index
        %get3A_63 = arith.constant 32 : index
        %get3A_64 = tpu.vector_load %arg14[%get3A_62, %get3A_63] {strides = array<i32>} : memref<128x128xf32, #tpu.memory_space<vmem>>, vector<1x16xf32>,
        %get3A_65 = vector.shape_cast %get3A_64 : vector<1x16xf32> to vector<16xf32>
        %add3A_66 = arith.addf %get3A_61, %get3A_65 : vector<16xf32>
        %swap3A_67 = arith.index_cast %scan3A_30 : i32 to index
        %swap3A_68 = arith.constant 32 : index
        %swap3A_69 = tpu.vector_load %arg13[%swap3A_67, %swap3A_68] {strides = array<i32>} : memref<128x128xf32, #tpu.memory_space<vmem>>, vector<1x16xf32>,
        %swap3A_70 = vector.shape_cast %swap3A_69 : vector<1x16xf32> to vector<16xf32>
        %swap3A_71 = vector.shape_cast %add3A_66 : vector<16xf32> to vector<1x16xf32>
        tpu.vector_store %arg13[%swap3A_67, %swap3A_68], %swap3A_71 {strides = array<i32>} : memref<128x128xf32, #tpu.memory_space<vmem>>, vector<1x16xf32>,
        %get3A_72 = arith.index_cast %scan3A_30 : i32 to index
        %get3A_73 = arith.constant 48 : index
        %get3A_74 = tpu.vector_load %arg13[%get3A_72, %get3A_73] {strides = array<i32>} : memref<128x128xf32, #tpu.memory_space<vmem>>, vector<1x16xf32>,
        %get3A_75 = vector.shape_cast %get3A_74 : vector<1x16xf32> to vector<16xf32>
        %get3A_76 = arith.index_cast %scan3A_30 : i32 to index
        %get3A_77 = arith.constant 48 : index
        %get3A_78 = tpu.vector_load %arg14[%get3A_76, %get3A_77] {strides = array<i32>} : memref<128x128xf32, #tpu.memory_space<vmem>>, vector<1x16xf32>,
        %get3A_79 = vector.shape_cast %get3A_78 : vector<1x16xf32> to vector<16xf32>
        %add3A_80 = arith.addf %get3A_75, %get3A_79 : vector<16xf32>
        %swap3A_81 = arith.index_cast %scan3A_30 : i32 to index
        %swap3A_82 = arith.constant 48 : index
        %swap3A_83 = tpu.vector_load %arg13[%swap3A_81, %swap3A_82] {strides = array<i32>} : memref<128x128xf32, #tpu.memory_space<vmem>>, vector<1x16xf32>,
        %swap3A_84 = vector.shape_cast %swap3A_83 : vector<1x16xf32> to vector<16xf32>
        %swap3A_85 = vector.shape_cast %add3A_80 : vector<16xf32> to vector<1x16xf32>
        tpu.vector_store %arg13[%swap3A_81, %swap3A_82], %swap3A_85 {strides = array<i32>} : memref<128x128xf32, #tpu.memory_space<vmem>>, vector<1x16xf32>,
        %get3A_86 = arith.index_cast %scan3A_30 : i32 to index
        %get3A_87 = arith.constant 64 : index
        %get3A_88 = tpu.vector_load %arg13[%get3A_86, %get3A_87] {strides = array<i32>} : memref<128x128xf32, #tpu.memory_space<vmem>>, vector<1x16xf32>,
        %get3A_89 = vector.shape_cast %get3A_88 : vector<1x16xf32> to vector<16xf32>
        %get3A_90 = arith.index_cast %scan3A_30 : i32 to index
        %get3A_91 = arith.constant 64 : index
        %get3A_92 = tpu.vector_load %arg14[%get3A_90, %get3A_91] {strides = array<i32>} : memref<128x128xf32, #tpu.memory_space<vmem>>, vector<1x16xf32>,
        %get3A_93 = vector.shape_cast %get3A_92 : vector<1x16xf32> to vector<16xf32>
        %add3A_94 = arith.addf %get3A_89, %get3A_93 : vector<16xf32>
        %swap3A_95 = arith.index_cast %scan3A_30 : i32 to index
        %swap3A_96 = arith.constant 64 : index
        %swap3A_97 = tpu.vector_load %arg13[%swap3A_95, %swap3A_96] {strides = array<i32>} : memref<128x128xf32, #tpu.memory_space<vmem>>, vector<1x16xf32>,
        %swap3A_98 = vector.shape_cast %swap3A_97 : vector<1x16xf32> to vector<16xf32>
        %swap3A_99 = vector.shape_cast %add3A_94 : vector<16xf32> to vector<1x16xf32>
        tpu.vector_store %arg13[%swap3A_95, %swap3A_96], %swap3A_99 {strides = array<i32>} : memref<128x128xf32, #tpu.memory_space<vmem>>, vector<1x16xf32>,
        %get3A_100 = arith.index_cast %scan3A_30 : i32 to index
        %get3A_101 = arith.constant 80 : index
        %get3A_102 = tpu.vector_load %arg13[%get3A_100, %get3A_101] {strides = array<i32>} : memref<128x128xf32, #tpu.memory_space<vmem>>, vector<1x16xf32>,
        %get3A_103 = vector.shape_cast %get3A_102 : vector<1x16xf32> to vector<16xf32>
        %get3A_104 = arith.index_cast %scan3A_30 : i32 to index
        %get3A_105 = arith.constant 80 : index
        %get3A_106 = tpu.vector_load %arg14[%get3A_104, %get3A_105] {strides = array<i32>} : memref<128x128xf32, #tpu.memory_space<vmem>>, vector<1x16xf32>,
        %get3A_107 = vector.shape_cast %get3A_106 : vector<1x16xf32> to vector<16xf32>
        %add3A_108 = arith.addf %get3A_103, %get3A_107 : vector<16xf32>
        %swap3A_109 = arith.index_cast %scan3A_30 : i32 to index
        %swap3A_110 = arith.constant 80 : index
        %swap3A_111 = tpu.vector_load %arg13[%swap3A_109, %swap3A_110] {strides = array<i32>} : memref<128x128xf32, #tpu.memory_space<vmem>>, vector<1x16xf32>,
        %swap3A_112 = vector.shape_cast %swap3A_111 : vector<1x16xf32> to vector<16xf32>
        %swap3A_113 = vector.shape_cast %add3A_108 : vector<16xf32> to vector<1x16xf32>
        tpu.vector_store %arg13[%swap3A_109, %swap3A_110], %swap3A_113 {strides = array<i32>} : memref<128x128xf32, #tpu.memory_space<vmem>>, vector<1x16xf32>,
        %get3A_114 = arith.index_cast %scan3A_30 : i32 to index
        %get3A_115 = arith.constant 96 : index
        %get3A_116 = tpu.vector_load %arg13[%get3A_114, %get3A_115] {strides = array<i32>} : memref<128x128xf32, #tpu.memory_space<vmem>>, vector<1x16xf32>,
        %get3A_117 = vector.shape_cast %get3A_116 : vector<1x16xf32> to vector<16xf32>
        %get3A_118 = arith.index_cast %scan3A_30 : i32 to index
        %get3A_119 = arith.constant 96 : index
        %get3A_120 = tpu.vector_load %arg14[%get3A_118, %get3A_119] {strides = array<i32>} : memref<128x128xf32, #tpu.memory_space<vmem>>, vector<1x16xf32>,
        %get3A_121 = vector.shape_cast %get3A_120 : vector<1x16xf32> to vector<16xf32>
        %add3A_122 = arith.addf %get3A_117, %get3A_121 : vector<16xf32>
        %swap3A_123 = arith.index_cast %scan3A_30 : i32 to index
        %swap3A_124 = arith.constant 96 : index
        %swap3A_125 = tpu.vector_load %arg13[%swap3A_123, %swap3A_124] {strides = array<i32>} : memref<128x128xf32, #tpu.memory_space<vmem>>, vector<1x16xf32>,
        %swap3A_126 = vector.shape_cast %swap3A_125 : vector<1x16xf32> to vector<16xf32>
        %swap3A_127 = vector.shape_cast %add3A_122 : vector<16xf32> to vector<1x16xf32>
        tpu.vector_store %arg13[%swap3A_123, %swap3A_124], %swap3A_127 {strides = array<i32>} : memref<128x128xf32, #tpu.memory_space<vmem>>, vector<1x16xf32>,
        %get3A_128 = arith.index_cast %scan3A_30 : i32 to index
        %get3A_129 = arith.constant 112 : index
        %get3A_130 = tpu.vector_load %arg13[%get3A_128, %get3A_129] {strides = array<i32>} : memref<128x128xf32, #tpu.memory_space<vmem>>, vector<1x16xf32>,
        %get3A_131 = vector.shape_cast %get3A_130 : vector<1x16xf32> to vector<16xf32>
        %get3A_132 = arith.index_cast %scan3A_30 : i32 to index
        %get3A_133 = arith.constant 112 : index
        %get3A_134 = tpu.vector_load %arg14[%get3A_132, %get3A_133] {strides = array<i32>} : memref<128x128xf32, #tpu.memory_space<vmem>>, vector<1x16xf32>,
        %get3A_135 = vector.shape_cast %get3A_134 : vector<1x16xf32> to vector<16xf32>
        %add3A_136 = arith.addf %get3A_131, %get3A_135 : vector<16xf32>
        %swap3A_137 = arith.index_cast %scan3A_30 : i32 to index
        %swap3A_138 = arith.constant 112 : index
        %swap3A_139 = tpu.vector_load %arg13[%swap3A_137, %swap3A_138] {strides = array<i32>} : memref<128x128xf32, #tpu.memory_space<vmem>>, vector<1x16xf32>,
        %swap3A_140 = vector.shape_cast %swap3A_139 : vector<1x16xf32> to vector<16xf32>
        %swap3A_141 = vector.shape_cast %add3A_136 : vector<16xf32> to vector<1x16xf32>
        tpu.vector_store %arg13[%swap3A_137, %swap3A_138], %swap3A_141 {strides = array<i32>} : memref<128x128xf32, #tpu.memory_space<vmem>>, vector<1x16xf32>,
        %scan3A_142 = arith.constant 0 : i32
        scf.yield %scan3A_142 : i32
      }
      %scan3A_28 = arith.constant 128 : i32
      "tpu.region"() ({
        %run_scoped3A = tpu.sem_alloc : memref<!tpu.dma_semaphore, #tpu.memory_space<semaphore_mem>>
        %dma_start3A = arith.constant 0 : i32
        %dma_start3A_30 = tpu.memref_slice %arg12[%scan3A_16, %dma_start3A] : memref<81x128xi32, #tpu.memory_space<vmem>> -> memref<1x128xi32, #tpu.memory_space<vmem>>
        %dma_start3A_31 = tpu.memref_squeeze %dma_start3A_30 : memref<1x128xi32, #tpu.memory_space<vmem>> -> memref<128xi32, #tpu.memory_space<vmem>>
        %dma_start3A_32 = arith.constant 0 : i32
        %dma_start3A_33 = arith.constant 0 : i32
        %dma_start3A_34 = tpu.memref_slice %arg9[%dma_start3A_32, %dma_start3A_33] : memref<10112x128xf32, #tpu.memory_space<vmem_shared>> -> memref<10112x128xf32, #tpu.memory_space<vmem_shared>>
        tpu.enqueue_indirect_dma source(%arg13 : memref<128x128xf32, #tpu.memory_space<vmem>>) target(%dma_start3A_34 : memref<10112x128xf32, #tpu.memory_space<vmem_shared>>) offsets(%dma_start3A_31 : memref<128xi32, #tpu.memory_space<vmem>>) semaphore(%run_scoped3A : memref<!tpu.dma_semaphore, #tpu.memory_space<semaphore_mem>>) {add = true}
        %dma_wait3A = arith.constant 0 : i32
        %dma_wait3A_35 = tpu.memref_slice %arg12[%scan3A_16, %dma_wait3A] : memref<81x128xi32, #tpu.memory_space<vmem>> -> memref<1x128xi32, #tpu.memory_space<vmem>>
        %dma_wait3A_36 = tpu.memref_squeeze %dma_wait3A_35 : memref<1x128xi32, #tpu.memory_space<vmem>> -> memref<128xi32, #tpu.memory_space<vmem>>
        %dma_wait3A_37 = arith.constant 0 : i32
        %dma_wait3A_38 = arith.constant 0 : i32
        %dma_wait3A_39 = tpu.memref_slice %arg9[%dma_wait3A_37, %dma_wait3A_38] : memref<10112x128xf32, #tpu.memory_space<vmem_shared>> -> memref<10112x128xf32, #tpu.memory_space<vmem_shared>>
        tpu.wait_indirect_dma semaphore(%run_scoped3A : memref<!tpu.dma_semaphore, #tpu.memory_space<semaphore_mem>>) src(%arg13 : memref<128x128xf32, #tpu.memory_space<vmem>>) dst(%dma_wait3A_39 : memref<10112x128xf32, #tpu.memory_space<vmem_shared>>)
        tpu.yield
      }) : () -> ()
      %scan3A_29 = arith.constant 0 : i32
      scf.yield %scan3A_29 : i32
    }
    %scan3A_10 = arith.constant 81 : i32
    %barrier3A_11 = arith.constant 0 : index
    tpu.barrier barrier_id(%barrier3A_11)
    %mul3A_12 = arith.constant 632 : i32
    %mul3A_13 = arith.muli %arg1, %mul3A_12 : i32
    %mul3A_14 = arith.constant 632 : i32
    %mul3A_15 = arith.muli %arg1, %mul3A_14 : i32
    "tpu.region"() ({
      %run_scoped3A = tpu.sem_alloc : memref<!tpu.dma_semaphore, #tpu.memory_space<semaphore_mem>>
      %dma_start3A = arith.constant 0 : i32
      %dma_start3A_16 = tpu.memref_slice %arg8[%arg0, %mul3A_15, %dma_start3A] : memref<2x10112x128xf32, #tpu.memory_space<hbm>> -> memref<1x632x128xf32, #tpu.memory_space<hbm>>
      %dma_start3A_17 = tpu.memref_squeeze %dma_start3A_16 : memref<1x632x128xf32, #tpu.memory_space<hbm>> -> memref<632x128xf32, #tpu.memory_space<hbm>>
      %dma_start3A_18 = arith.constant 0 : i32
      %dma_start3A_19 = tpu.memref_slice %arg9[%mul3A_13, %dma_start3A_18] : memref<10112x128xf32, #tpu.memory_space<vmem_shared>> -> memref<632x128xf32, #tpu.memory_space<vmem_shared>>
      tpu.enqueue_dma source(%dma_start3A_19 : memref<632x128xf32, #tpu.memory_space<vmem_shared>>) target(%dma_start3A_17 : memref<632x128xf32, #tpu.memory_space<hbm>>) target_semaphore(%run_scoped3A : memref<!tpu.dma_semaphore, #tpu.memory_space<semaphore_mem>>)
      %dma_wait3A = arith.constant 0 : i32
      %dma_wait3A_20 = tpu.memref_slice %arg8[%arg0, %mul3A_15, %dma_wait3A] : memref<2x10112x128xf32, #tpu.memory_space<hbm>> -> memref<1x632x128xf32, #tpu.memory_space<hbm>>
      %dma_wait3A_21 = tpu.memref_squeeze %dma_wait3A_20 : memref<1x632x128xf32, #tpu.memory_space<hbm>> -> memref<632x128xf32, #tpu.memory_space<hbm>>
      %dma_wait3A_22 = arith.constant 0 : i32
      %dma_wait3A_23 = tpu.memref_slice %arg9[%mul3A_13, %dma_wait3A_22] : memref<10112x128xf32, #tpu.memory_space<vmem_shared>> -> memref<632x128xf32, #tpu.memory_space<vmem_shared>>
      tpu.wait_dma2 semaphore(%run_scoped3A : memref<!tpu.dma_semaphore, #tpu.memory_space<semaphore_mem>>) src(%dma_wait3A_23 : memref<632x128xf32, #tpu.memory_space<vmem_shared>>) dst(%dma_wait3A_21 : memref<632x128xf32, #tpu.memory_space<hbm>>)
      tpu.yield
    }) : () -> ()
    return
  }
}

#map = affine_map<(d0, d1) -> (0, 0)>
#map1 = affine_map<(d0, d1) -> (0, 0, 0)>
module attributes {stable_mosaic.version = 14 : i64} {
  func.func @sc_gather_scatter(%arg0: i32, %arg1: i32, %arg2: memref<10000x128xf32, #tpu.memory_space<hbm>>, %arg3: memref<32x128xf32, #tpu.memory_space<hbm>>, %arg4: memref<32x10368xi32, #tpu.memory_space<hbm>>, %arg5: memref<32x10368xi32, #tpu.memory_space<hbm>>, %arg6: memref<32x81x128xi32, #tpu.memory_space<hbm>>, %arg7: memref<10112x128xf32, #tpu.memory_space<hbm>>, %arg8: memref<2x10112x128xf32, #tpu.memory_space<hbm>>, %arg9: memref<10112x128xf32, #tpu.memory_space<vmem_shared>>, %arg10: memref<128xi32, #tpu.memory_space<vmem>>, %arg11: memref<128xi32, #tpu.memory_space<vmem>>, %arg12: memref<81x128xi32, #tpu.memory_space<vmem>>, %arg13: memref<128x128xf32, #tpu.memory_space<vmem>>, %arg14: memref<128x128xf32, #tpu.memory_space<vmem>>) attributes {dimension_semantics = [#tpu.dimension_semantics<core_parallel>, #tpu.dimension_semantics<subcore_parallel>], iteration_bounds = array<i64: 2, 16>, scalar_prefetch = 0 : i64, scratch_operands = 6 : i64, tpu.core_type = #tpu.core_type<sc_vector_subcore>, window_params = [{transform_indices = #map}, {transform_indices = #map}, {transform_indices = #map}, {transform_indices = #map}, {transform_indices = #map1}, {transform_indices = #map}, {transform_indices = #map1}]} {
    %mul3A = arith.constant 2 : i32
    %mul3A_0 = arith.muli %arg1, %mul3A : i32
    %add3A = arith.addi %mul3A_0, %arg0 : i32
    %mul3A_1 = arith.constant 632 : i32
    %mul3A_2 = arith.muli %arg1, %mul3A_1 : i32
    %mul3A_3 = arith.constant 632 : i32
    %mul3A_4 = arith.muli %arg1, %mul3A_3 : i32
    "tpu.region"() ({
      %run_scoped3A = tpu.sem_alloc : memref<!tpu.dma_semaphore, #tpu.memory_space<semaphore_mem>>
      %dma_start3A = arith.constant 0 : i32
      %dma_start3A_16 = tpu.memref_slice %arg9[%mul3A_4, %dma_start3A] : memref<10112x128xf32, #tpu.memory_space<vmem_shared>> -> memref<632x128xf32, #tpu.memory_space<vmem_shared>>
      %dma_start3A_17 = arith.constant 0 : i32
      %dma_start3A_18 = tpu.memref_slice %arg7[%mul3A_2, %dma_start3A_17] : memref<10112x128xf32, #tpu.memory_space<hbm>> -> memref<632x128xf32, #tpu.memory_space<hbm>>
      tpu.enqueue_dma source(%dma_start3A_18 : memref<632x128xf32, #tpu.memory_space<hbm>>) target(%dma_start3A_16 : memref<632x128xf32, #tpu.memory_space<vmem_shared>>) target_semaphore(%run_scoped3A : memref<!tpu.dma_semaphore, #tpu.memory_space<semaphore_mem>>)
      %dma_wait3A = arith.constant 0 : i32
      %dma_wait3A_19 = tpu.memref_slice %arg9[%mul3A_4, %dma_wait3A] : memref<10112x128xf32, #tpu.memory_space<vmem_shared>> -> memref<632x128xf32, #tpu.memory_space<vmem_shared>>
      %dma_wait3A_20 = arith.constant 0 : i32
      %dma_wait3A_21 = tpu.memref_slice %arg7[%mul3A_2, %dma_wait3A_20] : memref<10112x128xf32, #tpu.memory_space<hbm>> -> memref<632x128xf32, #tpu.memory_space<hbm>>
      tpu.wait_dma2 semaphore(%run_scoped3A : memref<!tpu.dma_semaphore, #tpu.memory_space<semaphore_mem>>) src(%dma_wait3A_21 : memref<632x128xf32, #tpu.memory_space<hbm>>) dst(%dma_wait3A_19 : memref<632x128xf32, #tpu.memory_space<vmem_shared>>)
      tpu.yield
    }) : () -> ()
    "tpu.region"() ({
      %run_scoped3A = tpu.sem_alloc : memref<!tpu.dma_semaphore, #tpu.memory_space<semaphore_mem>>
      %dma_start3A = arith.constant 0 : i32
      %dma_start3A_16 = arith.constant 0 : i32
      %dma_start3A_17 = tpu.memref_slice %arg6[%add3A, %dma_start3A, %dma_start3A_16] : memref<32x81x128xi32, #tpu.memory_space<hbm>> -> memref<1x81x128xi32, #tpu.memory_space<hbm>>
      %dma_start3A_18 = tpu.memref_squeeze %dma_start3A_17 : memref<1x81x128xi32, #tpu.memory_space<hbm>> -> memref<81x128xi32, #tpu.memory_space<hbm>>
      %dma_start3A_19 = arith.constant 0 : i32
      %dma_start3A_20 = arith.constant 0 : i32
      %dma_start3A_21 = tpu.memref_slice %arg6[%add3A, %dma_start3A_19, %dma_start3A_20] : memref<32x81x128xi32, #tpu.memory_space<hbm>> -> memref<1x81x128xi32, #tpu.memory_space<hbm>>
      %dma_start3A_22 = tpu.memref_squeeze %dma_start3A_21 : memref<1x81x128xi32, #tpu.memory_space<hbm>> -> memref<81x128xi32, #tpu.memory_space<hbm>>
      tpu.enqueue_dma source(%dma_start3A_22 : memref<81x128xi32, #tpu.memory_space<hbm>>) target(%arg12 : memref<81x128xi32, #tpu.memory_space<vmem>>) target_semaphore(%run_scoped3A : memref<!tpu.dma_semaphore, #tpu.memory_space<semaphore_mem>>)
      %dma_wait3A = arith.constant 0 : i32
      %dma_wait3A_23 = arith.constant 0 : i32
      %dma_wait3A_24 = tpu.memref_slice %arg6[%add3A, %dma_wait3A, %dma_wait3A_23] : memref<32x81x128xi32, #tpu.memory_space<hbm>> -> memref<1x81x128xi32, #tpu.memory_space<hbm>>
      %dma_wait3A_25 = tpu.memref_squeeze %dma_wait3A_24 : memref<1x81x128xi32, #tpu.memory_space<hbm>> -> memref<81x128xi32, #tpu.memory_space<hbm>>
      %dma_wait3A_26 = arith.constant 0 : i32
      %dma_wait3A_27 = arith.constant 0 : i32
      %dma_wait3A_28 = tpu.memref_slice %arg6[%add3A, %dma_wait3A_26, %dma_wait3A_27] : memref<32x81x128xi32, #tpu.memory_space<hbm>> -> memref<1x81x128xi32, #tpu.memory_space<hbm>>
      %dma_wait3A_29 = tpu.memref_squeeze %dma_wait3A_28 : memref<1x81x128xi32, #tpu.memory_space<hbm>> -> memref<81x128xi32, #tpu.memory_space<hbm>>
      tpu.wait_dma2 semaphore(%run_scoped3A : memref<!tpu.dma_semaphore, #tpu.memory_space<semaphore_mem>>) src(%dma_wait3A_29 : memref<81x128xi32, #tpu.memory_space<hbm>>) dst(%arg12 : memref<81x128xi32, #tpu.memory_space<vmem>>)
      tpu.yield
    }) : () -> ()
    %barrier3A = arith.constant 0 : index
    tpu.barrier barrier_id(%barrier3A)
    %scan3A = arith.constant 0 : i32
    %scan3A_5 = arith.constant 0 : i32
    %scan3A_6 = arith.constant 81 : i32
    %scan3A_7 = arith.addi %scan3A_5, %scan3A_6 : i32
    %scan3A_8 = arith.constant 1 : i32
    %scan3A_9 = scf.for %scan3A_16 = %scan3A_5 to %scan3A_7 step %scan3A_8 iter_args(%scan3A_17 = %scan3A) -> (i32)  : i32 {
      %mul3A_18 = arith.constant 128 : i32
      %mul3A_19 = arith.muli %scan3A_16, %mul3A_18 : i32
      "tpu.region"() ({
        %run_scoped3A = tpu.sem_alloc : memref<!tpu.dma_semaphore, #tpu.memory_space<semaphore_mem>>
        %dma_start3A = tpu.memref_slice %arg4[%add3A, %mul3A_19] : memref<32x10368xi32, #tpu.memory_space<hbm>> -> memref<1x128xi32, #tpu.memory_space<hbm>>
        %dma_start3A_30 = tpu.memref_squeeze %dma_start3A : memref<1x128xi32, #tpu.memory_space<hbm>> -> memref<128xi32, #tpu.memory_space<hbm>>
        %dma_start3A_31 = tpu.memref_slice %arg4[%add3A, %mul3A_19] : memref<32x10368xi32, #tpu.memory_space<hbm>> -> memref<1x128xi32, #tpu.memory_space<hbm>>
        %dma_start3A_32 = tpu.memref_squeeze %dma_start3A_31 : memref<1x128xi32, #tpu.memory_space<hbm>> -> memref<128xi32, #tpu.memory_space<hbm>>
        tpu.enqueue_dma source(%dma_start3A_32 : memref<128xi32, #tpu.memory_space<hbm>>) target(%arg10 : memref<128xi32, #tpu.memory_space<vmem>>) target_semaphore(%run_scoped3A : memref<!tpu.dma_semaphore, #tpu.memory_space<semaphore_mem>>)
        %dma_wait3A = tpu.memref_slice %arg4[%add3A, %mul3A_19] : memref<32x10368xi32, #tpu.memory_space<hbm>> -> memref<1x128xi32, #tpu.memory_space<hbm>>
        %dma_wait3A_33 = tpu.memref_squeeze %dma_wait3A : memref<1x128xi32, #tpu.memory_space<hbm>> -> memref<128xi32, #tpu.memory_space<hbm>>
        %dma_wait3A_34 = tpu.memref_slice %arg4[%add3A, %mul3A_19] : memref<32x10368xi32, #tpu.memory_space<hbm>> -> memref<1x128xi32, #tpu.memory_space<hbm>>
        %dma_wait3A_35 = tpu.memref_squeeze %dma_wait3A_34 : memref<1x128xi32, #tpu.memory_space<hbm>> -> memref<128xi32, #tpu.memory_space<hbm>>
        tpu.wait_dma2 semaphore(%run_scoped3A : memref<!tpu.dma_semaphore, #tpu.memory_space<semaphore_mem>>) src(%dma_wait3A_35 : memref<128xi32, #tpu.memory_space<hbm>>) dst(%arg10 : memref<128xi32, #tpu.memory_space<vmem>>)
        tpu.yield
      }) : () -> ()
      %mul3A_20 = arith.constant 128 : i32
      %mul3A_21 = arith.muli %scan3A_16, %mul3A_20 : i32
      "tpu.region"() ({
        %run_scoped3A = tpu.sem_alloc : memref<!tpu.dma_semaphore, #tpu.memory_space<semaphore_mem>>
        %dma_start3A = tpu.memref_slice %arg5[%add3A, %mul3A_21] : memref<32x10368xi32, #tpu.memory_space<hbm>> -> memref<1x128xi32, #tpu.memory_space<hbm>>
        %dma_start3A_30 = tpu.memref_squeeze %dma_start3A : memref<1x128xi32, #tpu.memory_space<hbm>> -> memref<128xi32, #tpu.memory_space<hbm>>
        %dma_start3A_31 = tpu.memref_slice %arg5[%add3A, %mul3A_21] : memref<32x10368xi32, #tpu.memory_space<hbm>> -> memref<1x128xi32, #tpu.memory_space<hbm>>
        %dma_start3A_32 = tpu.memref_squeeze %dma_start3A_31 : memref<1x128xi32, #tpu.memory_space<hbm>> -> memref<128xi32, #tpu.memory_space<hbm>>
        tpu.enqueue_dma source(%dma_start3A_32 : memref<128xi32, #tpu.memory_space<hbm>>) target(%arg11 : memref<128xi32, #tpu.memory_space<vmem>>) target_semaphore(%run_scoped3A : memref<!tpu.dma_semaphore, #tpu.memory_space<semaphore_mem>>)
        %dma_wait3A = tpu.memref_slice %arg5[%add3A, %mul3A_21] : memref<32x10368xi32, #tpu.memory_space<hbm>> -> memref<1x128xi32, #tpu.memory_space<hbm>>
        %dma_wait3A_33 = tpu.memref_squeeze %dma_wait3A : memref<1x128xi32, #tpu.memory_space<hbm>> -> memref<128xi32, #tpu.memory_space<hbm>>
        %dma_wait3A_34 = tpu.memref_slice %arg5[%add3A, %mul3A_21] : memref<32x10368xi32, #tpu.memory_space<hbm>> -> memref<1x128xi32, #tpu.memory_space<hbm>>
        %dma_wait3A_35 = tpu.memref_squeeze %dma_wait3A_34 : memref<1x128xi32, #tpu.memory_space<hbm>> -> memref<128xi32, #tpu.memory_space<hbm>>
        tpu.wait_dma2 semaphore(%run_scoped3A : memref<!tpu.dma_semaphore, #tpu.memory_space<semaphore_mem>>) src(%dma_wait3A_35 : memref<128xi32, #tpu.memory_space<hbm>>) dst(%arg11 : memref<128xi32, #tpu.memory_space<vmem>>)
        tpu.yield
      }) : () -> ()
      "tpu.region"() ({
        %run_scoped3A = tpu.sem_alloc : memref<!tpu.dma_semaphore, #tpu.memory_space<semaphore_mem>>
        %dma_start3A = arith.constant 0 : i32
        %dma_start3A_30 = arith.constant 0 : i32
        %dma_start3A_31 = tpu.memref_slice %arg2[%dma_start3A, %dma_start3A_30] : memref<10000x128xf32, #tpu.memory_space<hbm>> -> memref<10000x128xf32, #tpu.memory_space<hbm>>
        tpu.enqueue_indirect_dma source(%dma_start3A_31 : memref<10000x128xf32, #tpu.memory_space<hbm>>) target(%arg13 : memref<128x128xf32, #tpu.memory_space<vmem>>) offsets(%arg10 : memref<128xi32, #tpu.memory_space<vmem>>) semaphore(%run_scoped3A : memref<!tpu.dma_semaphore, #tpu.memory_space<semaphore_mem>>)
        %dma_wait3A = arith.constant 0 : i32
        %dma_wait3A_32 = arith.constant 0 : i32
        %dma_wait3A_33 = tpu.memref_slice %arg2[%dma_wait3A, %dma_wait3A_32] : memref<10000x128xf32, #tpu.memory_space<hbm>> -> memref<10000x128xf32, #tpu.memory_space<hbm>>
        tpu.wait_indirect_dma semaphore(%run_scoped3A : memref<!tpu.dma_semaphore, #tpu.memory_space<semaphore_mem>>) src(%dma_wait3A_33 : memref<10000x128xf32, #tpu.memory_space<hbm>>) dst(%arg13 : memref<128x128xf32, #tpu.memory_space<vmem>>)
        tpu.yield
      }) : () -> ()
      "tpu.region"() ({
        %run_scoped3A = tpu.sem_alloc : memref<!tpu.dma_semaphore, #tpu.memory_space<semaphore_mem>>
        %dma_start3A = arith.constant 0 : i32
        %dma_start3A_30 = arith.constant 0 : i32
        %dma_start3A_31 = tpu.memref_slice %arg3[%dma_start3A, %dma_start3A_30] : memref<32x128xf32, #tpu.memory_space<hbm>> -> memref<32x128xf32, #tpu.memory_space<hbm>>
        tpu.enqueue_indirect_dma source(%dma_start3A_31 : memref<32x128xf32, #tpu.memory_space<hbm>>) target(%arg14 : memref<128x128xf32, #tpu.memory_space<vmem>>) offsets(%arg11 : memref<128xi32, #tpu.memory_space<vmem>>) semaphore(%run_scoped3A : memref<!tpu.dma_semaphore, #tpu.memory_space<semaphore_mem>>)
        %dma_wait3A = arith.constant 0 : i32
        %dma_wait3A_32 = arith.constant 0 : i32
        %dma_wait3A_33 = tpu.memref_slice %arg3[%dma_wait3A, %dma_wait3A_32] : memref<32x128xf32, #tpu.memory_space<hbm>> -> memref<32x128xf32, #tpu.memory_space<hbm>>
        tpu.wait_indirect_dma semaphore(%run_scoped3A : memref<!tpu.dma_semaphore, #tpu.memory_space<semaphore_mem>>) src(%dma_wait3A_33 : memref<32x128xf32, #tpu.memory_space<hbm>>) dst(%arg14 : memref<128x128xf32, #tpu.memory_space<vmem>>)
        tpu.yield
      }) : () -> ()
      %scan3A_22 = arith.constant 0 : i32
      %scan3A_23 = arith.constant 0 : i32
      %scan3A_24 = arith.constant 128 : i32
      %scan3A_25 = arith.addi %scan3A_23, %scan3A_24 : i32
      %scan3A_26 = arith.constant 1 : i32
      %scan3A_27 = scf.for %scan3A_30 = %scan3A_23 to %scan3A_25 step %scan3A_26 iter_args(%scan3A_31 = %scan3A_22) -> (i32)  : i32 {
        %get3A = arith.index_cast %scan3A_30 : i32 to index
        %get3A_32 = arith.constant 0 : index
        %get3A_33 = tpu.vector_load %arg13[%get3A, %get3A_32] {strides = array<i32>} : memref<128x128xf32, #tpu.memory_space<vmem>>, vector<1x16xf32>,
        %get3A_34 = vector.shape_cast %get3A_33 : vector<1x16xf32> to vector<16xf32>
        %get3A_35 = arith.index_cast %scan3A_30 : i32 to index
        %get3A_36 = arith.constant 0 : index
        %get3A_37 = tpu.vector_load %arg14[%get3A_35, %get3A_36] {strides = array<i32>} : memref<128x128xf32, #tpu.memory_space<vmem>>, vector<1x16xf32>,
        %get3A_38 = vector.shape_cast %get3A_37 : vector<1x16xf32> to vector<16xf32>
        %add3A_39 = arith.addf %get3A_34, %get3A_38 : vector<16xf32>
        %swap3A = arith.index_cast %scan3A_30 : i32 to index
        %swap3A_40 = arith.constant 0 : index
        %swap3A_41 = tpu.vector_load %arg13[%swap3A, %swap3A_40] {strides = array<i32>} : memref<128x128xf32, #tpu.memory_space<vmem>>, vector<1x16xf32>,
        %swap3A_42 = vector.shape_cast %swap3A_41 : vector<1x16xf32> to vector<16xf32>
        %swap3A_43 = vector.shape_cast %add3A_39 : vector<16xf32> to vector<1x16xf32>
        tpu.vector_store %arg13[%swap3A, %swap3A_40], %swap3A_43 {strides = array<i32>} : memref<128x128xf32, #tpu.memory_space<vmem>>, vector<1x16xf32>,
        %get3A_44 = arith.index_cast %scan3A_30 : i32 to index
        %get3A_45 = arith.constant 16 : index
        %get3A_46 = tpu.vector_load %arg13[%get3A_44, %get3A_45] {strides = array<i32>} : memref<128x128xf32, #tpu.memory_space<vmem>>, vector<1x16xf32>,
        %get3A_47 = vector.shape_cast %get3A_46 : vector<1x16xf32> to vector<16xf32>
        %get3A_48 = arith.index_cast %scan3A_30 : i32 to index
        %get3A_49 = arith.constant 16 : index
        %get3A_50 = tpu.vector_load %arg14[%get3A_48, %get3A_49] {strides = array<i32>} : memref<128x128xf32, #tpu.memory_space<vmem>>, vector<1x16xf32>,
        %get3A_51 = vector.shape_cast %get3A_50 : vector<1x16xf32> to vector<16xf32>
        %add3A_52 = arith.addf %get3A_47, %get3A_51 : vector<16xf32>
        %swap3A_53 = arith.index_cast %scan3A_30 : i32 to index
        %swap3A_54 = arith.constant 16 : index
        %swap3A_55 = tpu.vector_load %arg13[%swap3A_53, %swap3A_54] {strides = array<i32>} : memref<128x128xf32, #tpu.memory_space<vmem>>, vector<1x16xf32>,
        %swap3A_56 = vector.shape_cast %swap3A_55 : vector<1x16xf32> to vector<16xf32>
        %swap3A_57 = vector.shape_cast %add3A_52 : vector<16xf32> to vector<1x16xf32>
        tpu.vector_store %arg13[%swap3A_53, %swap3A_54], %swap3A_57 {strides = array<i32>} : memref<128x128xf32, #tpu.memory_space<vmem>>, vector<1x16xf32>,
        %get3A_58 = arith.index_cast %scan3A_30 : i32 to index
        %get3A_59 = arith.constant 32 : index
        %get3A_60 = tpu.vector_load %arg13[%get3A_58, %get3A_59] {strides = array<i32>} : memref<128x128xf32, #tpu.memory_space<vmem>>, vector<1x16xf32>,
        %get3A_61 = vector.shape_cast %get3A_60 : vector<1x16xf32> to vector<16xf32>
        %get3A_62 = arith.index_cast %scan3A_30 : i32 to index
        %get3A_63 = arith.constant 32 : index
        %get3A_64 = tpu.vector_load %arg14[%get3A_62, %get3A_63] {strides = array<i32>} : memref<128x128xf32, #tpu.memory_space<vmem>>, vector<1x16xf32>,
        %get3A_65 = vector.shape_cast %get3A_64 : vector<1x16xf32> to vector<16xf32>
        %add3A_66 = arith.addf %get3A_61, %get3A_65 : vector<16xf32>
        %swap3A_67 = arith.index_cast %scan3A_30 : i32 to index
        %swap3A_68 = arith.constant 32 : index
        %swap3A_69 = tpu.vector_load %arg13[%swap3A_67, %swap3A_68] {strides = array<i32>} : memref<128x128xf32, #tpu.memory_space<vmem>>, vector<1x16xf32>,
        %swap3A_70 = vector.shape_cast %swap3A_69 : vector<1x16xf32> to vector<16xf32>
        %swap3A_71 = vector.shape_cast %add3A_66 : vector<16xf32> to vector<1x16xf32>
        tpu.vector_store %arg13[%swap3A_67, %swap3A_68], %swap3A_71 {strides = array<i32>} : memref<128x128xf32, #tpu.memory_space<vmem>>, vector<1x16xf32>,
        %get3A_72 = arith.index_cast %scan3A_30 : i32 to index
        %get3A_73 = arith.constant 48 : index
        %get3A_74 = tpu.vector_load %arg13[%get3A_72, %get3A_73] {strides = array<i32>} : memref<128x128xf32, #tpu.memory_space<vmem>>, vector<1x16xf32>,
        %get3A_75 = vector.shape_cast %get3A_74 : vector<1x16xf32> to vector<16xf32>
        %get3A_76 = arith.index_cast %scan3A_30 : i32 to index
        %get3A_77 = arith.constant 48 : index
        %get3A_78 = tpu.vector_load %arg14[%get3A_76, %get3A_77] {strides = array<i32>} : memref<128x128xf32, #tpu.memory_space<vmem>>, vector<1x16xf32>,
        %get3A_79 = vector.shape_cast %get3A_78 : vector<1x16xf32> to vector<16xf32>
        %add3A_80 = arith.addf %get3A_75, %get3A_79 : vector<16xf32>
        %swap3A_81 = arith.index_cast %scan3A_30 : i32 to index
        %swap3A_82 = arith.constant 48 : index
        %swap3A_83 = tpu.vector_load %arg13[%swap3A_81, %swap3A_82] {strides = array<i32>} : memref<128x128xf32, #tpu.memory_space<vmem>>, vector<1x16xf32>,
        %swap3A_84 = vector.shape_cast %swap3A_83 : vector<1x16xf32> to vector<16xf32>
        %swap3A_85 = vector.shape_cast %add3A_80 : vector<16xf32> to vector<1x16xf32>
        tpu.vector_store %arg13[%swap3A_81, %swap3A_82], %swap3A_85 {strides = array<i32>} : memref<128x128xf32, #tpu.memory_space<vmem>>, vector<1x16xf32>,
        %get3A_86 = arith.index_cast %scan3A_30 : i32 to index
        %get3A_87 = arith.constant 64 : index
        %get3A_88 = tpu.vector_load %arg13[%get3A_86, %get3A_87] {strides = array<i32>} : memref<128x128xf32, #tpu.memory_space<vmem>>, vector<1x16xf32>,
        %get3A_89 = vector.shape_cast %get3A_88 : vector<1x16xf32> to vector<16xf32>
        %get3A_90 = arith.index_cast %scan3A_30 : i32 to index
        %get3A_91 = arith.constant 64 : index
        %get3A_92 = tpu.vector_load %arg14[%get3A_90, %get3A_91] {strides = array<i32>} : memref<128x128xf32, #tpu.memory_space<vmem>>, vector<1x16xf32>,
        %get3A_93 = vector.shape_cast %get3A_92 : vector<1x16xf32> to vector<16xf32>
        %add3A_94 = arith.addf %get3A_89, %get3A_93 : vector<16xf32>
        %swap3A_95 = arith.index_cast %scan3A_30 : i32 to index
        %swap3A_96 = arith.constant 64 : index
        %swap3A_97 = tpu.vector_load %arg13[%swap3A_95, %swap3A_96] {strides = array<i32>} : memref<128x128xf32, #tpu.memory_space<vmem>>, vector<1x16xf32>,
        %swap3A_98 = vector.shape_cast %swap3A_97 : vector<1x16xf32> to vector<16xf32>
        %swap3A_99 = vector.shape_cast %add3A_94 : vector<16xf32> to vector<1x16xf32>
        tpu.vector_store %arg13[%swap3A_95, %swap3A_96], %swap3A_99 {strides = array<i32>} : memref<128x128xf32, #tpu.memory_space<vmem>>, vector<1x16xf32>,
        %get3A_100 = arith.index_cast %scan3A_30 : i32 to index
        %get3A_101 = arith.constant 80 : index
        %get3A_102 = tpu.vector_load %arg13[%get3A_100, %get3A_101] {strides = array<i32>} : memref<128x128xf32, #tpu.memory_space<vmem>>, vector<1x16xf32>,
        %get3A_103 = vector.shape_cast %get3A_102 : vector<1x16xf32> to vector<16xf32>
        %get3A_104 = arith.index_cast %scan3A_30 : i32 to index
        %get3A_105 = arith.constant 80 : index
        %get3A_106 = tpu.vector_load %arg14[%get3A_104, %get3A_105] {strides = array<i32>} : memref<128x128xf32, #tpu.memory_space<vmem>>, vector<1x16xf32>,
        %get3A_107 = vector.shape_cast %get3A_106 : vector<1x16xf32> to vector<16xf32>
        %add3A_108 = arith.addf %get3A_103, %get3A_107 : vector<16xf32>
        %swap3A_109 = arith.index_cast %scan3A_30 : i32 to index
        %swap3A_110 = arith.constant 80 : index
        %swap3A_111 = tpu.vector_load %arg13[%swap3A_109, %swap3A_110] {strides = array<i32>} : memref<128x128xf32, #tpu.memory_space<vmem>>, vector<1x16xf32>,
        %swap3A_112 = vector.shape_cast %swap3A_111 : vector<1x16xf32> to vector<16xf32>
        %swap3A_113 = vector.shape_cast %add3A_108 : vector<16xf32> to vector<1x16xf32>
        tpu.vector_store %arg13[%swap3A_109, %swap3A_110], %swap3A_113 {strides = array<i32>} : memref<128x128xf32, #tpu.memory_space<vmem>>, vector<1x16xf32>,
        %get3A_114 = arith.index_cast %scan3A_30 : i32 to index
        %get3A_115 = arith.constant 96 : index
        %get3A_116 = tpu.vector_load %arg13[%get3A_114, %get3A_115] {strides = array<i32>} : memref<128x128xf32, #tpu.memory_space<vmem>>, vector<1x16xf32>,
        %get3A_117 = vector.shape_cast %get3A_116 : vector<1x16xf32> to vector<16xf32>
        %get3A_118 = arith.index_cast %scan3A_30 : i32 to index
        %get3A_119 = arith.constant 96 : index
        %get3A_120 = tpu.vector_load %arg14[%get3A_118, %get3A_119] {strides = array<i32>} : memref<128x128xf32, #tpu.memory_space<vmem>>, vector<1x16xf32>,
        %get3A_121 = vector.shape_cast %get3A_120 : vector<1x16xf32> to vector<16xf32>
        %add3A_122 = arith.addf %get3A_117, %get3A_121 : vector<16xf32>
        %swap3A_123 = arith.index_cast %scan3A_30 : i32 to index
        %swap3A_124 = arith.constant 96 : index
        %swap3A_125 = tpu.vector_load %arg13[%swap3A_123, %swap3A_124] {strides = array<i32>} : memref<128x128xf32, #tpu.memory_space<vmem>>, vector<1x16xf32>,
        %swap3A_126 = vector.shape_cast %swap3A_125 : vector<1x16xf32> to vector<16xf32>
        %swap3A_127 = vector.shape_cast %add3A_122 : vector<16xf32> to vector<1x16xf32>
        tpu.vector_store %arg13[%swap3A_123, %swap3A_124], %swap3A_127 {strides = array<i32>} : memref<128x128xf32, #tpu.memory_space<vmem>>, vector<1x16xf32>,
        %get3A_128 = arith.index_cast %scan3A_30 : i32 to index
        %get3A_129 = arith.constant 112 : index
        %get3A_130 = tpu.vector_load %arg13[%get3A_128, %get3A_129] {strides = array<i32>} : memref<128x128xf32, #tpu.memory_space<vmem>>, vector<1x16xf32>,
        %get3A_131 = vector.shape_cast %get3A_130 : vector<1x16xf32> to vector<16xf32>
        %get3A_132 = arith.index_cast %scan3A_30 : i32 to index
        %get3A_133 = arith.constant 112 : index
        %get3A_134 = tpu.vector_load %arg14[%get3A_132, %get3A_133] {strides = array<i32>} : memref<128x128xf32, #tpu.memory_space<vmem>>, vector<1x16xf32>,
        %get3A_135 = vector.shape_cast %get3A_134 : vector<1x16xf32> to vector<16xf32>
        %add3A_136 = arith.addf %get3A_131, %get3A_135 : vector<16xf32>
        %swap3A_137 = arith.index_cast %scan3A_30 : i32 to index
        %swap3A_138 = arith.constant 112 : index
        %swap3A_139 = tpu.vector_load %arg13[%swap3A_137, %swap3A_138] {strides = array<i32>} : memref<128x128xf32, #tpu.memory_space<vmem>>, vector<1x16xf32>,
        %swap3A_140 = vector.shape_cast %swap3A_139 : vector<1x16xf32> to vector<16xf32>
        %swap3A_141 = vector.shape_cast %add3A_136 : vector<16xf32> to vector<1x16xf32>
        tpu.vector_store %arg13[%swap3A_137, %swap3A_138], %swap3A_141 {strides = array<i32>} : memref<128x128xf32, #tpu.memory_space<vmem>>, vector<1x16xf32>,
        %scan3A_142 = arith.constant 0 : i32
        scf.yield %scan3A_142 : i32
      }
      %scan3A_28 = arith.constant 128 : i32
      "tpu.region"() ({
        %run_scoped3A = tpu.sem_alloc : memref<!tpu.dma_semaphore, #tpu.memory_space<semaphore_mem>>
        %dma_start3A = arith.constant 0 : i32
        %dma_start3A_30 = tpu.memref_slice %arg12[%scan3A_16, %dma_start3A] : memref<81x128xi32, #tpu.memory_space<vmem>> -> memref<1x128xi32, #tpu.memory_space<vmem>>
        %dma_start3A_31 = tpu.memref_squeeze %dma_start3A_30 : memref<1x128xi32, #tpu.memory_space<vmem>> -> memref<128xi32, #tpu.memory_space<vmem>>
        %dma_start3A_32 = arith.constant 0 : i32
        %dma_start3A_33 = arith.constant 0 : i32
        %dma_start3A_34 = tpu.memref_slice %arg9[%dma_start3A_32, %dma_start3A_33] : memref<10112x128xf32, #tpu.memory_space<vmem_shared>> -> memref<10112x128xf32, #tpu.memory_space<vmem_shared>>
        tpu.enqueue_indirect_dma source(%arg13 : memref<128x128xf32, #tpu.memory_space<vmem>>) target(%dma_start3A_34 : memref<10112x128xf32, #tpu.memory_space<vmem_shared>>) offsets(%dma_start3A_31 : memref<128xi32, #tpu.memory_space<vmem>>) semaphore(%run_scoped3A : memref<!tpu.dma_semaphore, #tpu.memory_space<semaphore_mem>>) {add = true}
        %dma_wait3A = arith.constant 0 : i32
        %dma_wait3A_35 = tpu.memref_slice %arg12[%scan3A_16, %dma_wait3A] : memref<81x128xi32, #tpu.memory_space<vmem>> -> memref<1x128xi32, #tpu.memory_space<vmem>>
        %dma_wait3A_36 = tpu.memref_squeeze %dma_wait3A_35 : memref<1x128xi32, #tpu.memory_space<vmem>> -> memref<128xi32, #tpu.memory_space<vmem>>
        %dma_wait3A_37 = arith.constant 0 : i32
        %dma_wait3A_38 = arith.constant 0 : i32
        %dma_wait3A_39 = tpu.memref_slice %arg9[%dma_wait3A_37, %dma_wait3A_38] : memref<10112x128xf32, #tpu.memory_space<vmem_shared>> -> memref<10112x128xf32, #tpu.memory_space<vmem_shared>>
        tpu.wait_indirect_dma semaphore(%run_scoped3A : memref<!tpu.dma_semaphore, #tpu.memory_space<semaphore_mem>>) src(%arg13 : memref<128x128xf32, #tpu.memory_space<vmem>>) dst(%dma_wait3A_39 : memref<10112x128xf32, #tpu.memory_space<vmem_shared>>)
        tpu.yield
      }) : () -> ()
      %scan3A_29 = arith.constant 0 : i32
      scf.yield %scan3A_29 : i32
    }
    %scan3A_10 = arith.constant 81 : i32
    %barrier3A_11 = arith.constant 0 : index
    tpu.barrier barrier_id(%barrier3A_11)
    %mul3A_12 = arith.constant 632 : i32
    %mul3A_13 = arith.muli %arg1, %mul3A_12 : i32
    %mul3A_14 = arith.constant 632 : i32
    %mul3A_15 = arith.muli %arg1, %mul3A_14 : i32
    "tpu.region"() ({
      %run_scoped3A = tpu.sem_alloc : memref<!tpu.dma_semaphore, #tpu.memory_space<semaphore_mem>>
      %dma_start3A = arith.constant 0 : i32
      %dma_start3A_16 = tpu.memref_slice %arg8[%arg0, %mul3A_15, %dma_start3A] : memref<2x10112x128xf32, #tpu.memory_space<hbm>> -> memref<1x632x128xf32, #tpu.memory_space<hbm>>
      %dma_start3A_17 = tpu.memref_squeeze %dma_start3A_16 : memref<1x632x128xf32, #tpu.memory_space<hbm>> -> memref<632x128xf32, #tpu.memory_space<hbm>>
      %dma_start3A_18 = arith.constant 0 : i32
      %dma_start3A_19 = tpu.memref_slice %arg9[%mul3A_13, %dma_start3A_18] : memref<10112x128xf32, #tpu.memory_space<vmem_shared>> -> memref<632x128xf32, #tpu.memory_space<vmem_shared>>
      tpu.enqueue_dma source(%dma_start3A_19 : memref<632x128xf32, #tpu.memory_space<vmem_shared>>) target(%dma_start3A_17 : memref<632x128xf32, #tpu.memory_space<hbm>>) target_semaphore(%run_scoped3A : memref<!tpu.dma_semaphore, #tpu.memory_space<semaphore_mem>>)
      %dma_wait3A = arith.constant 0 : i32
      %dma_wait3A_20 = tpu.memref_slice %arg8[%arg0, %mul3A_15, %dma_wait3A] : memref<2x10112x128xf32, #tpu.memory_space<hbm>> -> memref<1x632x128xf32, #tpu.memory_space<hbm>>
      %dma_wait3A_21 = tpu.memref_squeeze %dma_wait3A_20 : memref<1x632x128xf32, #tpu.memory_space<hbm>> -> memref<632x128xf32, #tpu.memory_space<hbm>>
      %dma_wait3A_22 = arith.constant 0 : i32
      %dma_wait3A_23 = tpu.memref_slice %arg9[%mul3A_13, %dma_wait3A_22] : memref<10112x128xf32, #tpu.memory_space<vmem_shared>> -> memref<632x128xf32, #tpu.memory_space<vmem_shared>>
      tpu.wait_dma2 semaphore(%run_scoped3A : memref<!tpu.dma_semaphore, #tpu.memory_space<semaphore_mem>>) src(%dma_wait3A_23 : memref<632x128xf32, #tpu.memory_space<vmem_shared>>) dst(%dma_wait3A_21 : memref<632x128xf32, #tpu.memory_space<hbm>>)
      tpu.yield
    }) : () -> ()
    return
  }
}

module attributes {stable_mosaic.version = 14 : i64} {
  func.func @_encode_body(%arg0: memref<10000x2xi32, #tpu.memory_space<vmem>>, %arg1: memref<120x128xf32, #tpu.memory_space<vmem>>, %arg2: memref<3x128xf32, #tpu.memory_space<vmem>>, %arg3: memref<10000x128xf32, #tpu.memory_space<vmem>>) attributes {dimension_semantics = [], scalar_prefetch = 0 : i64, scratch_operands = 0 : i64, tpu.core_type = #tpu.core_type<tc>} {
    %get3A = arith.constant 0 : index
    %get3A_0 = arith.constant 0 : index
    %get3A_1 = vector.load %arg0[%get3A, %get3A_0] : memref<10000x2xi32, #tpu.memory_space<vmem>>, vector<10000x1xi32>
    %jit3A = arith.constant 0 : i32
    %jit3A_2 = arith.constant 119 : i32
    %max3A = vector.broadcast %jit3A : i32 to vector<10000x1xi32>
    %max3A_3 = arith.maxsi %max3A, %get3A_1 : vector<10000x1xi32>
    %min3A = vector.broadcast %jit3A_2 : i32 to vector<10000x1xi32>
    %min3A_4 = arith.minsi %min3A, %max3A_3 : vector<10000x1xi32>
    %get3A_5 = arith.constant 0 : index
    %get3A_6 = arith.constant 1 : index
    %get3A_7 = vector.load %arg0[%get3A_5, %get3A_6] : memref<10000x2xi32, #tpu.memory_space<vmem>>, vector<10000x1xi32>
    %jit3A_8 = arith.constant 0 : i32
    %jit3A_9 = arith.constant 2 : i32
    %max3A_10 = vector.broadcast %jit3A_8 : i32 to vector<10000x1xi32>
    %max3A_11 = arith.maxsi %max3A_10, %get3A_7 : vector<10000x1xi32>
    %min3A_12 = vector.broadcast %jit3A_9 : i32 to vector<10000x1xi32>
    %min3A_13 = arith.minsi %min3A_12, %max3A_11 : vector<10000x1xi32>
    %iota3A = tpu.iota {dimensions = array<i32: 1>} : vector<10000x120xi32>
    %iota3A_14 = tpu.iota {dimensions = array<i32: 1>} : vector<10000x3xi32>
    %eq3A = vector.broadcast %min3A_4 : vector<10000x1xi32> to vector<10000x120xi32>
    %eq3A_15 = arith.cmpi eq, %iota3A, %eq3A : vector<10000x120xi32>
    %convert_element_type3A = arith.extui %eq3A_15 : vector<10000x120xi1> to vector<10000x120xi32>
    %convert_element_type3A_16 = arith.sitofp %convert_element_type3A : vector<10000x120xi32> to vector<10000x120xf32>
    %eq3A_17 = vector.broadcast %min3A_13 : vector<10000x1xi32> to vector<10000x3xi32>
    %eq3A_18 = arith.cmpi eq, %iota3A_14, %eq3A_17 : vector<10000x3xi32>
    %convert_element_type3A_19 = arith.extui %eq3A_18 : vector<10000x3xi1> to vector<10000x3xi32>
    %convert_element_type3A_20 = arith.sitofp %convert_element_type3A_19 : vector<10000x3xi32> to vector<10000x3xf32>
    %get3A_21 = arith.constant 0 : index
    %get3A_22 = arith.constant 0 : index
    %get3A_23 = vector.load %arg1[%get3A_21, %get3A_22] : memref<120x128xf32, #tpu.memory_space<vmem>>, vector<120x128xf32>
    %dot_general3A = arith.constant dense<0.000000e+00> : vector<10000x128xf32>
    %dot_general3A_24 = tpu.matmul %convert_element_type3A_16, %get3A_23, %dot_general3A {dimension_numbers = #tpu.dot_dimension_numbers<[1], [0], [0], [1], [0, 0, 1, 1], [], []>, precision = #tpu.contract_precision<fp32>, transpose_lhs_hint = false} : vector<10000x120xf32>, vector<120x128xf32>, vector<10000x128xf32> -> vector<10000x128xf32>
    %get3A_25 = arith.constant 0 : index
    %get3A_26 = arith.constant 0 : index
    %get3A_27 = vector.load %arg2[%get3A_25, %get3A_26] : memref<3x128xf32, #tpu.memory_space<vmem>>, vector<3x128xf32>
    %dot_general3A_28 = arith.constant dense<0.000000e+00> : vector<10000x128xf32>
    %dot_general3A_29 = tpu.matmul %convert_element_type3A_20, %get3A_27, %dot_general3A_28 {dimension_numbers = #tpu.dot_dimension_numbers<[1], [0], [0], [1], [0, 0, 1, 1], [], []>, precision = #tpu.contract_precision<fp32>, transpose_lhs_hint = false} : vector<10000x3xf32>, vector<3x128xf32>, vector<10000x128xf32> -> vector<10000x128xf32>
    %add3A = arith.addf %dot_general3A_24, %dot_general3A_29 : vector<10000x128xf32>
    %swap3A = arith.constant 0 : index
    %swap3A_30 = arith.constant 0 : index
    %swap3A_31 = vector.load %arg3[%swap3A, %swap3A_30] : memref<10000x128xf32, #tpu.memory_space<vmem>>, vector<10000x128xf32>
    tpu.vector_store %arg3[%swap3A, %swap3A_30], %add3A {strides = array<i32>} : memref<10000x128xf32, #tpu.memory_space<vmem>>, vector<10000x128xf32>,
    return
  }
}

module attributes {stable_mosaic.version = 14 : i64} {
  func.func @_mlp_body(%arg0: memref<2x10112x128xf32, #tpu.memory_space<vmem>>, %arg1: memref<128x256xf32, #tpu.memory_space<vmem>>, %arg2: memref<256xf32, #tpu.memory_space<vmem>>, %arg3: memref<256x128xf32, #tpu.memory_space<vmem>>, %arg4: memref<10000x128xf32, #tpu.memory_space<vmem>>) attributes {dimension_semantics = [], scalar_prefetch = 0 : i64, scratch_operands = 0 : i64, tpu.core_type = #tpu.core_type<tc>} {
    %get3A = arith.constant 0 : index
    %get3A_0 = arith.constant 0 : index
    %get3A_1 = arith.constant 0 : index
    %get3A_2 = vector.load %arg0[%get3A, %get3A_0, %get3A_1] : memref<2x10112x128xf32, #tpu.memory_space<vmem>>, vector<1x10000x128xf32>
    %get3A_3 = vector.shape_cast %get3A_2 : vector<1x10000x128xf32> to vector<10000x128xf32>
    %get3A_4 = arith.constant 1 : index
    %get3A_5 = arith.constant 0 : index
    %get3A_6 = arith.constant 0 : index
    %get3A_7 = vector.load %arg0[%get3A_4, %get3A_5, %get3A_6] : memref<2x10112x128xf32, #tpu.memory_space<vmem>>, vector<1x10000x128xf32>
    %get3A_8 = vector.shape_cast %get3A_7 : vector<1x10000x128xf32> to vector<10000x128xf32>
    %add3A = arith.addf %get3A_3, %get3A_8 : vector<10000x128xf32>
    %get3A_9 = arith.constant 0 : index
    %get3A_10 = arith.constant 0 : index
    %get3A_11 = vector.load %arg1[%get3A_9, %get3A_10] : memref<128x256xf32, #tpu.memory_space<vmem>>, vector<128x256xf32>
    %dot_general3A = arith.constant dense<0.000000e+00> : vector<10000x256xf32>
    %dot_general3A_12 = tpu.matmul %add3A, %get3A_11, %dot_general3A {dimension_numbers = #tpu.dot_dimension_numbers<[1], [0], [0], [1], [0, 0, 1, 1], [], []>, transpose_lhs_hint = false} : vector<10000x128xf32>, vector<128x256xf32>, vector<10000x256xf32> -> vector<10000x256xf32>
    %get3A_13 = arith.constant 0 : index
    %get3A_14 = vector.load %arg2[%get3A_13] : memref<256xf32, #tpu.memory_space<vmem>>, vector<256xf32>
    %broadcast_in_dim3A = vector.shape_cast %get3A_14 : vector<256xf32> to vector<1x256xf32>
    %add3A_15 = vector.broadcast %broadcast_in_dim3A : vector<1x256xf32> to vector<10000x256xf32>
    %add3A_16 = arith.addf %dot_general3A_12, %add3A_15 : vector<10000x256xf32>
    %max3A = arith.constant 0.000000e+00 : f32
    %max3A_17 = vector.broadcast %max3A : f32 to vector<10000x256xf32>
    %max3A_18 = arith.maximumf %add3A_16, %max3A_17 : vector<10000x256xf32>
    %get3A_19 = arith.constant 0 : index
    %get3A_20 = arith.constant 0 : index
    %get3A_21 = vector.load %arg3[%get3A_19, %get3A_20] : memref<256x128xf32, #tpu.memory_space<vmem>>, vector<256x128xf32>
    %dot_general3A_22 = arith.constant dense<0.000000e+00> : vector<10000x128xf32>
    %dot_general3A_23 = tpu.matmul %max3A_18, %get3A_21, %dot_general3A_22 {dimension_numbers = #tpu.dot_dimension_numbers<[1], [0], [0], [1], [0, 0, 1, 1], [], []>, transpose_lhs_hint = false} : vector<10000x256xf32>, vector<256x128xf32>, vector<10000x128xf32> -> vector<10000x128xf32>
    %swap3A = arith.constant 0 : index
    %swap3A_24 = arith.constant 0 : index
    %swap3A_25 = vector.load %arg4[%swap3A, %swap3A_24] : memref<10000x128xf32, #tpu.memory_space<vmem>>, vector<10000x128xf32>
    tpu.vector_store %arg4[%swap3A, %swap3A_24], %dot_general3A_23 {strides = array<i32>} : memref<10000x128xf32, #tpu.memory_space<vmem>>, vector<10000x128xf32>,
    return
  }
}

module attributes {stable_mosaic.version = 14 : i64} {
  func.func @_norm_body(%arg0: memref<10000x128xf32, #tpu.memory_space<vmem>>, %arg1: memref<1x128xf32, #tpu.memory_space<vmem>>, %arg2: memref<1x128xf32, #tpu.memory_space<vmem>>, %arg3: memref<1x128xf32, #tpu.memory_space<vmem>>, %arg4: memref<1x128xf32, #tpu.memory_space<vmem>>, %arg5: memref<10000x128xf32, #tpu.memory_space<vmem>>) attributes {dimension_semantics = [], scalar_prefetch = 0 : i64, scratch_operands = 0 : i64, tpu.core_type = #tpu.core_type<tc>} {
    %get3A = arith.constant 0 : index
    %get3A_0 = arith.constant 0 : index
    %get3A_1 = vector.load %arg0[%get3A, %get3A_0] : memref<10000x128xf32, #tpu.memory_space<vmem>>, vector<10000x128xf32>
    %get3A_2 = arith.constant 0 : index
    %get3A_3 = arith.constant 0 : index
    %get3A_4 = vector.load %arg1[%get3A_2, %get3A_3] : memref<1x128xf32, #tpu.memory_space<vmem>>, vector<1x128xf32>
    %sub3A = vector.broadcast %get3A_4 : vector<1x128xf32> to vector<10000x128xf32>
    %sub3A_5 = arith.subf %get3A_1, %sub3A : vector<10000x128xf32>
    %get3A_6 = arith.constant 0 : index
    %get3A_7 = arith.constant 0 : index
    %get3A_8 = vector.load %arg2[%get3A_6, %get3A_7] : memref<1x128xf32, #tpu.memory_space<vmem>>, vector<1x128xf32>
    %add3A = arith.constant 9.99999974E-6 : f32
    %add3A_9 = vector.broadcast %add3A : f32 to vector<1x128xf32>
    %add3A_10 = arith.addf %get3A_8, %add3A_9 : vector<1x128xf32>
    %sqrt3A = math.sqrt %add3A_10 : vector<1x128xf32>
    %div3A = vector.broadcast %sqrt3A : vector<1x128xf32> to vector<10000x128xf32>
    %div3A_11 = arith.divf %sub3A_5, %div3A : vector<10000x128xf32>
    %get3A_12 = arith.constant 0 : index
    %get3A_13 = arith.constant 0 : index
    %get3A_14 = vector.load %arg3[%get3A_12, %get3A_13] : memref<1x128xf32, #tpu.memory_space<vmem>>, vector<1x128xf32>
    %mul3A = vector.broadcast %get3A_14 : vector<1x128xf32> to vector<10000x128xf32>
    %mul3A_15 = arith.mulf %div3A_11, %mul3A : vector<10000x128xf32>
    %get3A_16 = arith.constant 0 : index
    %get3A_17 = arith.constant 0 : index
    %get3A_18 = vector.load %arg4[%get3A_16, %get3A_17] : memref<1x128xf32, #tpu.memory_space<vmem>>, vector<1x128xf32>
    %add3A_19 = vector.broadcast %get3A_18 : vector<1x128xf32> to vector<10000x128xf32>
    %add3A_20 = arith.addf %mul3A_15, %add3A_19 : vector<10000x128xf32>
    %max3A = arith.constant 0.000000e+00 : f32
    %max3A_21 = vector.broadcast %max3A : f32 to vector<10000x128xf32>
    %max3A_22 = arith.maximumf %add3A_20, %max3A_21 : vector<10000x128xf32>
    %swap3A = arith.constant 0 : index
    %swap3A_23 = arith.constant 0 : index
    %swap3A_24 = vector.load %arg5[%swap3A, %swap3A_23] : memref<10000x128xf32, #tpu.memory_space<vmem>>, vector<10000x128xf32>
    tpu.vector_store %arg5[%swap3A, %swap3A_23], %max3A_22 {strides = array<i32>} : memref<10000x128xf32, #tpu.memory_space<vmem>>, vector<10000x128xf32>,
    return
  }
}

module attributes {stable_mosaic.version = 14 : i64} {
  func.func @_norm_body(%arg0: memref<10000x128xf32, #tpu.memory_space<vmem>>, %arg1: memref<1x128xf32, #tpu.memory_space<vmem>>, %arg2: memref<1x128xf32, #tpu.memory_space<vmem>>, %arg3: memref<1x128xf32, #tpu.memory_space<vmem>>, %arg4: memref<1x128xf32, #tpu.memory_space<vmem>>, %arg5: memref<10000x128xf32, #tpu.memory_space<vmem>>) attributes {dimension_semantics = [], scalar_prefetch = 0 : i64, scratch_operands = 0 : i64, tpu.core_type = #tpu.core_type<tc>} {
    %get3A = arith.constant 0 : index
    %get3A_0 = arith.constant 0 : index
    %get3A_1 = vector.load %arg0[%get3A, %get3A_0] : memref<10000x128xf32, #tpu.memory_space<vmem>>, vector<10000x128xf32>
    %get3A_2 = arith.constant 0 : index
    %get3A_3 = arith.constant 0 : index
    %get3A_4 = vector.load %arg1[%get3A_2, %get3A_3] : memref<1x128xf32, #tpu.memory_space<vmem>>, vector<1x128xf32>
    %sub3A = vector.broadcast %get3A_4 : vector<1x128xf32> to vector<10000x128xf32>
    %sub3A_5 = arith.subf %get3A_1, %sub3A : vector<10000x128xf32>
    %get3A_6 = arith.constant 0 : index
    %get3A_7 = arith.constant 0 : index
    %get3A_8 = vector.load %arg2[%get3A_6, %get3A_7] : memref<1x128xf32, #tpu.memory_space<vmem>>, vector<1x128xf32>
    %add3A = arith.constant 9.99999974E-6 : f32
    %add3A_9 = vector.broadcast %add3A : f32 to vector<1x128xf32>
    %add3A_10 = arith.addf %get3A_8, %add3A_9 : vector<1x128xf32>
    %sqrt3A = math.sqrt %add3A_10 : vector<1x128xf32>
    %div3A = vector.broadcast %sqrt3A : vector<1x128xf32> to vector<10000x128xf32>
    %div3A_11 = arith.divf %sub3A_5, %div3A : vector<10000x128xf32>
    %get3A_12 = arith.constant 0 : index
    %get3A_13 = arith.constant 0 : index
    %get3A_14 = vector.load %arg3[%get3A_12, %get3A_13] : memref<1x128xf32, #tpu.memory_space<vmem>>, vector<1x128xf32>
    %mul3A = vector.broadcast %get3A_14 : vector<1x128xf32> to vector<10000x128xf32>
    %mul3A_15 = arith.mulf %div3A_11, %mul3A : vector<10000x128xf32>
    %get3A_16 = arith.constant 0 : index
    %get3A_17 = arith.constant 0 : index
    %get3A_18 = vector.load %arg4[%get3A_16, %get3A_17] : memref<1x128xf32, #tpu.memory_space<vmem>>, vector<1x128xf32>
    %add3A_19 = vector.broadcast %get3A_18 : vector<1x128xf32> to vector<10000x128xf32>
    %add3A_20 = arith.addf %mul3A_15, %add3A_19 : vector<10000x128xf32>
    %swap3A = arith.constant 0 : index
    %swap3A_21 = arith.constant 0 : index
    %swap3A_22 = vector.load %arg5[%swap3A, %swap3A_21] : memref<10000x128xf32, #tpu.memory_space<vmem>>, vector<10000x128xf32>
    tpu.vector_store %arg5[%swap3A, %swap3A_21], %add3A_20 {strides = array<i32>} : memref<10000x128xf32, #tpu.memory_space<vmem>>, vector<10000x128xf32>,
    return
  }
}

</mosaic_0001>

<sc_bundles>
// kernel: gather_offload_async_start.1
scs
__scs_entry_jumppad:
0x0: {  	(pc) =	sbr.rel $0x88, $3  }
0x1: {  	(tag) =	ssettag $0x0;
	lr =	simm.s32 $0x1  }
0x2: {  	[smem:$0x3F94] =	sst lr;
	_ =	strace $0xD0000000  }
0x3: {  	_ = 	snop  }
0x4: {  	_ = 	snop  }
0x5: {  	_ = 	snop  }
0x6: {  	_ = 	snop  }
0x7: {  	_ = 	snop  }
__scs_overlays_trampoline_lowered:
0x8: {  	[smem:$0x3FA3] =	sst s0  }
0x9: {  	[smem:$0x3FA4] =	sst s1  }
0xa: {  	[smem:$0x3FA5] =	sst s2  }
0xb: {  	[smem:$0x3FA6] =	sst s3  }
0xc: {  	[smem:$0x3FA7] =	sst s4  }
0xd: {  	[smem:$0x3FA8] =	sst s5  }
0xe: {  	[smem:$0x3FA9] =	sst s6  }
0xf: {  	[smem:$0x3FAA] =	sst s7  }
0x10: {  	[smem:$0x3FAB] =	sst s8  }
0x11: {  	[smem:$0x3FAC] =	sst s9;
	s0 =	simm.s32 @!p0 $0x0  }
0x12: {  	s1 =	sld [smem:$0x3F92];
	s0 =	simm.s32 @p0 $0x1  }
0x13: {  	[smem:$0x3FAD] =	sst s0;
	s0 =	simm.s32 @!p1 $0x0  }
0x14: {  	s2 =	sld [smem:$0x3F91];
	s0 =	simm.s32 @p1 $0x1  }
0x15: {  	[smem:$0x3FAE] =	sst s0;
	s0 =	simm.s32 @!p2 $0x0  }
0x16: {  	s3 =	sld [smem:$0x3FDB];
	s0 =	simm.s32 @p2 $0x1  }
0x17: {  	s4 =	simm.s32 $0x1BF5;
	[smem:$0x3FB0] =	sst s0  }
0x18: {  	s0 =	sld [smem:$0x3F93];
	_ =	swait.ge [sflag:s4], $0x0  }
0x19: {  	s7 =	sld [smem:$0x3F94]  }
0x1a: {  	s8 =	sadd.s32 $0xFFFFE003, lr  }
0x1b: {  	s9 =	sadd.s32 $0xFFFFFEF7, lr;
	s5 =	simm.s32 $0xFFFFFFFF;
	p2 =	slt.u32 s8, $0xFFFFF086  }
0x1c: {  	p1 =	slt.u32 s9, $0xF7A;
	s5 =	simm.s32 @!p2 $0x0  }
0x1d: {  	s5 =	simm.s32 @p1 $0x1;
	p0 =	seq.s32 s7, s2  }
0x1e: {  	s7 =	smul.u32 @!p0 $0xF7A, s2;
	p2 =	seq.s32 @!p0 s5, $0x0  }
0x1f: {  	s9 =	smul.u32 $0xF7A, s1;
	s8 =	simm.s32 @!p0 $0x1BF5;
	p2 =	por !p2, p0  }
0x20: {  	[sflag:s8] =	ssyncset.s32 @!p0 $0xFFFFF086;
	s6 =	sadd.s32 @!p0 s3, s7;
	s7 =	simm.s32 @!p0 $0x108  }
0x21: {  	s3 =	sadd.s32 s3, s9;
	s6 =	sadd.s32 @!p0 $0x88, s6;
	s7 =	simm.s32 @p2 $0x1082  }
0x22: {  	[simem:s7], [sflag:s8] =	dma.local @!p0 [hbm:s6], $0xF7A  }
0x23: {  	s9 =	sor.u32 $0xD0000000, s2;
	s6 =	simm.s32 $0x108;
	_ =	swait.ge @!p0 [sflag:s8], $0x0  }
0x24: {  	s3 =	sadd.s32 $0x88, s3;
	s6 =	simm.s32 @!p1 $0x1082;
	[sflag:s4] =	ssyncset.s32 $0xFFFFF086  }
0x25: {  	[simem:s6], [sflag:s4] =	dma.local [hbm:s3], $0xF7A  }
0x26: {  	[smem:$0x3F94] =	sst s1;
	(tag) =	ssettag s2;
	_ =	strace s9  }
0x27: {  	s1 =	sld [smem:$0x3FA4]  }
0x28: {  	s2 =	sld [smem:$0x3FA5]  }
0x29: {  	s4 =	sld [smem:$0x3FA7]  }
0x2a: {  	p0 =	seq.s32 s5, $0x0;
	s5 =	sld [smem:$0x3FA8]  }
0x2b: {  	s6 =	sld [smem:$0x3FA9]  }
0x2c: {  	s7 =	sld [smem:$0x3FAA]  }
0x2d: {  	s3 =	simm.s32 $0x108;
	s8 =	sld [smem:$0x3FAB]  }
0x2e: {  	s3 =	simm.s32 @!p0 $0x1082;
	s9 =	sld [smem:$0x3FAC]  }
0x2f: {  	lr =	sadd.s32 s0, s3;
	s0 =	sld [smem:$0x3FA3]  }
0x30: {  	s3 =	sld [smem:$0x3FA6]  }
0x31: {  	[smem:$0x3FAF] =	sst s10  }
0x32: {  	s10 =	sld [smem:$0x3FAD];
	_ =	sdelay $0x3  }
0x33: {  	p0 =	seq.s32 s10, $0x1;
	s10 =	sld [smem:$0x3FAF];
	_ =	sdelay $0x3  }
0x34: {  	[smem:$0x3FAF] =	sst s10  }
0x35: {  	s10 =	sld [smem:$0x3FAE];
	_ =	sdelay $0x3  }
0x36: {  	p1 =	seq.s32 s10, $0x1;
	s10 =	sld [smem:$0x3FAF];
	_ =	sdelay $0x3  }
0x37: {  	[smem:$0x3FAF] =	sst s10  }
0x38: {  	s10 =	sld [smem:$0x3FB0]  }
0x39: {  	_ = 	snop;
	(pc) =	sbr.ind lr, $3  }
0x3a: {  	_ = 	snop  }
0x3b: {  	_ = 	snop  }
0x3c: {  	p2 =	seq.s32 s10, $0x1;
	s10 =	sld [smem:$0x3FAF]  }
0x3d: {  	_ =	shalt  }
0x3e: {  	_ =	shalt  }
0x3f: {  	_ =	shalt  }
0x40: {  	_ =	shalt  }
0x41: {  	_ =	shalt  }
0x42: {  	_ =	shalt  }
0x43: {  	_ =	shalt  }
0x44: {  	_ =	shalt  }
0x45: {  	_ =	shalt  }
0x46: {  	_ =	shalt  }
0x47: {  	_ =	shalt  }
0x48: {  	_ =	shalt  }
0x49: {  	_ =	shalt  }
0x4a: {  	_ =	shalt  }
0x4b: {  	_ =	shalt  }
0x4c: {  	_ =	shalt  }
0x4d: {  	_ =	shalt  }
0x4e: {  	_ =	shalt  }
0x4f: {  	_ =	shalt  }
0x50: {  	_ =	shalt  }
0x51: {  	_ =	shalt  }
0x52: {  	_ =	shalt  }
0x53: {  	_ =	shalt  }
0x54: {  	_ =	shalt  }
0x55: {  	_ =	shalt  }
0x56: {  	_ =	shalt  }
0x57: {  	_ =	shalt  }
0x58: {  	_ =	shalt  }
0x59: {  	_ =	shalt  }
0x5a: {  	_ =	shalt  }
0x5b: {  	_ =	shalt  }
0x5c: {  	_ =	shalt  }
0x5d: {  	_ =	shalt  }
0x5e: {  	_ =	shalt  }
0x5f: {  	_ =	shalt  }
0x60: {  	_ =	shalt  }
0x61: {  	_ =	shalt  }
0x62: {  	_ =	shalt  }
0x63: {  	_ =	shalt  }
0x64: {  	_ =	shalt  }
0x65: {  	_ =	shalt  }
0x66: {  	_ =	shalt  }
0x67: {  	_ =	shalt  }
0x68: {  	_ =	shalt  }
0x69: {  	_ =	shalt  }
0x6a: {  	_ =	shalt  }
0x6b: {  	_ =	shalt  }
0x6c: {  	_ =	shalt  }
0x6d: {  	_ =	shalt  }
0x6e: {  	_ =	shalt  }
0x6f: {  	_ =	shalt  }
0x70: {  	_ =	shalt  }
0x71: {  	_ =	shalt  }
0x72: {  	_ =	shalt  }
0x73: {  	_ =	shalt  }
0x74: {  	_ =	shalt  }
0x75: {  	_ =	shalt  }
0x76: {  	_ =	shalt  }
0x77: {  	_ =	shalt  }
0x78: {  	_ =	shalt  }
0x79: {  	_ =	shalt  }
0x7a: {  	_ =	shalt  }
0x7b: {  	_ =	shalt  }
0x7c: {  	_ =	shalt  }
0x7d: {  	_ =	shalt  }
0x7e: {  	_ =	shalt  }
0x7f: {  	_ =	shalt  }
0x80: {  	_ =	shalt  }
0x81: {  	_ =	shalt  }
0x82: {  	_ =	shalt  }
0x83: {  	_ =	shalt  }
0x84: {  	_ =	shalt  }
0x85: {  	_ =	shalt  }
0x86: {  	_ =	shalt  }
0x87: {  	_ =	shalt  }
.Lfunc_end0:
.L_simem_size_0:
called_computation.1_lowered:
.L_overlay_start_0:
0x88: {  	s0 =	sld [smem:$0x3FD9]  }
0x89: {  	s1 =	sld [smem:$0x3FFE];
	_ =	sdelay $0x3  }
0x8a: {  	s0 =	sadd.s32 s1, s0  }
0x8b: {  	[smem:$0x3FBB] =	sst s0  }
0x8c: {  	_ = 	snop  }
0x8d: {  	(tm) =	ssettm $0x1  }
0x8e: {  	s15 =	sld [smem:$0x3FFB];
	_ =	sdelay $0x3  }
0x8f: {  	_ =	strace s15  }
0x90: {  	s0 =	sld [smem:$0x3FFC];
	_ =	sdelay $0x3  }
0x91: {  	_ =	strace s0  }
0x92: {  	s0 =	sld [smem:$0x3FFD];
	_ =	sdelay $0x3  }
0x93: {  	_ =	strace s0  }
0x94: {  	_ =	strace $0x8FFFFFFF  }
0x95: {  	s16 =	sld [smem:$0x3FDB];
	_ =	sdelay $0x1  }
0x96: {  	s17 =	simm.s32 $_scs_section_size  }
0x97: {  	s2 =	simm.s32 $_size__tile_overlayer_lowered;
	s3 =	simm.s32 $_tile_overlayer_lowered  }
0x98: {  	s20 =	simm.s32 $0x1BFF;
	s19 =	sshll.u32 s3, $0x1;
	s0 =	sadd.s32 s17, s16  }
0x99: {  	s4 =	simm.s32 $0x0;
	s18 =	sshll.u32 s2, $0x1;
	s2 =	sadd.s32 s19, s0  }
0x9a: {  	[timem:s4], [sflag:s20] =	dma.local [hbm:s2], s18  }
0x9b: {  	_ =	swait.ge [sflag:s20], s18  }
0x9c: {  	s1 =	ssub.s32 $0x0, s18;
	[sflag:s20] =	ssyncset.done $0x0  }
0x9d: {  	[sflag:s20] =	ssyncadd.s32 s1;
	_ =	sdelay $0x1  }
0x9e: {  	s21 =	simm.s32 $0x1B8B  }
0x9f: {  	_ =	swait.ge [sflag:s21], $0x1  }
0xa0: {  	[sflag:s21] =	ssyncset.done $0x0  }
0xa1: {  	s23 =	simm.s32 $0x1B8E;
	s22 =	sld [smem:$0x3FFE];
	[sflag:s21] =	ssyncadd.s32 $0xFFFFFFFF  }
0xa2: {  	s24 =	simm.s32 $execute0_lowered;
	[smem:$0x3FD2] =	sst s23  }
0xa3: {  	s2 =	sshll.u32 s24, $0x1;
	_ =	strace $0x80000046;
	[dreg:$0x1] =	wrdreg $0xFFFFFFFF  }
0xa4: {  	s25 =	simm.s32 $_size_execute0_lowered;
	s0 =	sadd.s32 s0, s2;
	[dreg:$0x0] =	wrdreg $0x0  }
0xa5: {  	s2 =	sshll.u32 s25, $0x1;
	[dreg:$0x2] =	wrdreg s0  }
0xa6: {  	[dreg:$0x3] =	wrdreg s2  }
0xa7: {  	[dreg:$0x4] =	wrdreg $0xC0  }
0xa8: {  	_ =	task [dreg:s4], $0x5FFFF  }
0xa9: {  	[dreg:$0x1] =	wrdreg $0xFFFFFFFF  }
0xaa: {  	[dreg:$0x0] =	wrdreg $0x60  }
0xab: {  	[dreg:$0x2] =	wrdreg s22  }
0xac: {  	[dreg:$0x3] =	wrdreg $0x9  }
0xad: {  	_ =	task.clear_ibuf [dreg:s4], $0x4FFFF;
	_ =	strace $0x90000046  }
0xae: {  	s26 =	simm.s32 $0x9;
	_ =	strace $0x80000048  }
0xaf: {  	_ =	swait.ge [sflag:s26], $0x1  }
0xb0: {  	[sflag:s26] =	ssyncadd.s32 $0xFFFFFFFF  }
0xb1: {  	_ =	strace $0x90000048  }
0xb2: {  	_ =	sfence  }
0xb3: {  	s28 =	sld [smem:$0x0];
	_ =	sdelay $0x1  }
0xb4: {  	s29 =	srdreg.scid  }
0xb5: {  	s30 =	sshll.u32 s29, $0xD;
	s31 =	sshrl.u32 s29, $0x2  }
0xb6: {  	s1 =	sand.u32 $0x1, s29;
	s2 =	sand.u32 $0x4000, s30;
	s0 =	sadd.s32 s31, s28  }
0xb7: {  	s1 =	sor.u32 s2, s1;
	s0 =	sshll.u32 s0, $0x11  }
0xb8: {  	s0 =	sor.u32 s0, s1  }
0xb9: {  	s0 =	sadd.s32 $0x8F2B, s0  }
0xba: {  	[sflag:s0] =	ssyncadd.remote.s32 $0x1  }
0xbb: {  	_ =	sfence.sel $0xFFFF  }
0xbc: {  	[dreg:$0x0] =	wrdreg $0xFFFFFFFF;
	(pc) =	sbr.abs _section_cstart, $3  }
0xbd: {  	[dreg:$0x1] =	wrdreg $0xFFFFFFFF  }
0xbe: {  	_ =	task.clear_ibuf [dreg:s4], $0x2FFFF;
	_ =	strace $0x9FFFFFFF  }
0xbf: {  	(tm) =	ssettm $0x7FFFFFFF  }
tec
execute0_lowered:
.L_overlay_start_1:
0x0: {  	(tag) =	ssettag $0x1  }
0x1: {  	s8 =	rddreg [dreg:$0x0]  }
0x2: {  	s0 =	rddreg [dreg:$0x1];
	_ =	strace $0x80000047  }
0x3: {  	s4 =	simm.s32 $0x1;
	s1 =	stileid.u32;
	s7 =	simm.s32 $0x1  }
0x4: {  	s9 =	simm.s32 $0x1;
	s6 =	simm.s32 $0x2;
	s10 =	simm.s32 $0x3  }
0x5: {  	s13 =	simm.s32 $0x0;
	s12 =	simm.s32 $0x0;
	s2 =	sadd.s32 $0xC000, s8  }
.Ltmp0:
0x6: {  	s3 =	sadd.s32 $0x16200, s8;
	p0 =	slt.u32 s1, $0xA;
	(pc) =	sbr.rel .LBB2_1-.Ltmp0, $4  }
0x7: {  	[sflag:s4] =	ssyncpa.u1 $0x0;
	s7 =	simm.s32 @!p0 $0x0;
	p0 =	sne.s32 s1, $0x9  }
0x8: {  	s5 =	smul.u32 $0x3390, s1;
	[sflag:s6] =	ssyncpa.u1 $0x0;
	s9 =	simm.s32 @!p0 $0x0  }
0x9: {  	s8 =	sadd.s32 $0x2B000, s8;
	[sflag:s10] =	ssyncpa.u1 $0x0;
	s7 =	sadd.s32 s9, s7  }
0xa: {  	vm0 =	vmmov $0xffff;
	s10 =	simm.s32 $0x0;
	s11 =	smov.u32 s5;
	s9 =	sadd.s32 $0x1, s7  }
.LBB2_4:
0xb: {  	v2 =	vnsel vm1, $0x0, v2  }
0xc: {  	vm1 =	vgt.s32 v0, $0x0;
	v2 =	vmin.u32 v2, $0x5090F  }
0xd: {  	v0 =	vnsel vm1, $0x0, v0  }
0xe: {  	v0 =	vmin.u32 v0, $0x5090F  }
0xf: {  	[tilespmem:s18], [sflag:$0x1] =	stream.indirect_vreg.gather [hbm4b:s2+s10], $0x1, v1, vm0, $0x4038;
	[tilespmem:$0xCE40] =	vst v63  }
0x10: {  	(ifvalue) =	ssetifvalue $0x7FFFFFFF  }
0x11: {  	[tilespmem:s15], [sflag:$0x1] =	stream.indirect_vreg.gather [hbm4b:s2+s10], $0x1, v2, vm0, $0x4038;
	[tilespmem:$0xCE40] =	vst v63  }
0x12: {  	s29 =	sadd.s32 $0x10, s15;
	(ifvalue) =	ssetifvalue $0x7FFFFFFF  }
0x13: {  	[tilespmem:s29], [sflag:$0x1] =	stream.indirect_vreg.gather [hbm4b:s2+s10], $0x1, v0, vm0, $0x4038;
	[tilespmem:$0xCE40] =	vst v63  }
0x14: {  	_ =	swait.ge [sflag:s4], $0x3390  }
0x15: {  	s30 =	sshrl.u32 s13, $0x3;
	[sflag:s4] =	ssyncset.done $0x0  }
0x16: {  	s31 =	sand.u32 $0x7, s13;
	s15 =	sadd.s32 s8, s30;
	[sflag:s4] =	ssyncadd.s32 $0xFFFFCC70  }
0x17: {  	[hbm4b:s15+s31] =	stream.linear.scatter [tilespmem:s14], [sflag:$0x3], $0x3390, $0x38;
	[tilespmem:$0xCE40] =	vst v63  }
.LBB2_5:
0x18: {  	s15 =	sadd.s32 $0x33900, s11  }
0x19: {  	p1 =	sgt.s32 s15, $0x5090F  }
0x1a: {  	s15 =	smov.u32 @p1 s5;
	p1 =	sne.s32 s12, s9  }
.Ltmp1:
0x1b: {  	p0 =	slt.u32 s12, $0x2;
	(pc) =	sbr.rel @!p1 .LBB2_6-.Ltmp1, $4  }
0x1c: {  	s14 =	simm.s32 @!p0 $0x3  }
0x1d: {  	_ =	swait.ge @!p0 [sflag:s14], $0x3390  }
0x1e: {  	s16 =	sadd.s32 $0x1, s12;
	s13 =	smov.u32 s11;
	[sflag:s14] =	ssyncset.done @!p0 $0x0  }
0x1f: {  	s12 =	smov.u32 s16;
	s11 =	smov.u32 s15;
	[sflag:s14] =	ssyncadd.s32 @!p0 $0xFFFFCC70  }
.LBB2_1:
0x20: {  	p0 =	sge.u32 s12, s7  }
0x21: {  	s14 =	sxor.u32 @!p0 $0x1, s12  }
0x22: {  	s14 =	smul.u32 @!p0 $0xCE40, s14  }
0x23: {  	s31 =	sadd.s32 $0xFFFFFFFF, s12;
	s15 =	sshrl.u32 @!p0 s11, $0x3  }
0x24: {  	s16 =	sand.u32 @!p0 $0x7, s11;
	s15 =	sadd.s32 @!p0 s3, s15;
	s14 =	sshra.s32 @!p0 s14, $0x2  }
0x25: {  	[tilespmem:s14], [sflag:$0x2] =	stream.linear.gather @!p0 [hbm4b:s15+s16], $0x3390, $0x38;
	[tilespmem:$0xCE40] =	vst v63  }
0x26: {  	p0 =	sge.u32 s31, s7  }
.Ltmp2:
0x27: {  	_ = 	snop;
	(pc) =	sbr.rel @p0 .LBB2_5-.Ltmp2, $1  }
0x28: {  	_ =	sdelay $0x3  }
0x29: {  	s14 =	sand.u32 $0x1, s12  }
0x2a: {  	_ =	swait.ge [sflag:s6], $0x3390;
	p0 =	seq.s32 s14, $0x1;
	s14 =	simm.s32 $0x3390  }
0x2b: {  	[sflag:s6] =	ssyncset.done $0x0;
	s14 =	simm.s32 @!p0 $0x0  }
0x2c: {  	[sflag:s6] =	ssyncadd.s32 $0xFFFFCC70;
	(ifvalue) =	ssetifvalue $0x7FFFFFFF;
	v0 =	vld.msk [tilespmem:s14+$0x0 ss:$0x1], $0xffff;
	_ =	sdelay $0x4  }
0x2d: {  	s15 =	sadd.s32 $0x10, s14;
	vm1 =	vgt.s32 v0, $0x0  }
0x2e: {  	v2 =	vld.msk [tilespmem:s15+$0x0 ss:$0x1], $0xffff;
	v1 =	vnsel vm1, $0x0, v0  }
0x2f: {  	v1 =	vmin.u32 v1, $0x5090F;
	_ =	sdelay $0x2  }
0x30: {  	s17 =	simm.s32 $0x20;
	s14 =	sadd.s32 $0x6720, s14;
	s16 =	sadd.s32 $0x10, s15  }
0x31: {  	s15 =	sadd.s32 $0x10, s14;
	s18 =	smov.u32 s14;
	v0 =	vld.msk [tilespmem:s16+$0x0 ss:$0x1], $0xffff;
	vm1 =	vgt.s32 v2, $0x0;
	(ifvalue) =	ssetifvalue $0x7FFFFFFF  }
.LBB2_3:
0x32: {  	[tilespmem:s18], [sflag:$0x1] =	stream.indirect_vreg.gather [hbm4b:s2+s10], $0x1, v1, vm0, $0x4038;
	[tilespmem:$0xCE40] =	vst v63  }
0x33: {  	s17 =	sadd.s32 $0x10, s17  }
0x34: {  	v2 =	vnsel vm1, $0x0, v2;
	p0 =	slt.u32 s17, $0x3380  }
.Ltmp3:
0x35: {  	s18 =	smov.u32 s15;
	v1 =	vmin.u32 v2, $0x5090F;
	(pc) =	sbr.rel @p0 .LBB2_3-.Ltmp3, $3  }
0x36: {  	_ =	sdelay $0x1  }
0x37: {  	s16 =	sadd.s32 $0x10, s16  }
0x38: {  	vm1 =	vgt.s32 v0, $0x0;
	s15 =	sadd.s32 $0x10, s15;
	v2 =	vmov v0;
	(ifvalue) =	ssetifvalue $0x7FFFFFFF;
	v0 =	vld.msk [tilespmem:s16+$0x0 ss:$0x1], $0xffff  }
.Ltmp4:
0x39: {  	_ = 	snop;
	(pc) =	sbr.rel .LBB2_4-.Ltmp4, $1  }
0x3a: {  	_ =	sdelay $0x3  }
.LBB2_6:
0x3b: {  	_ =	sfence.sel $0x180000  }
0x3c: {  	s2 =	simm.s32 $0x2;
	[bflag:$0x0] =	sbarrier.arrive $0xFFFF  }
0x3d: {  	s30 =	simm.s32 $0x3;
	[sflag:s2] =	ssyncpa.u1 $0x1  }
0x3e: {  	s31 =	simm.s32 $0x1;
	[sflag:s30] =	ssyncpa.u1 $0x1  }
0x3f: {  	[sflag:s31] =	ssyncpa.u1 $0x1  }
0x40: {  	p0 =	sne.s32 s1, $0x0;
	_ =	strace $0x90000047  }
0x41: {  	s0 =	sadd.s32 @!p0 $0x100000, s0;
	[bflag:$0x2] =	sbarrier.arrive $0xFFFF  }
0x42: {  	[sflag:s0] =	ssyncadd.tile.s32 @!p0 $0x1;
	_ =	shalt  }
.Lfunc_end2:
_tile_overlayer_lowered:
.L_overlay_start_2:
0x43: {  	(tag) =	ssettag $0x2  }
0x44: {  	s0 =	rddreg [dreg:$0x0];
	s2 =	stileid.u32  }
0x45: {  	s1 =	rddreg [dreg:$0x1];
	p0 =	sne.s32 s2, $0x0  }
0x46: {  	s3 =	rddreg [dreg:$0x2];
	[bflag:$0x3] =	sbarrier.arrive $0xFFFF;
	s2 =	simm.s32 @!p0 $0x1C01  }
0x47: {  	[timem:s3], [sflag:s2] =	dma.local @!p0 [hbm:s0], s1  }
0x48: {  	s0 =	simm.s32 @!p0 $0x1  }
0x49: {  	_ =	swait.ge @!p0 [sflag:s0], s1  }
0x4a: {  	s1 =	ssub.s32 @!p0 $0x0, s1;
	[sflag:s0] =	ssyncset.done @!p0 $0x0  }
0x4b: {  	[sflag:s0] =	ssyncadd.s32 @!p0 s1  }
0x4c: {  	[bflag:$0x3] =	sbarrier.arrive $0xFFFF  }
0x4d: {  	_ =	shalt  }

// kernel: gather_offload_async_start.2
scs
__scs_entry_jumppad:
0x0: {  	(pc) =	sbr.rel $0x88, $3  }
0x1: {  	(tag) =	ssettag $0x0;
	lr =	simm.s32 $0x1  }
0x2: {  	[smem:$0x3F94] =	sst lr;
	_ =	strace $0xD0000000  }
0x3: {  	_ = 	snop  }
0x4: {  	_ = 	snop  }
0x5: {  	_ = 	snop  }
0x6: {  	_ = 	snop  }
0x7: {  	_ = 	snop  }
__scs_overlays_trampoline_lowered:
0x8: {  	[smem:$0x3FA3] =	sst s0  }
0x9: {  	[smem:$0x3FA4] =	sst s1  }
0xa: {  	[smem:$0x3FA5] =	sst s2  }
0xb: {  	[smem:$0x3FA6] =	sst s3  }
0xc: {  	[smem:$0x3FA7] =	sst s4  }
0xd: {  	[smem:$0x3FA8] =	sst s5  }
0xe: {  	[smem:$0x3FA9] =	sst s6  }
0xf: {  	[smem:$0x3FAA] =	sst s7  }
0x10: {  	[smem:$0x3FAB] =	sst s8  }
0x11: {  	[smem:$0x3FAC] =	sst s9;
	s0 =	simm.s32 @!p0 $0x0  }
0x12: {  	s1 =	sld [smem:$0x3F92];
	s0 =	simm.s32 @p0 $0x1  }
0x13: {  	[smem:$0x3FAD] =	sst s0;
	s0 =	simm.s32 @!p1 $0x0  }
0x14: {  	s2 =	sld [smem:$0x3F91];
	s0 =	simm.s32 @p1 $0x1  }
0x15: {  	[smem:$0x3FAE] =	sst s0;
	s0 =	simm.s32 @!p2 $0x0  }
0x16: {  	s3 =	sld [smem:$0x3FDB];
	s0 =	simm.s32 @p2 $0x1  }
0x17: {  	s4 =	simm.s32 $0x1BF5;
	[smem:$0x3FB0] =	sst s0  }
0x18: {  	s0 =	sld [smem:$0x3F93];
	_ =	swait.ge [sflag:s4], $0x0  }
0x19: {  	s7 =	sld [smem:$0x3F94]  }
0x1a: {  	s8 =	sadd.s32 $0xFFFFE003, lr  }
0x1b: {  	s9 =	sadd.s32 $0xFFFFFEF7, lr;
	s5 =	simm.s32 $0xFFFFFFFF;
	p2 =	slt.u32 s8, $0xFFFFF086  }
0x1c: {  	p1 =	slt.u32 s9, $0xF7A;
	s5 =	simm.s32 @!p2 $0x0  }
0x1d: {  	s5 =	simm.s32 @p1 $0x1;
	p0 =	seq.s32 s7, s2  }
0x1e: {  	s7 =	smul.u32 @!p0 $0xF7A, s2;
	p2 =	seq.s32 @!p0 s5, $0x0  }
0x1f: {  	s9 =	smul.u32 $0xF7A, s1;
	s8 =	simm.s32 @!p0 $0x1BF5;
	p2 =	por !p2, p0  }
0x20: {  	[sflag:s8] =	ssyncset.s32 @!p0 $0xFFFFF086;
	s6 =	sadd.s32 @!p0 s3, s7;
	s7 =	simm.s32 @!p0 $0x108  }
0x21: {  	s3 =	sadd.s32 s3, s9;
	s6 =	sadd.s32 @!p0 $0x88, s6;
	s7 =	simm.s32 @p2 $0x1082  }
0x22: {  	[simem:s7], [sflag:s8] =	dma.local @!p0 [hbm:s6], $0xF7A  }
0x23: {  	s9 =	sor.u32 $0xD0000000, s2;
	s6 =	simm.s32 $0x108;
	_ =	swait.ge @!p0 [sflag:s8], $0x0  }
0x24: {  	s3 =	sadd.s32 $0x88, s3;
	s6 =	simm.s32 @!p1 $0x1082;
	[sflag:s4] =	ssyncset.s32 $0xFFFFF086  }
0x25: {  	[simem:s6], [sflag:s4] =	dma.local [hbm:s3], $0xF7A  }
0x26: {  	[smem:$0x3F94] =	sst s1;
	(tag) =	ssettag s2;
	_ =	strace s9  }
0x27: {  	s1 =	sld [smem:$0x3FA4]  }
0x28: {  	s2 =	sld [smem:$0x3FA5]  }
0x29: {  	s4 =	sld [smem:$0x3FA7]  }
0x2a: {  	p0 =	seq.s32 s5, $0x0;
	s5 =	sld [smem:$0x3FA8]  }
0x2b: {  	s6 =	sld [smem:$0x3FA9]  }
0x2c: {  	s7 =	sld [smem:$0x3FAA]  }
0x2d: {  	s3 =	simm.s32 $0x108;
	s8 =	sld [smem:$0x3FAB]  }
0x2e: {  	s3 =	simm.s32 @!p0 $0x1082;
	s9 =	sld [smem:$0x3FAC]  }
0x2f: {  	lr =	sadd.s32 s0, s3;
	s0 =	sld [smem:$0x3FA3]  }
0x30: {  	s3 =	sld [smem:$0x3FA6]  }
0x31: {  	[smem:$0x3FAF] =	sst s10  }
0x32: {  	s10 =	sld [smem:$0x3FAD];
	_ =	sdelay $0x3  }
0x33: {  	p0 =	seq.s32 s10, $0x1;
	s10 =	sld [smem:$0x3FAF];
	_ =	sdelay $0x3  }
0x34: {  	[smem:$0x3FAF] =	sst s10  }
0x35: {  	s10 =	sld [smem:$0x3FAE];
	_ =	sdelay $0x3  }
0x36: {  	p1 =	seq.s32 s10, $0x1;
	s10 =	sld [smem:$0x3FAF];
	_ =	sdelay $0x3  }
0x37: {  	[smem:$0x3FAF] =	sst s10  }
0x38: {  	s10 =	sld [smem:$0x3FB0]  }
0x39: {  	_ = 	snop;
	(pc) =	sbr.ind lr, $3  }
0x3a: {  	_ = 	snop  }
0x3b: {  	_ = 	snop  }
0x3c: {  	p2 =	seq.s32 s10, $0x1;
	s10 =	sld [smem:$0x3FAF]  }
0x3d: {  	_ =	shalt  }
0x3e: {  	_ =	shalt  }
0x3f: {  	_ =	shalt  }
0x40: {  	_ =	shalt  }
0x41: {  	_ =	shalt  }
0x42: {  	_ =	shalt  }
0x43: {  	_ =	shalt  }
0x44: {  	_ =	shalt  }
0x45: {  	_ =	shalt  }
0x46: {  	_ =	shalt  }
0x47: {  	_ =	shalt  }
0x48: {  	_ =	shalt  }
0x49: {  	_ =	shalt  }
0x4a: {  	_ =	shalt  }
0x4b: {  	_ =	shalt  }
0x4c: {  	_ =	shalt  }
0x4d: {  	_ =	shalt  }
0x4e: {  	_ =	shalt  }
0x4f: {  	_ =	shalt  }
0x50: {  	_ =	shalt  }
0x51: {  	_ =	shalt  }
0x52: {  	_ =	shalt  }
0x53: {  	_ =	shalt  }
0x54: {  	_ =	shalt  }
0x55: {  	_ =	shalt  }
0x56: {  	_ =	shalt  }
0x57: {  	_ =	shalt  }
0x58: {  	_ =	shalt  }
0x59: {  	_ =	shalt  }
0x5a: {  	_ =	shalt  }
0x5b: {  	_ =	shalt  }
0x5c: {  	_ =	shalt  }
0x5d: {  	_ =	shalt  }
0x5e: {  	_ =	shalt  }
0x5f: {  	_ =	shalt  }
0x60: {  	_ =	shalt  }
0x61: {  	_ =	shalt  }
0x62: {  	_ =	shalt  }
0x63: {  	_ =	shalt  }
0x64: {  	_ =	shalt  }
0x65: {  	_ =	shalt  }
0x66: {  	_ =	shalt  }
0x67: {  	_ =	shalt  }
0x68: {  	_ =	shalt  }
0x69: {  	_ =	shalt  }
0x6a: {  	_ =	shalt  }
0x6b: {  	_ =	shalt  }
0x6c: {  	_ =	shalt  }
0x6d: {  	_ =	shalt  }
0x6e: {  	_ =	shalt  }
0x6f: {  	_ =	shalt  }
0x70: {  	_ =	shalt  }
0x71: {  	_ =	shalt  }
0x72: {  	_ =	shalt  }
0x73: {  	_ =	shalt  }
0x74: {  	_ =	shalt  }
0x75: {  	_ =	shalt  }
0x76: {  	_ =	shalt  }
0x77: {  	_ =	shalt  }
0x78: {  	_ =	shalt  }
0x79: {  	_ =	shalt  }
0x7a: {  	_ =	shalt  }
0x7b: {  	_ =	shalt  }
0x7c: {  	_ =	shalt  }
0x7d: {  	_ =	shalt  }
0x7e: {  	_ =	shalt  }
0x7f: {  	_ =	shalt  }
0x80: {  	_ =	shalt  }
0x81: {  	_ =	shalt  }
0x82: {  	_ =	shalt  }
0x83: {  	_ =	shalt  }
0x84: {  	_ =	shalt  }
0x85: {  	_ =	shalt  }
0x86: {  	_ =	shalt  }
0x87: {  	_ =	shalt  }
.Lfunc_end0:
.L_simem_size_0:
called_computation.2_lowered:
.L_overlay_start_0:
0x88: {  	s0 =	sld [smem:$0x3FD9]  }
0x89: {  	s1 =	sld [smem:$0x3FFE];
	_ =	sdelay $0x3  }
0x8a: {  	s0 =	sadd.s32 s1, s0  }
0x8b: {  	[smem:$0x3FBB] =	sst s0  }
0x8c: {  	_ = 	snop  }
0x8d: {  	(tm) =	ssettm $0x1  }
0x8e: {  	s15 =	sld [smem:$0x3FFB];
	_ =	sdelay $0x3  }
0x8f: {  	_ =	strace s15  }
0x90: {  	s0 =	sld [smem:$0x3FFC];
	_ =	sdelay $0x3  }
0x91: {  	_ =	strace s0  }
0x92: {  	s0 =	sld [smem:$0x3FFD];
	_ =	sdelay $0x3  }
0x93: {  	_ =	strace s0  }
0x94: {  	_ =	strace $0x8FFFFFFF  }
0x95: {  	s16 =	sld [smem:$0x3FDB];
	_ =	sdelay $0x1  }
0x96: {  	s17 =	simm.s32 $_scs_section_size  }
0x97: {  	s2 =	simm.s32 $_size__tile_overlayer_lowered;
	s3 =	simm.s32 $_tile_overlayer_lowered  }
0x98: {  	s20 =	simm.s32 $0x1BFF;
	s19 =	sshll.u32 s3, $0x1;
	s0 =	sadd.s32 s17, s16  }
0x99: {  	s4 =	simm.s32 $0x0;
	s18 =	sshll.u32 s2, $0x1;
	s2 =	sadd.s32 s19, s0  }
0x9a: {  	[timem:s4], [sflag:s20] =	dma.local [hbm:s2], s18  }
0x9b: {  	_ =	swait.ge [sflag:s20], s18  }
0x9c: {  	s1 =	ssub.s32 $0x0, s18;
	[sflag:s20] =	ssyncset.done $0x0  }
0x9d: {  	[sflag:s20] =	ssyncadd.s32 s1;
	_ =	sdelay $0x1  }
0x9e: {  	s21 =	simm.s32 $0x1B8B  }
0x9f: {  	_ =	swait.ge [sflag:s21], $0x1  }
0xa0: {  	[sflag:s21] =	ssyncset.done $0x0  }
0xa1: {  	s23 =	simm.s32 $0x1B8E;
	s22 =	sld [smem:$0x3FFE];
	[sflag:s21] =	ssyncadd.s32 $0xFFFFFFFF  }
0xa2: {  	s24 =	simm.s32 $execute0_lowered;
	[smem:$0x3FD2] =	sst s23  }
0xa3: {  	s2 =	sshll.u32 s24, $0x1;
	_ =	strace $0x8000004C;
	[dreg:$0x1] =	wrdreg $0xFFFFFFFF  }
0xa4: {  	s25 =	simm.s32 $_size_execute0_lowered;
	s0 =	sadd.s32 s0, s2;
	[dreg:$0x0] =	wrdreg $0x0  }
0xa5: {  	s2 =	sshll.u32 s25, $0x1;
	[dreg:$0x2] =	wrdreg s0  }
0xa6: {  	[dreg:$0x3] =	wrdreg s2  }
0xa7: {  	[dreg:$0x4] =	wrdreg $0xC0  }
0xa8: {  	_ =	task [dreg:s4], $0x5FFFF  }
0xa9: {  	[dreg:$0x1] =	wrdreg $0xFFFFFFFF  }
0xaa: {  	[dreg:$0x0] =	wrdreg $0x60  }
0xab: {  	[dreg:$0x2] =	wrdreg s22  }
0xac: {  	[dreg:$0x3] =	wrdreg $0x9  }
0xad: {  	_ =	task.clear_ibuf [dreg:s4], $0x4FFFF;
	_ =	strace $0x9000004C  }
0xae: {  	s26 =	simm.s32 $0x9;
	_ =	strace $0x8000004E  }
0xaf: {  	_ =	swait.ge [sflag:s26], $0x1  }
0xb0: {  	[sflag:s26] =	ssyncadd.s32 $0xFFFFFFFF  }
0xb1: {  	_ =	strace $0x9000004E  }
0xb2: {  	_ =	sfence  }
0xb3: {  	s28 =	sld [smem:$0x0];
	_ =	sdelay $0x1  }
0xb4: {  	s29 =	srdreg.scid  }
0xb5: {  	s30 =	sshll.u32 s29, $0xD;
	s31 =	sshrl.u32 s29, $0x2  }
0xb6: {  	s1 =	sand.u32 $0x1, s29;
	s2 =	sand.u32 $0x4000, s30;
	s0 =	sadd.s32 s31, s28  }
0xb7: {  	s1 =	sor.u32 s2, s1;
	s0 =	sshll.u32 s0, $0x11  }
0xb8: {  	s0 =	sor.u32 s0, s1  }
0xb9: {  	s0 =	sadd.s32 $0x8F2B, s0  }
0xba: {  	[sflag:s0] =	ssyncadd.remote.s32 $0x1  }
0xbb: {  	_ =	sfence.sel $0xFFFF  }
0xbc: {  	[dreg:$0x0] =	wrdreg $0xFFFFFFFF;
	(pc) =	sbr.abs _section_cstart, $3  }
0xbd: {  	[dreg:$0x1] =	wrdreg $0xFFFFFFFF  }
0xbe: {  	_ =	task.clear_ibuf [dreg:s4], $0x2FFFF;
	_ =	strace $0x9FFFFFFF  }
0xbf: {  	(tm) =	ssettm $0x7FFFFFFF  }
tec
execute0_lowered:
.L_overlay_start_1:
0x0: {  	(tag) =	ssettag $0x1  }
0x1: {  	s8 =	rddreg [dreg:$0x0]  }
0x2: {  	s0 =	rddreg [dreg:$0x1];
	_ =	strace $0x8000004D  }
0x3: {  	s4 =	simm.s32 $0x1;
	s1 =	stileid.u32;
	s7 =	simm.s32 $0x1  }
0x4: {  	s9 =	simm.s32 $0x1;
	s6 =	simm.s32 $0x2;
	s10 =	simm.s32 $0x3  }
0x5: {  	s13 =	simm.s32 $0x0;
	s12 =	simm.s32 $0x0;
	s2 =	sadd.s32 $0x20E00, s8  }
.Ltmp0:
0x6: {  	s3 =	sadd.s32 $0x16200, s8;
	p0 =	slt.u32 s1, $0xA;
	(pc) =	sbr.rel .LBB2_1-.Ltmp0, $4  }
0x7: {  	[sflag:s4] =	ssyncpa.u1 $0x0;
	s7 =	simm.s32 @!p0 $0x0;
	p0 =	sne.s32 s1, $0x9  }
0x8: {  	s5 =	smul.u32 $0x3390, s1;
	[sflag:s6] =	ssyncpa.u1 $0x0;
	s9 =	simm.s32 @!p0 $0x0  }
0x9: {  	s8 =	sadd.s32 $0x2B000, s8;
	[sflag:s10] =	ssyncpa.u1 $0x0;
	s7 =	sadd.s32 s9, s7  }
0xa: {  	vm0 =	vmmov $0xffff;
	s10 =	simm.s32 $0x0;
	s11 =	smov.u32 s5;
	s9 =	sadd.s32 $0x1, s7  }
.LBB2_4:
0xb: {  	v2 =	vnsel vm1, $0x0, v2  }
0xc: {  	vm1 =	vgt.s32 v0, $0x0;
	v2 =	vmin.u32 v2, $0x5090F  }
0xd: {  	v0 =	vnsel vm1, $0x0, v0  }
0xe: {  	v0 =	vmin.u32 v0, $0x5090F  }
0xf: {  	[tilespmem:s18], [sflag:$0x1] =	stream.indirect_vreg.gather [hbm4b:s2+s10], $0x1, v1, vm0, $0x4038;
	[tilespmem:$0xCE40] =	vst v63  }
0x10: {  	(ifvalue) =	ssetifvalue $0x7FFFFFFF  }
0x11: {  	[tilespmem:s15], [sflag:$0x1] =	stream.indirect_vreg.gather [hbm4b:s2+s10], $0x1, v2, vm0, $0x4038;
	[tilespmem:$0xCE40] =	vst v63  }
0x12: {  	s29 =	sadd.s32 $0x10, s15;
	(ifvalue) =	ssetifvalue $0x7FFFFFFF  }
0x13: {  	[tilespmem:s29], [sflag:$0x1] =	stream.indirect_vreg.gather [hbm4b:s2+s10], $0x1, v0, vm0, $0x4038;
	[tilespmem:$0xCE40] =	vst v63  }
0x14: {  	_ =	swait.ge [sflag:s4], $0x3390  }
0x15: {  	s30 =	sshrl.u32 s13, $0x3;
	[sflag:s4] =	ssyncset.done $0x0  }
0x16: {  	s31 =	sand.u32 $0x7, s13;
	s15 =	sadd.s32 s8, s30;
	[sflag:s4] =	ssyncadd.s32 $0xFFFFCC70  }
0x17: {  	[hbm4b:s15+s31] =	stream.linear.scatter [tilespmem:s14], [sflag:$0x3], $0x3390, $0x38;
	[tilespmem:$0xCE40] =	vst v63  }
.LBB2_5:
0x18: {  	s15 =	sadd.s32 $0x33900, s11  }
0x19: {  	p1 =	sgt.s32 s15, $0x5090F  }
0x1a: {  	s15 =	smov.u32 @p1 s5;
	p1 =	sne.s32 s12, s9  }
.Ltmp1:
0x1b: {  	p0 =	slt.u32 s12, $0x2;
	(pc) =	sbr.rel @!p1 .LBB2_6-.Ltmp1, $4  }
0x1c: {  	s14 =	simm.s32 @!p0 $0x3  }
0x1d: {  	_ =	swait.ge @!p0 [sflag:s14], $0x3390  }
0x1e: {  	s16 =	sadd.s32 $0x1, s12;
	s13 =	smov.u32 s11;
	[sflag:s14] =	ssyncset.done @!p0 $0x0  }
0x1f: {  	s12 =	smov.u32 s16;
	s11 =	smov.u32 s15;
	[sflag:s14] =	ssyncadd.s32 @!p0 $0xFFFFCC70  }
.LBB2_1:
0x20: {  	p0 =	sge.u32 s12, s7  }
0x21: {  	s14 =	sxor.u32 @!p0 $0x1, s12  }
0x22: {  	s14 =	smul.u32 @!p0 $0xCE40, s14  }
0x23: {  	s31 =	sadd.s32 $0xFFFFFFFF, s12;
	s15 =	sshrl.u32 @!p0 s11, $0x3  }
0x24: {  	s16 =	sand.u32 @!p0 $0x7, s11;
	s15 =	sadd.s32 @!p0 s3, s15;
	s14 =	sshra.s32 @!p0 s14, $0x2  }
0x25: {  	[tilespmem:s14], [sflag:$0x2] =	stream.linear.gather @!p0 [hbm4b:s15+s16], $0x3390, $0x38;
	[tilespmem:$0xCE40] =	vst v63  }
0x26: {  	p0 =	sge.u32 s31, s7  }
.Ltmp2:
0x27: {  	_ = 	snop;
	(pc) =	sbr.rel @p0 .LBB2_5-.Ltmp2, $1  }
0x28: {  	_ =	sdelay $0x3  }
0x29: {  	s14 =	sand.u32 $0x1, s12  }
0x2a: {  	_ =	swait.ge [sflag:s6], $0x3390;
	p0 =	seq.s32 s14, $0x1;
	s14 =	simm.s32 $0x3390  }
0x2b: {  	[sflag:s6] =	ssyncset.done $0x0;
	s14 =	simm.s32 @!p0 $0x0  }
0x2c: {  	[sflag:s6] =	ssyncadd.s32 $0xFFFFCC70;
	(ifvalue) =	ssetifvalue $0x7FFFFFFF;
	v0 =	vld.msk [tilespmem:s14+$0x0 ss:$0x1], $0xffff;
	_ =	sdelay $0x4  }
0x2d: {  	s15 =	sadd.s32 $0x10, s14;
	vm1 =	vgt.s32 v0, $0x0  }
0x2e: {  	v2 =	vld.msk [tilespmem:s15+$0x0 ss:$0x1], $0xffff;
	v1 =	vnsel vm1, $0x0, v0  }
0x2f: {  	v1 =	vmin.u32 v1, $0x5090F;
	_ =	sdelay $0x2  }
0x30: {  	s17 =	simm.s32 $0x20;
	s14 =	sadd.s32 $0x6720, s14;
	s16 =	sadd.s32 $0x10, s15  }
0x31: {  	s15 =	sadd.s32 $0x10, s14;
	s18 =	smov.u32 s14;
	v0 =	vld.msk [tilespmem:s16+$0x0 ss:$0x1], $0xffff;
	vm1 =	vgt.s32 v2, $0x0;
	(ifvalue) =	ssetifvalue $0x7FFFFFFF  }
.LBB2_3:
0x32: {  	[tilespmem:s18], [sflag:$0x1] =	stream.indirect_vreg.gather [hbm4b:s2+s10], $0x1, v1, vm0, $0x4038;
	[tilespmem:$0xCE40] =	vst v63  }
0x33: {  	s17 =	sadd.s32 $0x10, s17  }
0x34: {  	v2 =	vnsel vm1, $0x0, v2;
	p0 =	slt.u32 s17, $0x3380  }
.Ltmp3:
0x35: {  	s18 =	smov.u32 s15;
	v1 =	vmin.u32 v2, $0x5090F;
	(pc) =	sbr.rel @p0 .LBB2_3-.Ltmp3, $3  }
0x36: {  	_ =	sdelay $0x1  }
0x37: {  	s16 =	sadd.s32 $0x10, s16  }
0x38: {  	vm1 =	vgt.s32 v0, $0x0;
	s15 =	sadd.s32 $0x10, s15;
	v2 =	vmov v0;
	(ifvalue) =	ssetifvalue $0x7FFFFFFF;
	v0 =	vld.msk [tilespmem:s16+$0x0 ss:$0x1], $0xffff  }
.Ltmp4:
0x39: {  	_ = 	snop;
	(pc) =	sbr.rel .LBB2_4-.Ltmp4, $1  }
0x3a: {  	_ =	sdelay $0x3  }
.LBB2_6:
0x3b: {  	_ =	sfence.sel $0x180000  }
0x3c: {  	s2 =	simm.s32 $0x2;
	[bflag:$0x0] =	sbarrier.arrive $0xFFFF  }
0x3d: {  	s30 =	simm.s32 $0x3;
	[sflag:s2] =	ssyncpa.u1 $0x1  }
0x3e: {  	s31 =	simm.s32 $0x1;
	[sflag:s30] =	ssyncpa.u1 $0x1  }
0x3f: {  	[sflag:s31] =	ssyncpa.u1 $0x1  }
0x40: {  	p0 =	sne.s32 s1, $0x0;
	_ =	strace $0x9000004D  }
0x41: {  	s0 =	sadd.s32 @!p0 $0x100000, s0;
	[bflag:$0x2] =	sbarrier.arrive $0xFFFF  }
0x42: {  	[sflag:s0] =	ssyncadd.tile.s32 @!p0 $0x1;
	_ =	shalt  }
.Lfunc_end2:
_tile_overlayer_lowered:
.L_overlay_start_2:
0x43: {  	(tag) =	ssettag $0x2  }
0x44: {  	s0 =	rddreg [dreg:$0x0];
	s2 =	stileid.u32  }
0x45: {  	s1 =	rddreg [dreg:$0x1];
	p0 =	sne.s32 s2, $0x0  }
0x46: {  	s3 =	rddreg [dreg:$0x2];
	[bflag:$0x3] =	sbarrier.arrive $0xFFFF;
	s2 =	simm.s32 @!p0 $0x1C01  }
0x47: {  	[timem:s3], [sflag:s2] =	dma.local @!p0 [hbm:s0], s1  }
0x48: {  	s0 =	simm.s32 @!p0 $0x1  }
0x49: {  	_ =	swait.ge @!p0 [sflag:s0], s1  }
0x4a: {  	s1 =	ssub.s32 @!p0 $0x0, s1;
	[sflag:s0] =	ssyncset.done @!p0 $0x0  }
0x4b: {  	[sflag:s0] =	ssyncadd.s32 @!p0 s1  }
0x4c: {  	[bflag:$0x3] =	sbarrier.arrive $0xFFFF  }
0x4d: {  	_ =	shalt  }

// kernel: gather_offload_async_start
scs
__scs_entry_jumppad:
0x0: {  	(pc) =	sbr.rel $0x88, $3  }
0x1: {  	(tag) =	ssettag $0x0;
	lr =	simm.s32 $0x1  }
0x2: {  	[smem:$0x3F94] =	sst lr;
	_ =	strace $0xD0000000  }
0x3: {  	_ = 	snop  }
0x4: {  	_ = 	snop  }
0x5: {  	_ = 	snop  }
0x6: {  	_ = 	snop  }
0x7: {  	_ = 	snop  }
__scs_overlays_trampoline_lowered:
0x8: {  	[smem:$0x3FA3] =	sst s0  }
0x9: {  	[smem:$0x3FA4] =	sst s1  }
0xa: {  	[smem:$0x3FA5] =	sst s2  }
0xb: {  	[smem:$0x3FA6] =	sst s3  }
0xc: {  	[smem:$0x3FA7] =	sst s4  }
0xd: {  	[smem:$0x3FA8] =	sst s5  }
0xe: {  	[smem:$0x3FA9] =	sst s6  }
0xf: {  	[smem:$0x3FAA] =	sst s7  }
0x10: {  	[smem:$0x3FAB] =	sst s8  }
0x11: {  	[smem:$0x3FAC] =	sst s9;
	s0 =	simm.s32 @!p0 $0x0  }
0x12: {  	s1 =	sld [smem:$0x3F92];
	s0 =	simm.s32 @p0 $0x1  }
0x13: {  	[smem:$0x3FAD] =	sst s0;
	s0 =	simm.s32 @!p1 $0x0  }
0x14: {  	s2 =	sld [smem:$0x3F91];
	s0 =	simm.s32 @p1 $0x1  }
0x15: {  	[smem:$0x3FAE] =	sst s0;
	s0 =	simm.s32 @!p2 $0x0  }
0x16: {  	s3 =	sld [smem:$0x3FDB];
	s0 =	simm.s32 @p2 $0x1  }
0x17: {  	s4 =	simm.s32 $0x1BF5;
	[smem:$0x3FB0] =	sst s0  }
0x18: {  	s0 =	sld [smem:$0x3F93];
	_ =	swait.ge [sflag:s4], $0x0  }
0x19: {  	s7 =	sld [smem:$0x3F94]  }
0x1a: {  	s8 =	sadd.s32 $0xFFFFE003, lr  }
0x1b: {  	s9 =	sadd.s32 $0xFFFFFEF7, lr;
	s5 =	simm.s32 $0xFFFFFFFF;
	p2 =	slt.u32 s8, $0xFFFFF086  }
0x1c: {  	p1 =	slt.u32 s9, $0xF7A;
	s5 =	simm.s32 @!p2 $0x0  }
0x1d: {  	s5 =	simm.s32 @p1 $0x1;
	p0 =	seq.s32 s7, s2  }
0x1e: {  	s7 =	smul.u32 @!p0 $0xF7A, s2;
	p2 =	seq.s32 @!p0 s5, $0x0  }
0x1f: {  	s9 =	smul.u32 $0xF7A, s1;
	s8 =	simm.s32 @!p0 $0x1BF5;
	p2 =	por !p2, p0  }
0x20: {  	[sflag:s8] =	ssyncset.s32 @!p0 $0xFFFFF086;
	s6 =	sadd.s32 @!p0 s3, s7;
	s7 =	simm.s32 @!p0 $0x108  }
0x21: {  	s3 =	sadd.s32 s3, s9;
	s6 =	sadd.s32 @!p0 $0x88, s6;
	s7 =	simm.s32 @p2 $0x1082  }
0x22: {  	[simem:s7], [sflag:s8] =	dma.local @!p0 [hbm:s6], $0xF7A  }
0x23: {  	s9 =	sor.u32 $0xD0000000, s2;
	s6 =	simm.s32 $0x108;
	_ =	swait.ge @!p0 [sflag:s8], $0x0  }
0x24: {  	s3 =	sadd.s32 $0x88, s3;
	s6 =	simm.s32 @!p1 $0x1082;
	[sflag:s4] =	ssyncset.s32 $0xFFFFF086  }
0x25: {  	[simem:s6], [sflag:s4] =	dma.local [hbm:s3], $0xF7A  }
0x26: {  	[smem:$0x3F94] =	sst s1;
	(tag) =	ssettag s2;
	_ =	strace s9  }
0x27: {  	s1 =	sld [smem:$0x3FA4]  }
0x28: {  	s2 =	sld [smem:$0x3FA5]  }
0x29: {  	s4 =	sld [smem:$0x3FA7]  }
0x2a: {  	p0 =	seq.s32 s5, $0x0;
	s5 =	sld [smem:$0x3FA8]  }
0x2b: {  	s6 =	sld [smem:$0x3FA9]  }
0x2c: {  	s7 =	sld [smem:$0x3FAA]  }
0x2d: {  	s3 =	simm.s32 $0x108;
	s8 =	sld [smem:$0x3FAB]  }
0x2e: {  	s3 =	simm.s32 @!p0 $0x1082;
	s9 =	sld [smem:$0x3FAC]  }
0x2f: {  	lr =	sadd.s32 s0, s3;
	s0 =	sld [smem:$0x3FA3]  }
0x30: {  	s3 =	sld [smem:$0x3FA6]  }
0x31: {  	[smem:$0x3FAF] =	sst s10  }
0x32: {  	s10 =	sld [smem:$0x3FAD];
	_ =	sdelay $0x3  }
0x33: {  	p0 =	seq.s32 s10, $0x1;
	s10 =	sld [smem:$0x3FAF];
	_ =	sdelay $0x3  }
0x34: {  	[smem:$0x3FAF] =	sst s10  }
0x35: {  	s10 =	sld [smem:$0x3FAE];
	_ =	sdelay $0x3  }
0x36: {  	p1 =	seq.s32 s10, $0x1;
	s10 =	sld [smem:$0x3FAF];
	_ =	sdelay $0x3  }
0x37: {  	[smem:$0x3FAF] =	sst s10  }
0x38: {  	s10 =	sld [smem:$0x3FB0]  }
0x39: {  	_ = 	snop;
	(pc) =	sbr.ind lr, $3  }
0x3a: {  	_ = 	snop  }
0x3b: {  	_ = 	snop  }
0x3c: {  	p2 =	seq.s32 s10, $0x1;
	s10 =	sld [smem:$0x3FAF]  }
0x3d: {  	_ =	shalt  }
0x3e: {  	_ =	shalt  }
0x3f: {  	_ =	shalt  }
0x40: {  	_ =	shalt  }
0x41: {  	_ =	shalt  }
0x42: {  	_ =	shalt  }
0x43: {  	_ =	shalt  }
0x44: {  	_ =	shalt  }
0x45: {  	_ =	shalt  }
0x46: {  	_ =	shalt  }
0x47: {  	_ =	shalt  }
0x48: {  	_ =	shalt  }
0x49: {  	_ =	shalt  }
0x4a: {  	_ =	shalt  }
0x4b: {  	_ =	shalt  }
0x4c: {  	_ =	shalt  }
0x4d: {  	_ =	shalt  }
0x4e: {  	_ =	shalt  }
0x4f: {  	_ =	shalt  }
0x50: {  	_ =	shalt  }
0x51: {  	_ =	shalt  }
0x52: {  	_ =	shalt  }
0x53: {  	_ =	shalt  }
0x54: {  	_ =	shalt  }
0x55: {  	_ =	shalt  }
0x56: {  	_ =	shalt  }
0x57: {  	_ =	shalt  }
0x58: {  	_ =	shalt  }
0x59: {  	_ =	shalt  }
0x5a: {  	_ =	shalt  }
0x5b: {  	_ =	shalt  }
0x5c: {  	_ =	shalt  }
0x5d: {  	_ =	shalt  }
0x5e: {  	_ =	shalt  }
0x5f: {  	_ =	shalt  }
0x60: {  	_ =	shalt  }
0x61: {  	_ =	shalt  }
0x62: {  	_ =	shalt  }
0x63: {  	_ =	shalt  }
0x64: {  	_ =	shalt  }
0x65: {  	_ =	shalt  }
0x66: {  	_ =	shalt  }
0x67: {  	_ =	shalt  }
0x68: {  	_ =	shalt  }
0x69: {  	_ =	shalt  }
0x6a: {  	_ =	shalt  }
0x6b: {  	_ =	shalt  }
0x6c: {  	_ =	shalt  }
0x6d: {  	_ =	shalt  }
0x6e: {  	_ =	shalt  }
0x6f: {  	_ =	shalt  }
0x70: {  	_ =	shalt  }
0x71: {  	_ =	shalt  }
0x72: {  	_ =	shalt  }
0x73: {  	_ =	shalt  }
0x74: {  	_ =	shalt  }
0x75: {  	_ =	shalt  }
0x76: {  	_ =	shalt  }
0x77: {  	_ =	shalt  }
0x78: {  	_ =	shalt  }
0x79: {  	_ =	shalt  }
0x7a: {  	_ =	shalt  }
0x7b: {  	_ =	shalt  }
0x7c: {  	_ =	shalt  }
0x7d: {  	_ =	shalt  }
0x7e: {  	_ =	shalt  }
0x7f: {  	_ =	shalt  }
0x80: {  	_ =	shalt  }
0x81: {  	_ =	shalt  }
0x82: {  	_ =	shalt  }
0x83: {  	_ =	shalt  }
0x84: {  	_ =	shalt  }
0x85: {  	_ =	shalt  }
0x86: {  	_ =	shalt  }
0x87: {  	_ =	shalt  }
.Lfunc_end0:
.L_simem_size_0:
called_computation_lowered:
.L_overlay_start_0:
0x88: {  	s0 =	sld [smem:$0x3FD9]  }
0x89: {  	s1 =	sld [smem:$0x3FFE];
	_ =	sdelay $0x3  }
0x8a: {  	s0 =	sadd.s32 s1, s0  }
0x8b: {  	[smem:$0x3FBB] =	sst s0  }
0x8c: {  	_ = 	snop  }
0x8d: {  	(tm) =	ssettm $0x1  }
0x8e: {  	s15 =	sld [smem:$0x3FFB];
	_ =	sdelay $0x3  }
0x8f: {  	_ =	strace s15  }
0x90: {  	s0 =	sld [smem:$0x3FFC];
	_ =	sdelay $0x3  }
0x91: {  	_ =	strace s0  }
0x92: {  	s0 =	sld [smem:$0x3FFD];
	_ =	sdelay $0x3  }
0x93: {  	_ =	strace s0  }
0x94: {  	_ =	strace $0x8FFFFFFF  }
0x95: {  	s16 =	sld [smem:$0x3FDB];
	_ =	sdelay $0x1  }
0x96: {  	s17 =	simm.s32 $_scs_section_size  }
0x97: {  	s2 =	simm.s32 $_size__tile_overlayer_lowered;
	s3 =	simm.s32 $_tile_overlayer_lowered  }
0x98: {  	s20 =	simm.s32 $0x1BFF;
	s19 =	sshll.u32 s3, $0x1;
	s0 =	sadd.s32 s17, s16  }
0x99: {  	s4 =	simm.s32 $0x0;
	s18 =	sshll.u32 s2, $0x1;
	s2 =	sadd.s32 s19, s0  }
0x9a: {  	[timem:s4], [sflag:s20] =	dma.local [hbm:s2], s18  }
0x9b: {  	_ =	swait.ge [sflag:s20], s18  }
0x9c: {  	s1 =	ssub.s32 $0x0, s18;
	[sflag:s20] =	ssyncset.done $0x0  }
0x9d: {  	[sflag:s20] =	ssyncadd.s32 s1;
	_ =	sdelay $0x1  }
0x9e: {  	s21 =	simm.s32 $0x1B8B  }
0x9f: {  	_ =	swait.ge [sflag:s21], $0x1  }
0xa0: {  	[sflag:s21] =	ssyncset.done $0x0  }
0xa1: {  	s23 =	simm.s32 $0x1B8E;
	s22 =	sld [smem:$0x3FFE];
	[sflag:s21] =	ssyncadd.s32 $0xFFFFFFFF  }
0xa2: {  	s24 =	simm.s32 $execute0_lowered;
	[smem:$0x3FD2] =	sst s23  }
0xa3: {  	s2 =	sshll.u32 s24, $0x1;
	_ =	strace $0x80000049;
	[dreg:$0x1] =	wrdreg $0xFFFFFFFF  }
0xa4: {  	s25 =	simm.s32 $_size_execute0_lowered;
	s0 =	sadd.s32 s0, s2;
	[dreg:$0x0] =	wrdreg $0x0  }
0xa5: {  	s2 =	sshll.u32 s25, $0x1;
	[dreg:$0x2] =	wrdreg s0  }
0xa6: {  	[dreg:$0x3] =	wrdreg s2  }
0xa7: {  	[dreg:$0x4] =	wrdreg $0xC0  }
0xa8: {  	_ =	task [dreg:s4], $0x5FFFF  }
0xa9: {  	[dreg:$0x1] =	wrdreg $0xFFFFFFFF  }
0xaa: {  	[dreg:$0x0] =	wrdreg $0x60  }
0xab: {  	[dreg:$0x2] =	wrdreg s22  }
0xac: {  	[dreg:$0x3] =	wrdreg $0x9  }
0xad: {  	_ =	task.clear_ibuf [dreg:s4], $0x4FFFF;
	_ =	strace $0x90000049  }
0xae: {  	s26 =	simm.s32 $0x9;
	_ =	strace $0x8000004B  }
0xaf: {  	_ =	swait.ge [sflag:s26], $0x1  }
0xb0: {  	[sflag:s26] =	ssyncadd.s32 $0xFFFFFFFF  }
0xb1: {  	_ =	strace $0x9000004B  }
0xb2: {  	_ =	sfence  }
0xb3: {  	s28 =	sld [smem:$0x0];
	_ =	sdelay $0x1  }
0xb4: {  	s29 =	srdreg.scid  }
0xb5: {  	s30 =	sshll.u32 s29, $0xD;
	s31 =	sshrl.u32 s29, $0x2  }
0xb6: {  	s1 =	sand.u32 $0x1, s29;
	s2 =	sand.u32 $0x4000, s30;
	s0 =	sadd.s32 s31, s28  }
0xb7: {  	s1 =	sor.u32 s2, s1;
	s0 =	sshll.u32 s0, $0x11  }
0xb8: {  	s0 =	sor.u32 s0, s1  }
0xb9: {  	s0 =	sadd.s32 $0x8F2B, s0  }
0xba: {  	[sflag:s0] =	ssyncadd.remote.s32 $0x1  }
0xbb: {  	_ =	sfence.sel $0xFFFF  }
0xbc: {  	[dreg:$0x0] =	wrdreg $0xFFFFFFFF;
	(pc) =	sbr.abs _section_cstart, $3  }
0xbd: {  	[dreg:$0x1] =	wrdreg $0xFFFFFFFF  }
0xbe: {  	_ =	task.clear_ibuf [dreg:s4], $0x2FFFF;
	_ =	strace $0x9FFFFFFF  }
0xbf: {  	(tm) =	ssettm $0x7FFFFFFF  }
tec
execute0_lowered:
.L_overlay_start_1:
0x0: {  	(tag) =	ssettag $0x1  }
0x1: {  	s8 =	rddreg [dreg:$0x0]  }
0x2: {  	s0 =	rddreg [dreg:$0x1];
	_ =	strace $0x8000004A  }
0x3: {  	s4 =	simm.s32 $0x1;
	s1 =	stileid.u32;
	s7 =	simm.s32 $0x1  }
0x4: {  	s9 =	simm.s32 $0x1;
	s6 =	simm.s32 $0x2;
	s10 =	simm.s32 $0x3  }
0x5: {  	s13 =	simm.s32 $0x0;
	s12 =	simm.s32 $0x0;
	s2 =	sadd.s32 $0x1E00, s8  }
.Ltmp0:
0x6: {  	s3 =	sadd.s32 $0x16200, s8;
	p0 =	slt.u32 s1, $0xA;
	(pc) =	sbr.rel .LBB2_1-.Ltmp0, $4  }
0x7: {  	[sflag:s4] =	ssyncpa.u1 $0x0;
	s7 =	simm.s32 @!p0 $0x0;
	p0 =	sne.s32 s1, $0x9  }
0x8: {  	s5 =	smul.u32 $0x3390, s1;
	[sflag:s6] =	ssyncpa.u1 $0x0;
	s9 =	simm.s32 @!p0 $0x0  }
0x9: {  	s8 =	sadd.s32 $0xC000, s8;
	[sflag:s10] =	ssyncpa.u1 $0x0;
	s7 =	sadd.s32 s9, s7  }
0xa: {  	vm0 =	vmmov $0xffff;
	s10 =	simm.s32 $0x0;
	s11 =	smov.u32 s5;
	s9 =	sadd.s32 $0x1, s7  }
.LBB2_4:
0xb: {  	v2 =	vnsel vm1, $0x0, v2  }
0xc: {  	vm1 =	vgt.s32 v0, $0x0;
	v2 =	vmin.u32 v2, $0x5090F  }
0xd: {  	v0 =	vnsel vm1, $0x0, v0  }
0xe: {  	v0 =	vmin.u32 v0, $0x5090F  }
0xf: {  	[tilespmem:s18], [sflag:$0x1] =	stream.indirect_vreg.gather [hbm4b:s2+s10], $0x1, v1, vm0, $0x4038;
	[tilespmem:$0xCE40] =	vst v63  }
0x10: {  	(ifvalue) =	ssetifvalue $0x7FFFFFFF  }
0x11: {  	[tilespmem:s15], [sflag:$0x1] =	stream.indirect_vreg.gather [hbm4b:s2+s10], $0x1, v2, vm0, $0x4038;
	[tilespmem:$0xCE40] =	vst v63  }
0x12: {  	s29 =	sadd.s32 $0x10, s15;
	(ifvalue) =	ssetifvalue $0x7FFFFFFF  }
0x13: {  	[tilespmem:s29], [sflag:$0x1] =	stream.indirect_vreg.gather [hbm4b:s2+s10], $0x1, v0, vm0, $0x4038;
	[tilespmem:$0xCE40] =	vst v63  }
0x14: {  	_ =	swait.ge [sflag:s4], $0x3390  }
0x15: {  	s30 =	sshrl.u32 s13, $0x3;
	[sflag:s4] =	ssyncset.done $0x0  }
0x16: {  	s31 =	sand.u32 $0x7, s13;
	s15 =	sadd.s32 s8, s30;
	[sflag:s4] =	ssyncadd.s32 $0xFFFFCC70  }
0x17: {  	[hbm4b:s15+s31] =	stream.linear.scatter [tilespmem:s14], [sflag:$0x3], $0x3390, $0x38;
	[tilespmem:$0xCE40] =	vst v63  }
.LBB2_5:
0x18: {  	s15 =	sadd.s32 $0x33900, s11  }
0x19: {  	p1 =	sgt.s32 s15, $0x5090F  }
0x1a: {  	s15 =	smov.u32 @p1 s5;
	p1 =	sne.s32 s12, s9  }
.Ltmp1:
0x1b: {  	p0 =	slt.u32 s12, $0x2;
	(pc) =	sbr.rel @!p1 .LBB2_6-.Ltmp1, $4  }
0x1c: {  	s14 =	simm.s32 @!p0 $0x3  }
0x1d: {  	_ =	swait.ge @!p0 [sflag:s14], $0x3390  }
0x1e: {  	s16 =	sadd.s32 $0x1, s12;
	s13 =	smov.u32 s11;
	[sflag:s14] =	ssyncset.done @!p0 $0x0  }
0x1f: {  	s12 =	smov.u32 s16;
	s11 =	smov.u32 s15;
	[sflag:s14] =	ssyncadd.s32 @!p0 $0xFFFFCC70  }
.LBB2_1:
0x20: {  	p0 =	sge.u32 s12, s7  }
0x21: {  	s14 =	sxor.u32 @!p0 $0x1, s12  }
0x22: {  	s14 =	smul.u32 @!p0 $0xCE40, s14  }
0x23: {  	s31 =	sadd.s32 $0xFFFFFFFF, s12;
	s15 =	sshrl.u32 @!p0 s11, $0x3  }
0x24: {  	s16 =	sand.u32 @!p0 $0x7, s11;
	s15 =	sadd.s32 @!p0 s3, s15;
	s14 =	sshra.s32 @!p0 s14, $0x2  }
0x25: {  	[tilespmem:s14], [sflag:$0x2] =	stream.linear.gather @!p0 [hbm4b:s15+s16], $0x3390, $0x38;
	[tilespmem:$0xCE40] =	vst v63  }
0x26: {  	p0 =	sge.u32 s31, s7  }
.Ltmp2:
0x27: {  	_ = 	snop;
	(pc) =	sbr.rel @p0 .LBB2_5-.Ltmp2, $1  }
0x28: {  	_ =	sdelay $0x3  }
0x29: {  	s14 =	sand.u32 $0x1, s12  }
0x2a: {  	_ =	swait.ge [sflag:s6], $0x3390;
	p0 =	seq.s32 s14, $0x1;
	s14 =	simm.s32 $0x3390  }
0x2b: {  	[sflag:s6] =	ssyncset.done $0x0;
	s14 =	simm.s32 @!p0 $0x0  }
0x2c: {  	[sflag:s6] =	ssyncadd.s32 $0xFFFFCC70;
	(ifvalue) =	ssetifvalue $0x7FFFFFFF;
	v0 =	vld.msk [tilespmem:s14+$0x0 ss:$0x1], $0xffff;
	_ =	sdelay $0x4  }
0x2d: {  	s15 =	sadd.s32 $0x10, s14;
	vm1 =	vgt.s32 v0, $0x0  }
0x2e: {  	v2 =	vld.msk [tilespmem:s15+$0x0 ss:$0x1], $0xffff;
	v1 =	vnsel vm1, $0x0, v0  }
0x2f: {  	v1 =	vmin.u32 v1, $0x5090F;
	_ =	sdelay $0x2  }
0x30: {  	s17 =	simm.s32 $0x20;
	s14 =	sadd.s32 $0x6720, s14;
	s16 =	sadd.s32 $0x10, s15  }
0x31: {  	s15 =	sadd.s32 $0x10, s14;
	s18 =	smov.u32 s14;
	v0 =	vld.msk [tilespmem:s16+$0x0 ss:$0x1], $0xffff;
	vm1 =	vgt.s32 v2, $0x0;
	(ifvalue) =	ssetifvalue $0x7FFFFFFF  }
.LBB2_3:
0x32: {  	[tilespmem:s18], [sflag:$0x1] =	stream.indirect_vreg.gather [hbm4b:s2+s10], $0x1, v1, vm0, $0x4038;
	[tilespmem:$0xCE40] =	vst v63  }
0x33: {  	s17 =	sadd.s32 $0x10, s17  }
0x34: {  	v2 =	vnsel vm1, $0x0, v2;
	p0 =	slt.u32 s17, $0x3380  }
.Ltmp3:
0x35: {  	s18 =	smov.u32 s15;
	v1 =	vmin.u32 v2, $0x5090F;
	(pc) =	sbr.rel @p0 .LBB2_3-.Ltmp3, $3  }
0x36: {  	_ =	sdelay $0x1  }
0x37: {  	s16 =	sadd.s32 $0x10, s16  }
0x38: {  	vm1 =	vgt.s32 v0, $0x0;
	s15 =	sadd.s32 $0x10, s15;
	v2 =	vmov v0;
	(ifvalue) =	ssetifvalue $0x7FFFFFFF;
	v0 =	vld.msk [tilespmem:s16+$0x0 ss:$0x1], $0xffff  }
.Ltmp4:
0x39: {  	_ = 	snop;
	(pc) =	sbr.rel .LBB2_4-.Ltmp4, $1  }
0x3a: {  	_ =	sdelay $0x3  }
.LBB2_6:
0x3b: {  	_ =	sfence.sel $0x180000  }
0x3c: {  	s2 =	simm.s32 $0x2;
	[bflag:$0x0] =	sbarrier.arrive $0xFFFF  }
0x3d: {  	s30 =	simm.s32 $0x3;
	[sflag:s2] =	ssyncpa.u1 $0x1  }
0x3e: {  	s31 =	simm.s32 $0x1;
	[sflag:s30] =	ssyncpa.u1 $0x1  }
0x3f: {  	[sflag:s31] =	ssyncpa.u1 $0x1  }
0x40: {  	p0 =	sne.s32 s1, $0x0;
	_ =	strace $0x9000004A  }
0x41: {  	s0 =	sadd.s32 @!p0 $0x100000, s0;
	[bflag:$0x2] =	sbarrier.arrive $0xFFFF  }
0x42: {  	[sflag:s0] =	ssyncadd.tile.s32 @!p0 $0x1;
	_ =	shalt  }
.Lfunc_end2:
_tile_overlayer_lowered:
.L_overlay_start_2:
0x43: {  	(tag) =	ssettag $0x2  }
0x44: {  	s0 =	rddreg [dreg:$0x0];
	s2 =	stileid.u32  }
0x45: {  	s1 =	rddreg [dreg:$0x1];
	p0 =	sne.s32 s2, $0x0  }
0x46: {  	s3 =	rddreg [dreg:$0x2];
	[bflag:$0x3] =	sbarrier.arrive $0xFFFF;
	s2 =	simm.s32 @!p0 $0x1C01  }
0x47: {  	[timem:s3], [sflag:s2] =	dma.local @!p0 [hbm:s0], s1  }
0x48: {  	s0 =	simm.s32 @!p0 $0x1  }
0x49: {  	_ =	swait.ge @!p0 [sflag:s0], s1  }
0x4a: {  	s1 =	ssub.s32 @!p0 $0x0, s1;
	[sflag:s0] =	ssyncset.done @!p0 $0x0  }
0x4b: {  	[sflag:s0] =	ssyncadd.s32 @!p0 s1  }
0x4c: {  	[bflag:$0x3] =	sbarrier.arrive $0xFFFF  }
0x4d: {  	_ =	shalt  }

// kernel: kernel.18.cloned.1.call-start
scs
__scs_entry_jumppad:
0x0: {  	(pc) =	sbr.rel $0x88, $3  }
0x1: {  	(tag) =	ssettag $0x0;
	lr =	simm.s32 $0x1  }
0x2: {  	[smem:$0x3F94] =	sst lr;
	_ =	strace $0xD0000000  }
0x3: {  	_ = 	snop  }
0x4: {  	_ = 	snop  }
0x5: {  	_ = 	snop  }
0x6: {  	_ = 	snop  }
0x7: {  	_ = 	snop  }
__scs_overlays_trampoline_lowered:
0x8: {  	[smem:$0x3FA3] =	sst s0  }
0x9: {  	[smem:$0x3FA4] =	sst s1  }
0xa: {  	[smem:$0x3FA5] =	sst s2  }
0xb: {  	[smem:$0x3FA6] =	sst s3  }
0xc: {  	[smem:$0x3FA7] =	sst s4  }
0xd: {  	[smem:$0x3FA8] =	sst s5  }
0xe: {  	[smem:$0x3FA9] =	sst s6  }
0xf: {  	[smem:$0x3FAA] =	sst s7  }
0x10: {  	[smem:$0x3FAB] =	sst s8  }
0x11: {  	[smem:$0x3FAC] =	sst s9;
	s0 =	simm.s32 @!p0 $0x0  }
0x12: {  	s1 =	sld [smem:$0x3F92];
	s0 =	simm.s32 @p0 $0x1  }
0x13: {  	[smem:$0x3FAD] =	sst s0;
	s0 =	simm.s32 @!p1 $0x0  }
0x14: {  	s2 =	sld [smem:$0x3F91];
	s0 =	simm.s32 @p1 $0x1  }
0x15: {  	[smem:$0x3FAE] =	sst s0;
	s0 =	simm.s32 @!p2 $0x0  }
0x16: {  	s3 =	sld [smem:$0x3FDB];
	s0 =	simm.s32 @p2 $0x1  }
0x17: {  	s4 =	simm.s32 $0x1BF5;
	[smem:$0x3FB0] =	sst s0  }
0x18: {  	s0 =	sld [smem:$0x3F93];
	_ =	swait.ge [sflag:s4], $0x0  }
0x19: {  	s7 =	sld [smem:$0x3F94]  }
0x1a: {  	s8 =	sadd.s32 $0xFFFFE003, lr  }
0x1b: {  	s9 =	sadd.s32 $0xFFFFFEF7, lr;
	s5 =	simm.s32 $0xFFFFFFFF;
	p2 =	slt.u32 s8, $0xFFFFF086  }
0x1c: {  	p1 =	slt.u32 s9, $0xF7A;
	s5 =	simm.s32 @!p2 $0x0  }
0x1d: {  	s5 =	simm.s32 @p1 $0x1;
	p0 =	seq.s32 s7, s2  }
0x1e: {  	s7 =	smul.u32 @!p0 $0xF7A, s2;
	p2 =	seq.s32 @!p0 s5, $0x0  }
0x1f: {  	s9 =	smul.u32 $0xF7A, s1;
	s8 =	simm.s32 @!p0 $0x1BF5;
	p2 =	por !p2, p0  }
0x20: {  	[sflag:s8] =	ssyncset.s32 @!p0 $0xFFFFF086;
	s6 =	sadd.s32 @!p0 s3, s7;
	s7 =	simm.s32 @!p0 $0x108  }
0x21: {  	s3 =	sadd.s32 s3, s9;
	s6 =	sadd.s32 @!p0 $0x88, s6;
	s7 =	simm.s32 @p2 $0x1082  }
0x22: {  	[simem:s7], [sflag:s8] =	dma.local @!p0 [hbm:s6], $0xF7A  }
0x23: {  	s9 =	sor.u32 $0xD0000000, s2;
	s6 =	simm.s32 $0x108;
	_ =	swait.ge @!p0 [sflag:s8], $0x0  }
0x24: {  	s3 =	sadd.s32 $0x88, s3;
	s6 =	simm.s32 @!p1 $0x1082;
	[sflag:s4] =	ssyncset.s32 $0xFFFFF086  }
0x25: {  	[simem:s6], [sflag:s4] =	dma.local [hbm:s3], $0xF7A  }
0x26: {  	[smem:$0x3F94] =	sst s1;
	(tag) =	ssettag s2;
	_ =	strace s9  }
0x27: {  	s1 =	sld [smem:$0x3FA4]  }
0x28: {  	s2 =	sld [smem:$0x3FA5]  }
0x29: {  	s4 =	sld [smem:$0x3FA7]  }
0x2a: {  	p0 =	seq.s32 s5, $0x0;
	s5 =	sld [smem:$0x3FA8]  }
0x2b: {  	s6 =	sld [smem:$0x3FA9]  }
0x2c: {  	s7 =	sld [smem:$0x3FAA]  }
0x2d: {  	s3 =	simm.s32 $0x108;
	s8 =	sld [smem:$0x3FAB]  }
0x2e: {  	s3 =	simm.s32 @!p0 $0x1082;
	s9 =	sld [smem:$0x3FAC]  }
0x2f: {  	lr =	sadd.s32 s0, s3;
	s0 =	sld [smem:$0x3FA3]  }
0x30: {  	s3 =	sld [smem:$0x3FA6]  }
0x31: {  	[smem:$0x3FAF] =	sst s10  }
0x32: {  	s10 =	sld [smem:$0x3FAD];
	_ =	sdelay $0x3  }
0x33: {  	p0 =	seq.s32 s10, $0x1;
	s10 =	sld [smem:$0x3FAF];
	_ =	sdelay $0x3  }
0x34: {  	[smem:$0x3FAF] =	sst s10  }
0x35: {  	s10 =	sld [smem:$0x3FAE];
	_ =	sdelay $0x3  }
0x36: {  	p1 =	seq.s32 s10, $0x1;
	s10 =	sld [smem:$0x3FAF];
	_ =	sdelay $0x3  }
0x37: {  	[smem:$0x3FAF] =	sst s10  }
0x38: {  	s10 =	sld [smem:$0x3FB0]  }
0x39: {  	_ = 	snop;
	(pc) =	sbr.ind lr, $3  }
0x3a: {  	_ = 	snop  }
0x3b: {  	_ = 	snop  }
0x3c: {  	p2 =	seq.s32 s10, $0x1;
	s10 =	sld [smem:$0x3FAF]  }
0x3d: {  	_ =	shalt  }
0x3e: {  	_ =	shalt  }
0x3f: {  	_ =	shalt  }
0x40: {  	_ =	shalt  }
0x41: {  	_ =	shalt  }
0x42: {  	_ =	shalt  }
0x43: {  	_ =	shalt  }
0x44: {  	_ =	shalt  }
0x45: {  	_ =	shalt  }
0x46: {  	_ =	shalt  }
0x47: {  	_ =	shalt  }
0x48: {  	_ =	shalt  }
0x49: {  	_ =	shalt  }
0x4a: {  	_ =	shalt  }
0x4b: {  	_ =	shalt  }
0x4c: {  	_ =	shalt  }
0x4d: {  	_ =	shalt  }
0x4e: {  	_ =	shalt  }
0x4f: {  	_ =	shalt  }
0x50: {  	_ =	shalt  }
0x51: {  	_ =	shalt  }
0x52: {  	_ =	shalt  }
0x53: {  	_ =	shalt  }
0x54: {  	_ =	shalt  }
0x55: {  	_ =	shalt  }
0x56: {  	_ =	shalt  }
0x57: {  	_ =	shalt  }
0x58: {  	_ =	shalt  }
0x59: {  	_ =	shalt  }
0x5a: {  	_ =	shalt  }
0x5b: {  	_ =	shalt  }
0x5c: {  	_ =	shalt  }
0x5d: {  	_ =	shalt  }
0x5e: {  	_ =	shalt  }
0x5f: {  	_ =	shalt  }
0x60: {  	_ =	shalt  }
0x61: {  	_ =	shalt  }
0x62: {  	_ =	shalt  }
0x63: {  	_ =	shalt  }
0x64: {  	_ =	shalt  }
0x65: {  	_ =	shalt  }
0x66: {  	_ =	shalt  }
0x67: {  	_ =	shalt  }
0x68: {  	_ =	shalt  }
0x69: {  	_ =	shalt  }
0x6a: {  	_ =	shalt  }
0x6b: {  	_ =	shalt  }
0x6c: {  	_ =	shalt  }
0x6d: {  	_ =	shalt  }
0x6e: {  	_ =	shalt  }
0x6f: {  	_ =	shalt  }
0x70: {  	_ =	shalt  }
0x71: {  	_ =	shalt  }
0x72: {  	_ =	shalt  }
0x73: {  	_ =	shalt  }
0x74: {  	_ =	shalt  }
0x75: {  	_ =	shalt  }
0x76: {  	_ =	shalt  }
0x77: {  	_ =	shalt  }
0x78: {  	_ =	shalt  }
0x79: {  	_ =	shalt  }
0x7a: {  	_ =	shalt  }
0x7b: {  	_ =	shalt  }
0x7c: {  	_ =	shalt  }
0x7d: {  	_ =	shalt  }
0x7e: {  	_ =	shalt  }
0x7f: {  	_ =	shalt  }
0x80: {  	_ =	shalt  }
0x81: {  	_ =	shalt  }
0x82: {  	_ =	shalt  }
0x83: {  	_ =	shalt  }
0x84: {  	_ =	shalt  }
0x85: {  	_ =	shalt  }
0x86: {  	_ =	shalt  }
0x87: {  	_ =	shalt  }
.Lfunc_end0:
.L_simem_size_0:
called_computation.3_lowered:
.L_overlay_start_0:
0x88: {  	s2 =	sld [smem:$0x3FD9]  }
0x89: {  	s3 =	sld [smem:$0x3FFE];
	_ =	sdelay $0x1  }
0x8a: {  	s1 =	srdreg.scid  }
0x8b: {  	s0 =	sand.u32 $0x1, s1  }
0x8c: {  	s16 =	sshll.u32 s0, $0xA;
	s2 =	sadd.s32 s3, s2  }
0x8d: {  	s2 =	sadd.s32 s2, s16  }
0x8e: {  	[smem:$0x3FBB] =	sst s2  }
0x8f: {  	_ = 	snop  }
0x90: {  	(tm) =	ssettm $0x1  }
0x91: {  	s17 =	sld [smem:$0x3FFB];
	_ =	sdelay $0x3  }
0x92: {  	_ =	strace s17  }
0x93: {  	s2 =	sld [smem:$0x3FFC];
	_ =	sdelay $0x3  }
0x94: {  	_ =	strace s2  }
0x95: {  	s2 =	sld [smem:$0x3FFD];
	_ =	sdelay $0x3  }
0x96: {  	_ =	strace s2  }
0x97: {  	_ =	strace $0x8FFFFFFF  }
0x98: {  	s18 =	sld [smem:$0x3FDB];
	_ =	sdelay $0x1  }
0x99: {  	s19 =	simm.s32 $_scs_section_size  }
0x9a: {  	s4 =	simm.s32 $_size__tile_overlayer_lowered;
	s5 =	simm.s32 $_tile_overlayer_lowered  }
0x9b: {  	s22 =	simm.s32 $0x1BFF;
	s21 =	sshll.u32 s5, $0x1;
	s2 =	sadd.s32 s19, s18  }
0x9c: {  	s6 =	simm.s32 $0x0;
	s20 =	sshll.u32 s4, $0x1;
	s4 =	sadd.s32 s21, s2  }
0x9d: {  	[timem:s6], [sflag:s22] =	dma.local [hbm:s4], s20  }
0x9e: {  	_ =	swait.ge [sflag:s22], s20  }
0x9f: {  	s3 =	ssub.s32 $0x0, s20;
	[sflag:s22] =	ssyncset.done $0x0  }
0xa0: {  	[sflag:s22] =	ssyncadd.s32 s3;
	_ =	sdelay $0x1  }
0xa1: {  	s23 =	simm.s32 $0x1B8B  }
0xa2: {  	_ =	swait.ge [sflag:s23], $0x1  }
0xa3: {  	[sflag:s23] =	ssyncset.done $0x0  }
0xa4: {  	s25 =	simm.s32 $0x1B8E;
	s24 =	sld [smem:$0x3FFE];
	[sflag:s23] =	ssyncadd.s32 $0xFFFFFFFF  }
0xa5: {  	s26 =	simm.s32 $execute0_lowered;
	[smem:$0x3FD2] =	sst s25  }
0xa6: {  	s4 =	sshll.u32 s26, $0x1;
	_ =	strace $0x8000004F;
	[dreg:$0x1] =	wrdreg $0xFFFFFFFF  }
0xa7: {  	s28 =	simm.s32 $_size_execute0_lowered;
	s2 =	sadd.s32 s2, s4;
	[dreg:$0x0] =	wrdreg $0x0  }
0xa8: {  	s4 =	sshll.u32 s28, $0x1;
	[dreg:$0x2] =	wrdreg s2  }
0xa9: {  	[dreg:$0x3] =	wrdreg s4  }
0xaa: {  	[dreg:$0x4] =	wrdreg $0xC0  }
0xab: {  	_ =	task [dreg:s6], $0x5FFFF  }
0xac: {  	[dreg:$0x1] =	wrdreg $0xFFFFFFFF  }
0xad: {  	[dreg:$0x0] =	wrdreg $0x60  }
0xae: {  	[dreg:$0x2] =	wrdreg s24  }
0xaf: {  	[dreg:$0x3] =	wrdreg $0x0  }
0xb0: {  	[dreg:$0x4] =	wrdreg $0x9  }
0xb1: {  	_ =	task.clear_ibuf [dreg:s6], $0x5FFFF;
	_ =	strace $0x9000004F  }
0xb2: {  	s29 =	simm.s32 $0x9;
	_ =	strace $0x80000051  }
0xb3: {  	_ =	swait.ge [sflag:s29], $0x1  }
0xb4: {  	[sflag:s29] =	ssyncadd.s32 $0xFFFFFFFF  }
0xb5: {  	_ =	strace $0x90000051  }
0xb6: {  	_ =	sfence  }
0xb7: {  	s30 =	sld [smem:$0x0];
	_ =	sdelay $0x2  }
0xb8: {  	s31 =	sshll.u32 s1, $0xD;
	s1 =	sshrl.u32 s1, $0x2  }
0xb9: {  	s3 =	sand.u32 $0x4000, s31;
	s1 =	sadd.s32 s1, s30  }
0xba: {  	s0 =	sor.u32 s3, s0;
	s1 =	sshll.u32 s1, $0x11  }
0xbb: {  	s0 =	sor.u32 s1, s0  }
0xbc: {  	s0 =	sadd.s32 $0x8F2B, s0  }
0xbd: {  	[sflag:s0] =	ssyncadd.remote.s32 $0x1  }
0xbe: {  	_ =	sfence.sel $0xFFFF  }
0xbf: {  	[dreg:$0x0] =	wrdreg $0xFFFFFFFF;
	(pc) =	sbr.abs _section_cstart, $3  }
0xc0: {  	[dreg:$0x1] =	wrdreg $0xFFFFFFFF  }
0xc1: {  	_ =	task.clear_ibuf [dreg:s6], $0x2FFFF;
	_ =	strace $0x9FFFFFFF  }
0xc2: {  	(tm) =	ssettm $0x7FFFFFFF  }
0xc3: {  	_ =	shalt  }
tec
execute0_lowered:
.L_overlay_start_1:
0x0: {  	(tag) =	ssettag $0x1  }
0x1: {  	s8 =	rddreg [dreg:$0x0];
	s1 =	srdreg.scid  }
0x2: {  	s0 =	stileid.u32;
	s2 =	rddreg [dreg:$0x1];
	s3 =	simm.s32 $0x0  }
0x3: {  	s18 =	simm.s32 $0x13C80;
	s19 =	simm.s32 $0x80;
	s20 =	simm.s32 $0x16900  }
0x4: {  	s21 =	simm.s32 $0x1A900;
	s9 =	sand.u32 $0x1, s1;
	s1 =	rddreg [dreg:$0x2]  }
0x5: {  	s22 =	simm.s32 $0x0;
	s4 =	sshll.u32 s0, $0x1;
	[smem:$0x7FF] =	sst s3  }
0x6: {  	s12 =	smul.u32 $0x13C00, s0;
	s5 =	sadd.s32 $0x20400, s8;
	s6 =	sadd.s32 $0x1A00, s8  }
0x7: {  	s7 =	sadd.s32 $0x20E00, s8;
	s25 =	smul.u32 $0x4F000, s0;
	s28 =	sshrl.u32 s0, $0x2  }
0x8: {  	s29 =	sshll.u32 s0, $0x6;
	s10 =	sor.u32 s9, s4;
	s13 =	smul.u32 $0x13C000, s9  }
0x9: {  	_ =	strace $0x80000050;
	s4 =	sadd.s32 $0x35200, s8;
	s30 =	smul.u32 $0x14400, s28  }
0xa: {  	s9 =	ssub.s32 $0x2, s9;
	s11 =	smul.u32 $0x580, s10;
	s14 =	sshrl.u32 s12, $0x3  }
0xb: {  	s15 =	sshrl.u32 s9, $0x1;
	s26 =	sshrl.u32 s25, $0x2;
	s17 =	sshll.u32 s10, $0x7  }
0xc: {  	s12 =	sadd.s32 s12, s13;
	s14 =	sadd.s32 s14, s8;
	s15 =	ssub.s32 s9, s15  }
0xd: {  	s16 =	sadd.s32 s26, s2;
	s9 =	sor.u32 $0x1C01, s29;
	s31 =	sand.u32 $0x380, s17  }
0xe: {  	s17 =	simm.s32 $0x13C00;
	s11 =	sadd.s32 s11, s8;
	s12 =	sshrl.u32 s12, $0x3  }
0xf: {  	s13 =	smax.u32 s15, $0x1;
	s15 =	simm.s32 $0x1;
	s12 =	sadd.s32 s12, s8  }
0x10: {  	s8 =	sadd.s32 $0x67400, s14;
	s10 =	sadd.s32 $0x5C400, s11;
	s11 =	sor.u32 s31, s30  }
0x11: {  	s14 =	sshrl.u32 s16, $0x3;
	s16 =	simm.s32 $0x13D00;
	s12 =	sadd.s32 $0x8EC00, s12  }
.LBB2_1:
0x12: {  	[spmem:s14], [sflag:s9] =	dma.local [hbm:s8], $0x2780  }
0x13: {  	_ =	swait.ge [sflag:s15], $0x2780  }
0x14: {  	[sflag:s15] =	ssyncset.done $0x0  }
0x15: {  	[sflag:s15] =	ssyncadd.s32 $0xFFFFD880  }
0x16: {  	[tilespmem:s16], [sflag:$0x1] =	stream.linear.gather [hbm4b:s10+s3], $0x2880, $0x38;
	[tilespmem:$0x1E900] =	vst v63  }
0x17: {  	_ =	swait.ge [sflag:s15], $0x2880  }
0x18: {  	[sflag:s15] =	ssyncset.done $0x0  }
0x19: {  	[sflag:s15] =	ssyncadd.s32 $0xFFFFD780  }
0x1a: {  	s23 =	simm.s32 $0x0;
	[bflag:$0x0] =	sbarrier.arrive $0xFFFF  }
.LBB2_2:
0x1b: {  	s24 =	sshll.u32 s23, $0xA  }
0x1c: {  	s24 =	sadd.s32 s11, s24  }
0x1d: {  	s24 =	sshrl.u32 s24, $0x3  }
0x1e: {  	s26 =	simm.s32 $0x0;
	s25 =	sadd.s32 s6, s24  }
0x1f: {  	[tilespmem:s17], [sflag:$0x1] =	stream.linear.gather [hbm4b:s25+s26], $0x80, $0x38;
	[tilespmem:$0x1E900] =	vst v63  }
0x20: {  	_ =	swait.ge [sflag:s15], $0x80  }
0x21: {  	[sflag:s15] =	ssyncset.done $0x0  }
0x22: {  	s24 =	sadd.s32 s7, s24;
	[sflag:s15] =	ssyncadd.s32 $0xFFFFFF80  }
0x23: {  	[tilespmem:s18], [sflag:$0x1] =	stream.linear.gather [hbm4b:s24+s26], $0x80, $0x38;
	[tilespmem:$0x1E900] =	vst v63  }
0x24: {  	_ =	swait.ge [sflag:s15], $0x80  }
0x25: {  	[sflag:s15] =	ssyncset.done $0x0  }
0x26: {  	[sflag:s15] =	ssyncadd.s32 $0xFFFFFF80  }
0x27: {  	[tilespmem:s20], [sflag:$0x1] =	stream.indirect.gather [hbm4b:s4+s19], $0x80, s17, s19, $0xb8;
	[tilespmem:$0x1E900] =	vst v63  }
0x28: {  	_ =	swait.ge [sflag:s15], $0x4000  }
0x29: {  	[sflag:s15] =	ssyncset.done $0x0  }
0x2a: {  	[sflag:s15] =	ssyncadd.s32 $0xFFFFC000  }
0x2b: {  	[tilespmem:s21], [sflag:$0x1] =	stream.indirect.gather [hbm4b:s5+s19], $0x80, s18, s19, $0xb8;
	[tilespmem:$0x1E900] =	vst v63  }
0x2c: {  	_ =	swait.ge [sflag:s15], $0x4000  }
0x2d: {  	[sflag:s15] =	ssyncset.done $0x0  }
0x2e: {  	s24 =	simm.s32 $0x0;
	[sflag:s15] =	ssyncadd.s32 $0xFFFFC000  }
0x2f: {  	v7 =	vld [tilespmem:s24+$0x1A900]  }
0x30: {  	v11 =	vld [tilespmem:s24+$0x1A910]  }
0x31: {  	v5 =	vld [tilespmem:s24+$0x1A920]  }
0x32: {  	v4 =	vld [tilespmem:s24+$0x1A930]  }
0x33: {  	v3 =	vld [tilespmem:s24+$0x1A940]  }
0x34: {  	v2 =	vld [tilespmem:s24+$0x1A950]  }
0x35: {  	v1 =	vld [tilespmem:s24+$0x1A960]  }
0x36: {  	v0 =	vld [tilespmem:s24+$0x1A970]  }
0x37: {  	v12 =	vld [tilespmem:s24+$0x16900]  }
0x38: {  	v13 =	vld [tilespmem:s24+$0x16910]  }
0x39: {  	v10 =	vld [tilespmem:s24+$0x16920]  }
0x3a: {  	v9 =	vld [tilespmem:s24+$0x16930]  }
0x3b: {  	v8 =	vld [tilespmem:s24+$0x16940]  }
0x3c: {  	v6 =	vld [tilespmem:s24+$0x16950];
	v12 =	vadd.f32 v7, v12  }
0x3d: {  	s25 =	simm.s32 $0x200;
	v11 =	vadd.f32 v11, v13;
	v7 =	vld [tilespmem:s24+$0x16960]  }
.LBB2_3:
0x3e: {  	s26 =	sshra.s32 s25, $0x2;
	p0 =	sne.s32 s25, $0xFE00;
	[tilespmem:s24+$0x16900] =	vst v12;
	v5 =	vadd.f32 v5, v10;
	v10 =	vld [tilespmem:s24+$0x16970]  }
0x3f: {  	v12 =	vld [tilespmem:s26+$0x1A900];
	[tilespmem:s24+$0x16910] =	vst v11;
	v4 =	vadd.f32 v4, v9  }
0x40: {  	v11 =	vld [tilespmem:s26+$0x1A910];
	[tilespmem:s24+$0x16920] =	vst v5;
	v3 =	vadd.f32 v3, v8  }
0x41: {  	v5 =	vld [tilespmem:s26+$0x1A920];
	[tilespmem:s24+$0x16930] =	vst v4;
	v2 =	vadd.f32 v2, v6  }
0x42: {  	v4 =	vld [tilespmem:s26+$0x1A930];
	[tilespmem:s24+$0x16940] =	vst v3;
	v1 =	vadd.f32 v1, v7  }
0x43: {  	v3 =	vld [tilespmem:s26+$0x1A940];
	[tilespmem:s24+$0x16950] =	vst v2;
	v0 =	vadd.f32 v0, v10  }
0x44: {  	v2 =	vld [tilespmem:s26+$0x1A950];
	[tilespmem:s24+$0x16960] =	vst v1  }
0x45: {  	v1 =	vld [tilespmem:s26+$0x1A960];
	[tilespmem:s24+$0x16970] =	vst v0;
	s24 =	smov.u32 s26  }
0x46: {  	v0 =	vld [tilespmem:s24+$0x1A970]  }
0x47: {  	v6 =	vld [tilespmem:s24+$0x16900]  }
0x48: {  	v7 =	vld [tilespmem:s24+$0x16910]  }
.Ltmp0:
0x49: {  	v10 =	vld [tilespmem:s24+$0x16920];
	(pc) =	sbr.rel @p0 .LBB2_3-.Ltmp0, $4  }
0x4a: {  	v9 =	vld [tilespmem:s24+$0x16930]  }
0x4b: {  	v8 =	vld [tilespmem:s24+$0x16940]  }
0x4c: {  	v12 =	vadd.f32 v12, v6;
	v6 =	vld [tilespmem:s24+$0x16950]  }
0x4d: {  	s25 =	sadd.s32 $0x200, s25;
	v11 =	vadd.f32 v11, v7;
	v7 =	vld [tilespmem:s24+$0x16960]  }
0x4e: {  	[tilespmem:s24+$0x16900] =	vst v12;
	v5 =	vadd.f32 v5, v10;
	v63 =	vld [tilespmem:s24+$0x16970]  }
0x4f: {  	[tilespmem:s24+$0x16910] =	vst v11;
	v4 =	vadd.f32 v4, v9  }
0x50: {  	[tilespmem:s24+$0x16920] =	vst v5;
	v3 =	vadd.f32 v3, v8  }
0x51: {  	[tilespmem:s24+$0x16930] =	vst v4;
	v2 =	vadd.f32 v2, v6  }
0x52: {  	[tilespmem:s24+$0x16940] =	vst v3;
	v1 =	vadd.f32 v1, v7  }
0x53: {  	s25 =	sshll.u32 s23, $0x7;
	s23 =	sadd.s32 $0x1, s23;
	[tilespmem:s24+$0x16950] =	vst v2;
	v0 =	vadd.f32 v0, v63  }
0x54: {  	s25 =	sand.u32 $0x3FFFFF80, s25;
	p0 =	sne.s32 s23, $0x51;
	[tilespmem:s24+$0x16960] =	vst v1  }
.Ltmp1:
0x55: {  	s31 =	sadd.s32 $0x13D00, s25;
	[tilespmem:s24+$0x16970] =	vst v0;
	(pc) =	sbr.rel @p0 .LBB2_2-.Ltmp1, $4  }
0x56: {  	[spmem:s2] =	stream.indirect.scatter.add.f32 [tilespmem:s20], [sflag:$0x1], $0x80, s31, s19, $0xb8;
	[tilespmem:$0x1E900] =	vst v63  }
0x57: {  	_ =	swait.ge [sflag:s15], $0x4000  }
0x58: {  	[sflag:s15] =	ssyncset.done $0x0  }
0x59: {  	[sflag:s15] =	ssyncadd.s32 $0xFFFFC000  }
0x5a: {  	s22 =	sadd.s32 $0x1, s22  }
0x5b: {  	p0 =	sne.s32 s22, s13  }
.Ltmp2:
0x5c: {  	[bflag:$0x0] =	sbarrier.arrive $0xFFFF;
	(pc) =	sbr.rel @p0 .LBB2_1-.Ltmp2, $4  }
0x5d: {  	[hbm:s12], [sflag:s9] =	dma.local [spmem:s14], $0x2780  }
0x5e: {  	_ =	swait.ge [sflag:s15], $0x2780  }
0x5f: {  	[sflag:s15] =	ssyncset.done $0x0  }
0x60: {  	[sflag:s15] =	ssyncadd.s32 $0xFFFFD880  }
0x61: {  	_ =	sfence.sel $0x180000  }
0x62: {  	[bflag:$0x0] =	sbarrier.arrive $0xFFFF  }
0x63: {  	p0 =	sne.s32 s0, $0x0;
	_ =	strace $0x90000050  }
0x64: {  	s0 =	sadd.s32 @!p0 $0x100000, s1;
	[bflag:$0x2] =	sbarrier.arrive $0xFFFF  }
0x65: {  	[sflag:s0] =	ssyncadd.tile.s32 @!p0 $0x1;
	_ =	shalt  }
.Lfunc_end2:
_tile_overlayer_lowered:
.L_overlay_start_2:
0x66: {  	(tag) =	ssettag $0x2  }
0x67: {  	s0 =	rddreg [dreg:$0x0];
	s2 =	stileid.u32  }
0x68: {  	s1 =	rddreg [dreg:$0x1];
	p0 =	sne.s32 s2, $0x0  }
0x69: {  	s3 =	rddreg [dreg:$0x2];
	[bflag:$0x3] =	sbarrier.arrive $0xFFFF;
	s2 =	simm.s32 @!p0 $0x1C01  }
0x6a: {  	[timem:s3], [sflag:s2] =	dma.local @!p0 [hbm:s0], s1  }
0x6b: {  	s0 =	simm.s32 @!p0 $0x1  }
0x6c: {  	_ =	swait.ge @!p0 [sflag:s0], s1  }
0x6d: {  	s1 =	ssub.s32 @!p0 $0x0, s1;
	[sflag:s0] =	ssyncset.done @!p0 $0x0  }
0x6e: {  	[sflag:s0] =	ssyncadd.s32 @!p0 s1  }
0x6f: {  	[bflag:$0x3] =	sbarrier.arrive $0xFFFF  }
0x70: {  	_ =	shalt  }

// kernel: kernel.21.cloned.1.call-start
scs
__scs_entry_jumppad:
0x0: {  	(pc) =	sbr.rel $0x88, $3  }
0x1: {  	(tag) =	ssettag $0x0;
	lr =	simm.s32 $0x1  }
0x2: {  	[smem:$0x3F94] =	sst lr;
	_ =	strace $0xD0000000  }
0x3: {  	_ = 	snop  }
0x4: {  	_ = 	snop  }
0x5: {  	_ = 	snop  }
0x6: {  	_ = 	snop  }
0x7: {  	_ = 	snop  }
__scs_overlays_trampoline_lowered:
0x8: {  	[smem:$0x3FA3] =	sst s0  }
0x9: {  	[smem:$0x3FA4] =	sst s1  }
0xa: {  	[smem:$0x3FA5] =	sst s2  }
0xb: {  	[smem:$0x3FA6] =	sst s3  }
0xc: {  	[smem:$0x3FA7] =	sst s4  }
0xd: {  	[smem:$0x3FA8] =	sst s5  }
0xe: {  	[smem:$0x3FA9] =	sst s6  }
0xf: {  	[smem:$0x3FAA] =	sst s7  }
0x10: {  	[smem:$0x3FAB] =	sst s8  }
0x11: {  	[smem:$0x3FAC] =	sst s9;
	s0 =	simm.s32 @!p0 $0x0  }
0x12: {  	s1 =	sld [smem:$0x3F92];
	s0 =	simm.s32 @p0 $0x1  }
0x13: {  	[smem:$0x3FAD] =	sst s0;
	s0 =	simm.s32 @!p1 $0x0  }
0x14: {  	s2 =	sld [smem:$0x3F91];
	s0 =	simm.s32 @p1 $0x1  }
0x15: {  	[smem:$0x3FAE] =	sst s0;
	s0 =	simm.s32 @!p2 $0x0  }
0x16: {  	s3 =	sld [smem:$0x3FDB];
	s0 =	simm.s32 @p2 $0x1  }
0x17: {  	s4 =	simm.s32 $0x1BF5;
	[smem:$0x3FB0] =	sst s0  }
0x18: {  	s0 =	sld [smem:$0x3F93];
	_ =	swait.ge [sflag:s4], $0x0  }
0x19: {  	s7 =	sld [smem:$0x3F94]  }
0x1a: {  	s8 =	sadd.s32 $0xFFFFE003, lr  }
0x1b: {  	s9 =	sadd.s32 $0xFFFFFEF7, lr;
	s5 =	simm.s32 $0xFFFFFFFF;
	p2 =	slt.u32 s8, $0xFFFFF086  }
0x1c: {  	p1 =	slt.u32 s9, $0xF7A;
	s5 =	simm.s32 @!p2 $0x0  }
0x1d: {  	s5 =	simm.s32 @p1 $0x1;
	p0 =	seq.s32 s7, s2  }
0x1e: {  	s7 =	smul.u32 @!p0 $0xF7A, s2;
	p2 =	seq.s32 @!p0 s5, $0x0  }
0x1f: {  	s9 =	smul.u32 $0xF7A, s1;
	s8 =	simm.s32 @!p0 $0x1BF5;
	p2 =	por !p2, p0  }
0x20: {  	[sflag:s8] =	ssyncset.s32 @!p0 $0xFFFFF086;
	s6 =	sadd.s32 @!p0 s3, s7;
	s7 =	simm.s32 @!p0 $0x108  }
0x21: {  	s3 =	sadd.s32 s3, s9;
	s6 =	sadd.s32 @!p0 $0x88, s6;
	s7 =	simm.s32 @p2 $0x1082  }
0x22: {  	[simem:s7], [sflag:s8] =	dma.local @!p0 [hbm:s6], $0xF7A  }
0x23: {  	s9 =	sor.u32 $0xD0000000, s2;
	s6 =	simm.s32 $0x108;
	_ =	swait.ge @!p0 [sflag:s8], $0x0  }
0x24: {  	s3 =	sadd.s32 $0x88, s3;
	s6 =	simm.s32 @!p1 $0x1082;
	[sflag:s4] =	ssyncset.s32 $0xFFFFF086  }
0x25: {  	[simem:s6], [sflag:s4] =	dma.local [hbm:s3], $0xF7A  }
0x26: {  	[smem:$0x3F94] =	sst s1;
	(tag) =	ssettag s2;
	_ =	strace s9  }
0x27: {  	s1 =	sld [smem:$0x3FA4]  }
0x28: {  	s2 =	sld [smem:$0x3FA5]  }
0x29: {  	s4 =	sld [smem:$0x3FA7]  }
0x2a: {  	p0 =	seq.s32 s5, $0x0;
	s5 =	sld [smem:$0x3FA8]  }
0x2b: {  	s6 =	sld [smem:$0x3FA9]  }
0x2c: {  	s7 =	sld [smem:$0x3FAA]  }
0x2d: {  	s3 =	simm.s32 $0x108;
	s8 =	sld [smem:$0x3FAB]  }
0x2e: {  	s3 =	simm.s32 @!p0 $0x1082;
	s9 =	sld [smem:$0x3FAC]  }
0x2f: {  	lr =	sadd.s32 s0, s3;
	s0 =	sld [smem:$0x3FA3]  }
0x30: {  	s3 =	sld [smem:$0x3FA6]  }
0x31: {  	[smem:$0x3FAF] =	sst s10  }
0x32: {  	s10 =	sld [smem:$0x3FAD];
	_ =	sdelay $0x3  }
0x33: {  	p0 =	seq.s32 s10, $0x1;
	s10 =	sld [smem:$0x3FAF];
	_ =	sdelay $0x3  }
0x34: {  	[smem:$0x3FAF] =	sst s10  }
0x35: {  	s10 =	sld [smem:$0x3FAE];
	_ =	sdelay $0x3  }
0x36: {  	p1 =	seq.s32 s10, $0x1;
	s10 =	sld [smem:$0x3FAF];
	_ =	sdelay $0x3  }
0x37: {  	[smem:$0x3FAF] =	sst s10  }
0x38: {  	s10 =	sld [smem:$0x3FB0]  }
0x39: {  	_ = 	snop;
	(pc) =	sbr.ind lr, $3  }
0x3a: {  	_ = 	snop  }
0x3b: {  	_ = 	snop  }
0x3c: {  	p2 =	seq.s32 s10, $0x1;
	s10 =	sld [smem:$0x3FAF]  }
0x3d: {  	_ =	shalt  }
0x3e: {  	_ =	shalt  }
0x3f: {  	_ =	shalt  }
0x40: {  	_ =	shalt  }
0x41: {  	_ =	shalt  }
0x42: {  	_ =	shalt  }
0x43: {  	_ =	shalt  }
0x44: {  	_ =	shalt  }
0x45: {  	_ =	shalt  }
0x46: {  	_ =	shalt  }
0x47: {  	_ =	shalt  }
0x48: {  	_ =	shalt  }
0x49: {  	_ =	shalt  }
0x4a: {  	_ =	shalt  }
0x4b: {  	_ =	shalt  }
0x4c: {  	_ =	shalt  }
0x4d: {  	_ =	shalt  }
0x4e: {  	_ =	shalt  }
0x4f: {  	_ =	shalt  }
0x50: {  	_ =	shalt  }
0x51: {  	_ =	shalt  }
0x52: {  	_ =	shalt  }
0x53: {  	_ =	shalt  }
0x54: {  	_ =	shalt  }
0x55: {  	_ =	shalt  }
0x56: {  	_ =	shalt  }
0x57: {  	_ =	shalt  }
0x58: {  	_ =	shalt  }
0x59: {  	_ =	shalt  }
0x5a: {  	_ =	shalt  }
0x5b: {  	_ =	shalt  }
0x5c: {  	_ =	shalt  }
0x5d: {  	_ =	shalt  }
0x5e: {  	_ =	shalt  }
0x5f: {  	_ =	shalt  }
0x60: {  	_ =	shalt  }
0x61: {  	_ =	shalt  }
0x62: {  	_ =	shalt  }
0x63: {  	_ =	shalt  }
0x64: {  	_ =	shalt  }
0x65: {  	_ =	shalt  }
0x66: {  	_ =	shalt  }
0x67: {  	_ =	shalt  }
0x68: {  	_ =	shalt  }
0x69: {  	_ =	shalt  }
0x6a: {  	_ =	shalt  }
0x6b: {  	_ =	shalt  }
0x6c: {  	_ =	shalt  }
0x6d: {  	_ =	shalt  }
0x6e: {  	_ =	shalt  }
0x6f: {  	_ =	shalt  }
0x70: {  	_ =	shalt  }
0x71: {  	_ =	shalt  }
0x72: {  	_ =	shalt  }
0x73: {  	_ =	shalt  }
0x74: {  	_ =	shalt  }
0x75: {  	_ =	shalt  }
0x76: {  	_ =	shalt  }
0x77: {  	_ =	shalt  }
0x78: {  	_ =	shalt  }
0x79: {  	_ =	shalt  }
0x7a: {  	_ =	shalt  }
0x7b: {  	_ =	shalt  }
0x7c: {  	_ =	shalt  }
0x7d: {  	_ =	shalt  }
0x7e: {  	_ =	shalt  }
0x7f: {  	_ =	shalt  }
0x80: {  	_ =	shalt  }
0x81: {  	_ =	shalt  }
0x82: {  	_ =	shalt  }
0x83: {  	_ =	shalt  }
0x84: {  	_ =	shalt  }
0x85: {  	_ =	shalt  }
0x86: {  	_ =	shalt  }
0x87: {  	_ =	shalt  }
.Lfunc_end0:
.L_simem_size_0:
called_computation.4_lowered:
.L_overlay_start_0:
0x88: {  	s2 =	sld [smem:$0x3FD9]  }
0x89: {  	s3 =	sld [smem:$0x3FFE];
	_ =	sdelay $0x1  }
0x8a: {  	s1 =	srdreg.scid  }
0x8b: {  	s0 =	sand.u32 $0x1, s1  }
0x8c: {  	s17 =	sshll.u32 s0, $0xA;
	s2 =	sadd.s32 s3, s2  }
0x8d: {  	s2 =	sadd.s32 s2, s17  }
0x8e: {  	[smem:$0x3FBB] =	sst s2  }
0x8f: {  	_ = 	snop  }
0x90: {  	s2 =	sld [smem:$0x3FD0];
	(tm) =	ssettm $0x1  }
0x91: {  	s18 =	sld [smem:$0x3FFB];
	_ =	sdelay $0x3  }
0x92: {  	_ =	strace s18  }
0x93: {  	s3 =	sld [smem:$0x3FFC];
	_ =	sdelay $0x3  }
0x94: {  	_ =	strace s3  }
0x95: {  	s3 =	sld [smem:$0x3FFD];
	_ =	sdelay $0x3  }
0x96: {  	_ =	strace s3  }
0x97: {  	_ =	strace $0x8FFFFFFF  }
0x98: {  	s19 =	sld [smem:$0x3FDB];
	_ =	sdelay $0x1  }
0x99: {  	s4 =	simm.s32 $_scs_section_size  }
0x9a: {  	s5 =	simm.s32 $_size__tile_overlayer_lowered;
	s6 =	simm.s32 $_tile_overlayer_lowered  }
0x9b: {  	s22 =	simm.s32 $0x1BFF;
	s21 =	sshll.u32 s6, $0x1;
	s3 =	sadd.s32 s4, s19  }
0x9c: {  	s7 =	simm.s32 $0x0;
	s20 =	sshll.u32 s5, $0x1;
	s5 =	sadd.s32 s21, s3  }
0x9d: {  	[timem:s7], [sflag:s22] =	dma.local [hbm:s5], s20  }
0x9e: {  	_ =	swait.ge [sflag:s22], s20  }
0x9f: {  	s4 =	ssub.s32 $0x0, s20;
	[sflag:s22] =	ssyncset.done $0x0  }
0xa0: {  	[sflag:s22] =	ssyncadd.s32 s4;
	_ =	sdelay $0x1  }
0xa1: {  	s23 =	simm.s32 $0x1B8B  }
0xa2: {  	_ =	swait.ge [sflag:s23], $0x1  }
0xa3: {  	[sflag:s23] =	ssyncset.done $0x0  }
0xa4: {  	s25 =	simm.s32 $0x1B8E;
	s24 =	sld [smem:$0x3FFE];
	[sflag:s23] =	ssyncadd.s32 $0xFFFFFFFF  }
0xa5: {  	s26 =	simm.s32 $execute0_lowered;
	[smem:$0x3FD2] =	sst s25  }
0xa6: {  	s5 =	sshll.u32 s26, $0x1;
	_ =	strace $0x80000052;
	[dreg:$0x1] =	wrdreg $0xFFFFFFFF  }
0xa7: {  	s28 =	simm.s32 $_size_execute0_lowered;
	s3 =	sadd.s32 s3, s5;
	[dreg:$0x0] =	wrdreg $0x0  }
0xa8: {  	s5 =	sshll.u32 s28, $0x1;
	[dreg:$0x2] =	wrdreg s3  }
0xa9: {  	[dreg:$0x3] =	wrdreg s5  }
0xaa: {  	[dreg:$0x4] =	wrdreg $0xC0  }
0xab: {  	_ =	task [dreg:s7], $0x5FFFF  }
0xac: {  	[dreg:$0x1] =	wrdreg $0xFFFFFFFF  }
0xad: {  	[dreg:$0x0] =	wrdreg $0x60  }
0xae: {  	[dreg:$0x2] =	wrdreg s2  }
0xaf: {  	[dreg:$0x3] =	wrdreg s24  }
0xb0: {  	[dreg:$0x4] =	wrdreg $0x0  }
0xb1: {  	[dreg:$0x5] =	wrdreg $0x9  }
0xb2: {  	_ =	task.clear_ibuf [dreg:s7], $0x6FFFF;
	_ =	strace $0x90000052  }
0xb3: {  	s29 =	simm.s32 $0x9;
	_ =	strace $0x80000054  }
0xb4: {  	_ =	swait.ge [sflag:s29], $0x1  }
0xb5: {  	[sflag:s29] =	ssyncadd.s32 $0xFFFFFFFF  }
0xb6: {  	_ =	strace $0x90000054  }
0xb7: {  	_ =	sfence  }
0xb8: {  	s30 =	sld [smem:$0x0];
	_ =	sdelay $0x2  }
0xb9: {  	s31 =	sshll.u32 s1, $0xD;
	s1 =	sshrl.u32 s1, $0x2  }
0xba: {  	s3 =	sand.u32 $0x4000, s31;
	s1 =	sadd.s32 s1, s30  }
0xbb: {  	s0 =	sor.u32 s3, s0;
	s1 =	sshll.u32 s1, $0x11  }
0xbc: {  	s0 =	sor.u32 s1, s0  }
0xbd: {  	s0 =	sadd.s32 $0x8F2B, s0  }
0xbe: {  	[sflag:s0] =	ssyncadd.remote.s32 $0x1  }
0xbf: {  	_ =	sfence.sel $0xFFFF  }
0xc0: {  	[dreg:$0x0] =	wrdreg $0xFFFFFFFF;
	(pc) =	sbr.abs _section_cstart, $3  }
0xc1: {  	[dreg:$0x1] =	wrdreg $0xFFFFFFFF  }
0xc2: {  	_ =	task.clear_ibuf [dreg:s7], $0x2FFFF;
	_ =	strace $0x9FFFFFFF  }
0xc3: {  	(tm) =	ssettm $0x7FFFFFFF  }
tec
execute0_lowered:
.L_overlay_start_1:
0x0: {  	(tag) =	ssettag $0x1  }
0x1: {  	s1 =	rddreg [dreg:$0x0]  }
0x2: {  	s8 =	rddreg [dreg:$0x1];
	s2 =	srdreg.scid  }
0x3: {  	s0 =	stileid.u32;
	s3 =	rddreg [dreg:$0x2]  }
0x4: {  	s4 =	simm.s32 $0x0;
	s18 =	simm.s32 $0x13C80;
	s19 =	simm.s32 $0x80  }
0x5: {  	s20 =	simm.s32 $0x16900;
	s21 =	simm.s32 $0x1A900;
	s22 =	simm.s32 $0x0  }
0x6: {  	s9 =	sand.u32 $0x1, s2;
	s5 =	sshll.u32 s0, $0x1;
	s2 =	rddreg [dreg:$0x3]  }
0x7: {  	[smem:$0x7FF] =	sst s4;
	s12 =	smul.u32 $0x13C00, s0;
	s6 =	sadd.s32 $0x1A00, s8  }
0x8: {  	s7 =	sadd.s32 $0x20E00, s8;
	s25 =	smul.u32 $0x4F000, s0;
	s28 =	sshrl.u32 s0, $0x2  }
0x9: {  	s29 =	sshll.u32 s0, $0x6;
	s10 =	sor.u32 s9, s5;
	s13 =	smul.u32 $0x13C000, s9  }
0xa: {  	_ =	strace $0x80000053;
	s5 =	sadd.s32 $0x20600, s8;
	s30 =	smul.u32 $0x14400, s28  }
0xb: {  	s9 =	ssub.s32 $0x2, s9;
	s11 =	smul.u32 $0x580, s10;
	s14 =	sshrl.u32 s12, $0x3  }
0xc: {  	s15 =	sshrl.u32 s9, $0x1;
	s26 =	sshrl.u32 s25, $0x2;
	s17 =	sshll.u32 s10, $0x7  }
0xd: {  	s12 =	sadd.s32 s12, s13;
	s14 =	sadd.s32 s14, s8;
	s15 =	ssub.s32 s9, s15  }
0xe: {  	s16 =	sadd.s32 s26, s3;
	s9 =	sor.u32 $0x1C01, s29;
	s31 =	sand.u32 $0x380, s17  }
0xf: {  	s17 =	simm.s32 $0x13C00;
	s11 =	sadd.s32 s11, s8;
	s12 =	sshrl.u32 s12, $0x3  }
0x10: {  	s13 =	smax.u32 s15, $0x1;
	s15 =	simm.s32 $0x1;
	s12 =	sadd.s32 s12, s8  }
0x11: {  	s8 =	sadd.s32 $0x67400, s14;
	s10 =	sadd.s32 $0x5C400, s11;
	s11 =	sor.u32 s31, s30  }
0x12: {  	s14 =	sshrl.u32 s16, $0x3;
	s16 =	simm.s32 $0x13D00;
	s12 =	sadd.s32 $0x8EC00, s12  }
.LBB2_1:
0x13: {  	[spmem:s14], [sflag:s9] =	dma.local [hbm:s8], $0x2780  }
0x14: {  	_ =	swait.ge [sflag:s15], $0x2780  }
0x15: {  	[sflag:s15] =	ssyncset.done $0x0  }
0x16: {  	[sflag:s15] =	ssyncadd.s32 $0xFFFFD880  }
0x17: {  	[tilespmem:s16], [sflag:$0x1] =	stream.linear.gather [hbm4b:s10+s4], $0x2880, $0x38;
	[tilespmem:$0x1E900] =	vst v63  }
0x18: {  	_ =	swait.ge [sflag:s15], $0x2880  }
0x19: {  	[sflag:s15] =	ssyncset.done $0x0  }
0x1a: {  	[sflag:s15] =	ssyncadd.s32 $0xFFFFD780  }
0x1b: {  	s23 =	simm.s32 $0x0;
	[bflag:$0x0] =	sbarrier.arrive $0xFFFF  }
.LBB2_2:
0x1c: {  	s24 =	sshll.u32 s23, $0xA  }
0x1d: {  	s24 =	sadd.s32 s11, s24  }
0x1e: {  	s24 =	sshrl.u32 s24, $0x3  }
0x1f: {  	s26 =	simm.s32 $0x0;
	s25 =	sadd.s32 s6, s24  }
0x20: {  	[tilespmem:s17], [sflag:$0x1] =	stream.linear.gather [hbm4b:s25+s26], $0x80, $0x38;
	[tilespmem:$0x1E900] =	vst v63  }
0x21: {  	_ =	swait.ge [sflag:s15], $0x80  }
0x22: {  	[sflag:s15] =	ssyncset.done $0x0  }
0x23: {  	s24 =	sadd.s32 s7, s24;
	[sflag:s15] =	ssyncadd.s32 $0xFFFFFF80  }
0x24: {  	[tilespmem:s18], [sflag:$0x1] =	stream.linear.gather [hbm4b:s24+s26], $0x80, $0x38;
	[tilespmem:$0x1E900] =	vst v63  }
0x25: {  	_ =	swait.ge [sflag:s15], $0x80  }
0x26: {  	[sflag:s15] =	ssyncset.done $0x0  }
0x27: {  	[sflag:s15] =	ssyncadd.s32 $0xFFFFFF80  }
0x28: {  	[tilespmem:s20], [sflag:$0x1] =	stream.indirect.gather [hbm4b:s1+s19], $0x80, s17, s19, $0xb8;
	[tilespmem:$0x1E900] =	vst v63  }
0x29: {  	_ =	swait.ge [sflag:s15], $0x4000  }
0x2a: {  	[sflag:s15] =	ssyncset.done $0x0  }
0x2b: {  	[sflag:s15] =	ssyncadd.s32 $0xFFFFC000  }
0x2c: {  	[tilespmem:s21], [sflag:$0x1] =	stream.indirect.gather [hbm4b:s5+s19], $0x80, s18, s19, $0xb8;
	[tilespmem:$0x1E900] =	vst v63  }
0x2d: {  	_ =	swait.ge [sflag:s15], $0x4000  }
0x2e: {  	[sflag:s15] =	ssyncset.done $0x0  }
0x2f: {  	s24 =	simm.s32 $0x0;
	[sflag:s15] =	ssyncadd.s32 $0xFFFFC000  }
0x30: {  	v7 =	vld [tilespmem:s24+$0x1A900]  }
0x31: {  	v11 =	vld [tilespmem:s24+$0x1A910]  }
0x32: {  	v5 =	vld [tilespmem:s24+$0x1A920]  }
0x33: {  	v4 =	vld [tilespmem:s24+$0x1A930]  }
0x34: {  	v3 =	vld [tilespmem:s24+$0x1A940]  }
0x35: {  	v2 =	vld [tilespmem:s24+$0x1A950]  }
0x36: {  	v1 =	vld [tilespmem:s24+$0x1A960]  }
0x37: {  	v0 =	vld [tilespmem:s24+$0x1A970]  }
0x38: {  	v12 =	vld [tilespmem:s24+$0x16900]  }
0x39: {  	v13 =	vld [tilespmem:s24+$0x16910]  }
0x3a: {  	v10 =	vld [tilespmem:s24+$0x16920]  }
0x3b: {  	v9 =	vld [tilespmem:s24+$0x16930]  }
0x3c: {  	v8 =	vld [tilespmem:s24+$0x16940]  }
0x3d: {  	v6 =	vld [tilespmem:s24+$0x16950];
	v12 =	vadd.f32 v7, v12  }
0x3e: {  	s25 =	simm.s32 $0x200;
	v11 =	vadd.f32 v11, v13;
	v7 =	vld [tilespmem:s24+$0x16960]  }
.LBB2_3:
0x3f: {  	s26 =	sshra.s32 s25, $0x2;
	p0 =	sne.s32 s25, $0xFE00;
	[tilespmem:s24+$0x16900] =	vst v12;
	v5 =	vadd.f32 v5, v10;
	v10 =	vld [tilespmem:s24+$0x16970]  }
0x40: {  	v12 =	vld [tilespmem:s26+$0x1A900];
	[tilespmem:s24+$0x16910] =	vst v11;
	v4 =	vadd.f32 v4, v9  }
0x41: {  	v11 =	vld [tilespmem:s26+$0x1A910];
	[tilespmem:s24+$0x16920] =	vst v5;
	v3 =	vadd.f32 v3, v8  }
0x42: {  	v5 =	vld [tilespmem:s26+$0x1A920];
	[tilespmem:s24+$0x16930] =	vst v4;
	v2 =	vadd.f32 v2, v6  }
0x43: {  	v4 =	vld [tilespmem:s26+$0x1A930];
	[tilespmem:s24+$0x16940] =	vst v3;
	v1 =	vadd.f32 v1, v7  }
0x44: {  	v3 =	vld [tilespmem:s26+$0x1A940];
	[tilespmem:s24+$0x16950] =	vst v2;
	v0 =	vadd.f32 v0, v10  }
0x45: {  	v2 =	vld [tilespmem:s26+$0x1A950];
	[tilespmem:s24+$0x16960] =	vst v1  }
0x46: {  	v1 =	vld [tilespmem:s26+$0x1A960];
	[tilespmem:s24+$0x16970] =	vst v0;
	s24 =	smov.u32 s26  }
0x47: {  	v0 =	vld [tilespmem:s24+$0x1A970]  }
0x48: {  	v6 =	vld [tilespmem:s24+$0x16900]  }
0x49: {  	v7 =	vld [tilespmem:s24+$0x16910]  }
.Ltmp0:
0x4a: {  	v10 =	vld [tilespmem:s24+$0x16920];
	(pc) =	sbr.rel @p0 .LBB2_3-.Ltmp0, $4  }
0x4b: {  	v9 =	vld [tilespmem:s24+$0x16930]  }
0x4c: {  	v8 =	vld [tilespmem:s24+$0x16940]  }
0x4d: {  	v12 =	vadd.f32 v12, v6;
	v6 =	vld [tilespmem:s24+$0x16950]  }
0x4e: {  	s25 =	sadd.s32 $0x200, s25;
	v11 =	vadd.f32 v11, v7;
	v7 =	vld [tilespmem:s24+$0x16960]  }
0x4f: {  	[tilespmem:s24+$0x16900] =	vst v12;
	v5 =	vadd.f32 v5, v10;
	v63 =	vld [tilespmem:s24+$0x16970]  }
0x50: {  	[tilespmem:s24+$0x16910] =	vst v11;
	v4 =	vadd.f32 v4, v9  }
0x51: {  	[tilespmem:s24+$0x16920] =	vst v5;
	v3 =	vadd.f32 v3, v8  }
0x52: {  	[tilespmem:s24+$0x16930] =	vst v4;
	v2 =	vadd.f32 v2, v6  }
0x53: {  	[tilespmem:s24+$0x16940] =	vst v3;
	v1 =	vadd.f32 v1, v7  }
0x54: {  	s25 =	sshll.u32 s23, $0x7;
	s23 =	sadd.s32 $0x1, s23;
	[tilespmem:s24+$0x16950] =	vst v2;
	v0 =	vadd.f32 v0, v63  }
0x55: {  	s25 =	sand.u32 $0x3FFFFF80, s25;
	p0 =	sne.s32 s23, $0x51;
	[tilespmem:s24+$0x16960] =	vst v1  }
.Ltmp1:
0x56: {  	s31 =	sadd.s32 $0x13D00, s25;
	[tilespmem:s24+$0x16970] =	vst v0;
	(pc) =	sbr.rel @p0 .LBB2_2-.Ltmp1, $4  }
0x57: {  	[spmem:s3] =	stream.indirect.scatter.add.f32 [tilespmem:s20], [sflag:$0x1], $0x80, s31, s19, $0xb8;
	[tilespmem:$0x1E900] =	vst v63  }
0x58: {  	_ =	swait.ge [sflag:s15], $0x4000  }
0x59: {  	[sflag:s15] =	ssyncset.done $0x0  }
0x5a: {  	[sflag:s15] =	ssyncadd.s32 $0xFFFFC000  }
0x5b: {  	s22 =	sadd.s32 $0x1, s22  }
0x5c: {  	p0 =	sne.s32 s22, s13  }
.Ltmp2:
0x5d: {  	[bflag:$0x0] =	sbarrier.arrive $0xFFFF;
	(pc) =	sbr.rel @p0 .LBB2_1-.Ltmp2, $4  }
0x5e: {  	[hbm:s12], [sflag:s9] =	dma.local [spmem:s14], $0x2780  }
0x5f: {  	_ =	swait.ge [sflag:s15], $0x2780  }
0x60: {  	[sflag:s15] =	ssyncset.done $0x0  }
0x61: {  	[sflag:s15] =	ssyncadd.s32 $0xFFFFD880  }
0x62: {  	_ =	sfence.sel $0x180000  }
0x63: {  	[bflag:$0x0] =	sbarrier.arrive $0xFFFF  }
0x64: {  	p0 =	sne.s32 s0, $0x0;
	_ =	strace $0x90000053  }
0x65: {  	s0 =	sadd.s32 @!p0 $0x100000, s2;
	[bflag:$0x2] =	sbarrier.arrive $0xFFFF  }
0x66: {  	[sflag:s0] =	ssyncadd.tile.s32 @!p0 $0x1;
	_ =	shalt  }
.Lfunc_end2:
_tile_overlayer_lowered:
.L_overlay_start_2:
0x67: {  	(tag) =	ssettag $0x2  }
0x68: {  	s0 =	rddreg [dreg:$0x0];
	s2 =	stileid.u32  }
0x69: {  	s1 =	rddreg [dreg:$0x1];
	p0 =	sne.s32 s2, $0x0  }
0x6a: {  	s3 =	rddreg [dreg:$0x2];
	[bflag:$0x3] =	sbarrier.arrive $0xFFFF;
	s2 =	simm.s32 @!p0 $0x1C01  }
0x6b: {  	[timem:s3], [sflag:s2] =	dma.local @!p0 [hbm:s0], s1  }
0x6c: {  	s0 =	simm.s32 @!p0 $0x1  }
0x6d: {  	_ =	swait.ge @!p0 [sflag:s0], s1  }
0x6e: {  	s1 =	ssub.s32 @!p0 $0x0, s1;
	[sflag:s0] =	ssyncset.done @!p0 $0x0  }
0x6f: {  	[sflag:s0] =	ssyncadd.s32 @!p0 s1  }
0x70: {  	[bflag:$0x3] =	sbarrier.arrive $0xFFFF  }
0x71: {  	_ =	shalt  }

// kernel: kernel.24.cloned.1.call-start
scs
__scs_entry_jumppad:
0x0: {  	(pc) =	sbr.rel $0x88, $3  }
0x1: {  	(tag) =	ssettag $0x0;
	lr =	simm.s32 $0x1  }
0x2: {  	[smem:$0x3F94] =	sst lr;
	_ =	strace $0xD0000000  }
0x3: {  	_ = 	snop  }
0x4: {  	_ = 	snop  }
0x5: {  	_ = 	snop  }
0x6: {  	_ = 	snop  }
0x7: {  	_ = 	snop  }
__scs_overlays_trampoline_lowered:
0x8: {  	[smem:$0x3FA3] =	sst s0  }
0x9: {  	[smem:$0x3FA4] =	sst s1  }
0xa: {  	[smem:$0x3FA5] =	sst s2  }
0xb: {  	[smem:$0x3FA6] =	sst s3  }
0xc: {  	[smem:$0x3FA7] =	sst s4  }
0xd: {  	[smem:$0x3FA8] =	sst s5  }
0xe: {  	[smem:$0x3FA9] =	sst s6  }
0xf: {  	[smem:$0x3FAA] =	sst s7  }
0x10: {  	[smem:$0x3FAB] =	sst s8  }
0x11: {  	[smem:$0x3FAC] =	sst s9;
	s0 =	simm.s32 @!p0 $0x0  }
0x12: {  	s1 =	sld [smem:$0x3F92];
	s0 =	simm.s32 @p0 $0x1  }
0x13: {  	[smem:$0x3FAD] =	sst s0;
	s0 =	simm.s32 @!p1 $0x0  }
0x14: {  	s2 =	sld [smem:$0x3F91];
	s0 =	simm.s32 @p1 $0x1  }
0x15: {  	[smem:$0x3FAE] =	sst s0;
	s0 =	simm.s32 @!p2 $0x0  }
0x16: {  	s3 =	sld [smem:$0x3FDB];
	s0 =	simm.s32 @p2 $0x1  }
0x17: {  	s4 =	simm.s32 $0x1BF5;
	[smem:$0x3FB0] =	sst s0  }
0x18: {  	s0 =	sld [smem:$0x3F93];
	_ =	swait.ge [sflag:s4], $0x0  }
0x19: {  	s7 =	sld [smem:$0x3F94]  }
0x1a: {  	s8 =	sadd.s32 $0xFFFFE003, lr  }
0x1b: {  	s9 =	sadd.s32 $0xFFFFFEF7, lr;
	s5 =	simm.s32 $0xFFFFFFFF;
	p2 =	slt.u32 s8, $0xFFFFF086  }
0x1c: {  	p1 =	slt.u32 s9, $0xF7A;
	s5 =	simm.s32 @!p2 $0x0  }
0x1d: {  	s5 =	simm.s32 @p1 $0x1;
	p0 =	seq.s32 s7, s2  }
0x1e: {  	s7 =	smul.u32 @!p0 $0xF7A, s2;
	p2 =	seq.s32 @!p0 s5, $0x0  }
0x1f: {  	s9 =	smul.u32 $0xF7A, s1;
	s8 =	simm.s32 @!p0 $0x1BF5;
	p2 =	por !p2, p0  }
0x20: {  	[sflag:s8] =	ssyncset.s32 @!p0 $0xFFFFF086;
	s6 =	sadd.s32 @!p0 s3, s7;
	s7 =	simm.s32 @!p0 $0x108  }
0x21: {  	s3 =	sadd.s32 s3, s9;
	s6 =	sadd.s32 @!p0 $0x88, s6;
	s7 =	simm.s32 @p2 $0x1082  }
0x22: {  	[simem:s7], [sflag:s8] =	dma.local @!p0 [hbm:s6], $0xF7A  }
0x23: {  	s9 =	sor.u32 $0xD0000000, s2;
	s6 =	simm.s32 $0x108;
	_ =	swait.ge @!p0 [sflag:s8], $0x0  }
0x24: {  	s3 =	sadd.s32 $0x88, s3;
	s6 =	simm.s32 @!p1 $0x1082;
	[sflag:s4] =	ssyncset.s32 $0xFFFFF086  }
0x25: {  	[simem:s6], [sflag:s4] =	dma.local [hbm:s3], $0xF7A  }
0x26: {  	[smem:$0x3F94] =	sst s1;
	(tag) =	ssettag s2;
	_ =	strace s9  }
0x27: {  	s1 =	sld [smem:$0x3FA4]  }
0x28: {  	s2 =	sld [smem:$0x3FA5]  }
0x29: {  	s4 =	sld [smem:$0x3FA7]  }
0x2a: {  	p0 =	seq.s32 s5, $0x0;
	s5 =	sld [smem:$0x3FA8]  }
0x2b: {  	s6 =	sld [smem:$0x3FA9]  }
0x2c: {  	s7 =	sld [smem:$0x3FAA]  }
0x2d: {  	s3 =	simm.s32 $0x108;
	s8 =	sld [smem:$0x3FAB]  }
0x2e: {  	s3 =	simm.s32 @!p0 $0x1082;
	s9 =	sld [smem:$0x3FAC]  }
0x2f: {  	lr =	sadd.s32 s0, s3;
	s0 =	sld [smem:$0x3FA3]  }
0x30: {  	s3 =	sld [smem:$0x3FA6]  }
0x31: {  	[smem:$0x3FAF] =	sst s10  }
0x32: {  	s10 =	sld [smem:$0x3FAD];
	_ =	sdelay $0x3  }
0x33: {  	p0 =	seq.s32 s10, $0x1;
	s10 =	sld [smem:$0x3FAF];
	_ =	sdelay $0x3  }
0x34: {  	[smem:$0x3FAF] =	sst s10  }
0x35: {  	s10 =	sld [smem:$0x3FAE];
	_ =	sdelay $0x3  }
0x36: {  	p1 =	seq.s32 s10, $0x1;
	s10 =	sld [smem:$0x3FAF];
	_ =	sdelay $0x3  }
0x37: {  	[smem:$0x3FAF] =	sst s10  }
0x38: {  	s10 =	sld [smem:$0x3FB0]  }
0x39: {  	_ = 	snop;
	(pc) =	sbr.ind lr, $3  }
0x3a: {  	_ = 	snop  }
0x3b: {  	_ = 	snop  }
0x3c: {  	p2 =	seq.s32 s10, $0x1;
	s10 =	sld [smem:$0x3FAF]  }
0x3d: {  	_ =	shalt  }
0x3e: {  	_ =	shalt  }
0x3f: {  	_ =	shalt  }
0x40: {  	_ =	shalt  }
0x41: {  	_ =	shalt  }
0x42: {  	_ =	shalt  }
0x43: {  	_ =	shalt  }
0x44: {  	_ =	shalt  }
0x45: {  	_ =	shalt  }
0x46: {  	_ =	shalt  }
0x47: {  	_ =	shalt  }
0x48: {  	_ =	shalt  }
0x49: {  	_ =	shalt  }
0x4a: {  	_ =	shalt  }
0x4b: {  	_ =	shalt  }
0x4c: {  	_ =	shalt  }
0x4d: {  	_ =	shalt  }
0x4e: {  	_ =	shalt  }
0x4f: {  	_ =	shalt  }
0x50: {  	_ =	shalt  }
0x51: {  	_ =	shalt  }
0x52: {  	_ =	shalt  }
0x53: {  	_ =	shalt  }
0x54: {  	_ =	shalt  }
0x55: {  	_ =	shalt  }
0x56: {  	_ =	shalt  }
0x57: {  	_ =	shalt  }
0x58: {  	_ =	shalt  }
0x59: {  	_ =	shalt  }
0x5a: {  	_ =	shalt  }
0x5b: {  	_ =	shalt  }
0x5c: {  	_ =	shalt  }
0x5d: {  	_ =	shalt  }
0x5e: {  	_ =	shalt  }
0x5f: {  	_ =	shalt  }
0x60: {  	_ =	shalt  }
0x61: {  	_ =	shalt  }
0x62: {  	_ =	shalt  }
0x63: {  	_ =	shalt  }
0x64: {  	_ =	shalt  }
0x65: {  	_ =	shalt  }
0x66: {  	_ =	shalt  }
0x67: {  	_ =	shalt  }
0x68: {  	_ =	shalt  }
0x69: {  	_ =	shalt  }
0x6a: {  	_ =	shalt  }
0x6b: {  	_ =	shalt  }
0x6c: {  	_ =	shalt  }
0x6d: {  	_ =	shalt  }
0x6e: {  	_ =	shalt  }
0x6f: {  	_ =	shalt  }
0x70: {  	_ =	shalt  }
0x71: {  	_ =	shalt  }
0x72: {  	_ =	shalt  }
0x73: {  	_ =	shalt  }
0x74: {  	_ =	shalt  }
0x75: {  	_ =	shalt  }
0x76: {  	_ =	shalt  }
0x77: {  	_ =	shalt  }
0x78: {  	_ =	shalt  }
0x79: {  	_ =	shalt  }
0x7a: {  	_ =	shalt  }
0x7b: {  	_ =	shalt  }
0x7c: {  	_ =	shalt  }
0x7d: {  	_ =	shalt  }
0x7e: {  	_ =	shalt  }
0x7f: {  	_ =	shalt  }
0x80: {  	_ =	shalt  }
0x81: {  	_ =	shalt  }
0x82: {  	_ =	shalt  }
0x83: {  	_ =	shalt  }
0x84: {  	_ =	shalt  }
0x85: {  	_ =	shalt  }
0x86: {  	_ =	shalt  }
0x87: {  	_ =	shalt  }
.Lfunc_end0:
.L_simem_size_0:
called_computation.5_lowered:
.L_overlay_start_0:
0x88: {  	s2 =	sld [smem:$0x3FD9]  }
0x89: {  	s3 =	sld [smem:$0x3FFE];
	_ =	sdelay $0x1  }
0x8a: {  	s1 =	srdreg.scid  }
0x8b: {  	s0 =	sand.u32 $0x1, s1  }
0x8c: {  	s17 =	sshll.u32 s0, $0xA;
	s2 =	sadd.s32 s3, s2  }
0x8d: {  	s2 =	sadd.s32 s2, s17  }
0x8e: {  	[smem:$0x3FBB] =	sst s2  }
0x8f: {  	_ = 	snop  }
0x90: {  	s2 =	sld [smem:$0x3FD0];
	(tm) =	ssettm $0x1  }
0x91: {  	s18 =	sld [smem:$0x3FFB];
	_ =	sdelay $0x3  }
0x92: {  	_ =	strace s18  }
0x93: {  	s3 =	sld [smem:$0x3FFC];
	_ =	sdelay $0x3  }
0x94: {  	_ =	strace s3  }
0x95: {  	s3 =	sld [smem:$0x3FFD];
	_ =	sdelay $0x3  }
0x96: {  	_ =	strace s3  }
0x97: {  	_ =	strace $0x8FFFFFFF  }
0x98: {  	s19 =	sld [smem:$0x3FDB];
	_ =	sdelay $0x1  }
0x99: {  	s4 =	simm.s32 $_scs_section_size  }
0x9a: {  	s5 =	simm.s32 $_size__tile_overlayer_lowered;
	s6 =	simm.s32 $_tile_overlayer_lowered  }
0x9b: {  	s22 =	simm.s32 $0x1BFF;
	s21 =	sshll.u32 s6, $0x1;
	s3 =	sadd.s32 s4, s19  }
0x9c: {  	s7 =	simm.s32 $0x0;
	s20 =	sshll.u32 s5, $0x1;
	s5 =	sadd.s32 s21, s3  }
0x9d: {  	[timem:s7], [sflag:s22] =	dma.local [hbm:s5], s20  }
0x9e: {  	_ =	swait.ge [sflag:s22], s20  }
0x9f: {  	s4 =	ssub.s32 $0x0, s20;
	[sflag:s22] =	ssyncset.done $0x0  }
0xa0: {  	[sflag:s22] =	ssyncadd.s32 s4;
	_ =	sdelay $0x1  }
0xa1: {  	s23 =	simm.s32 $0x1B8B  }
0xa2: {  	_ =	swait.ge [sflag:s23], $0x1  }
0xa3: {  	[sflag:s23] =	ssyncset.done $0x0  }
0xa4: {  	s25 =	simm.s32 $0x1B8E;
	s24 =	sld [smem:$0x3FFE];
	[sflag:s23] =	ssyncadd.s32 $0xFFFFFFFF  }
0xa5: {  	s26 =	simm.s32 $execute0_lowered;
	[smem:$0x3FD2] =	sst s25  }
0xa6: {  	s5 =	sshll.u32 s26, $0x1;
	_ =	strace $0x80000055;
	[dreg:$0x1] =	wrdreg $0xFFFFFFFF  }
0xa7: {  	s28 =	simm.s32 $_size_execute0_lowered;
	s3 =	sadd.s32 s3, s5;
	[dreg:$0x0] =	wrdreg $0x0  }
0xa8: {  	s5 =	sshll.u32 s28, $0x1;
	[dreg:$0x2] =	wrdreg s3  }
0xa9: {  	[dreg:$0x3] =	wrdreg s5  }
0xaa: {  	[dreg:$0x4] =	wrdreg $0xC0  }
0xab: {  	_ =	task [dreg:s7], $0x5FFFF  }
0xac: {  	[dreg:$0x1] =	wrdreg $0xFFFFFFFF  }
0xad: {  	[dreg:$0x0] =	wrdreg $0x60  }
0xae: {  	[dreg:$0x2] =	wrdreg s2  }
0xaf: {  	[dreg:$0x3] =	wrdreg s24  }
0xb0: {  	[dreg:$0x4] =	wrdreg $0x0  }
0xb1: {  	[dreg:$0x5] =	wrdreg $0x9  }
0xb2: {  	_ =	task.clear_ibuf [dreg:s7], $0x6FFFF;
	_ =	strace $0x90000055  }
0xb3: {  	s29 =	simm.s32 $0x9;
	_ =	strace $0x80000057  }
0xb4: {  	_ =	swait.ge [sflag:s29], $0x1  }
0xb5: {  	[sflag:s29] =	ssyncadd.s32 $0xFFFFFFFF  }
0xb6: {  	_ =	strace $0x90000057  }
0xb7: {  	_ =	sfence  }
0xb8: {  	s30 =	sld [smem:$0x0];
	_ =	sdelay $0x2  }
0xb9: {  	s31 =	sshll.u32 s1, $0xD;
	s1 =	sshrl.u32 s1, $0x2  }
0xba: {  	s3 =	sand.u32 $0x4000, s31;
	s1 =	sadd.s32 s1, s30  }
0xbb: {  	s0 =	sor.u32 s3, s0;
	s1 =	sshll.u32 s1, $0x11  }
0xbc: {  	s0 =	sor.u32 s1, s0  }
0xbd: {  	s0 =	sadd.s32 $0x8F2B, s0  }
0xbe: {  	[sflag:s0] =	ssyncadd.remote.s32 $0x1  }
0xbf: {  	_ =	sfence.sel $0xFFFF  }
0xc0: {  	[dreg:$0x0] =	wrdreg $0xFFFFFFFF;
	(pc) =	sbr.abs _section_cstart, $3  }
0xc1: {  	[dreg:$0x1] =	wrdreg $0xFFFFFFFF  }
0xc2: {  	_ =	task.clear_ibuf [dreg:s7], $0x2FFFF;
	_ =	strace $0x9FFFFFFF  }
0xc3: {  	(tm) =	ssettm $0x7FFFFFFF  }
tec
execute0_lowered:
.L_overlay_start_1:
0x0: {  	(tag) =	ssettag $0x1  }
0x1: {  	s1 =	rddreg [dreg:$0x0]  }
0x2: {  	s8 =	rddreg [dreg:$0x1];
	s2 =	srdreg.scid  }
0x3: {  	s0 =	stileid.u32;
	s3 =	rddreg [dreg:$0x2]  }
0x4: {  	s4 =	simm.s32 $0x0;
	s18 =	simm.s32 $0x13C80;
	s19 =	simm.s32 $0x80  }
0x5: {  	s20 =	simm.s32 $0x16900;
	s21 =	simm.s32 $0x1A900;
	s22 =	simm.s32 $0x0  }
0x6: {  	s9 =	sand.u32 $0x1, s2;
	s5 =	sshll.u32 s0, $0x1;
	s2 =	rddreg [dreg:$0x3]  }
0x7: {  	[smem:$0x7FF] =	sst s4;
	s12 =	smul.u32 $0x13C00, s0;
	s6 =	sadd.s32 $0x1A00, s8  }
0x8: {  	s7 =	sadd.s32 $0x20E00, s8;
	s25 =	smul.u32 $0x4F000, s0;
	s28 =	sshrl.u32 s0, $0x2  }
0x9: {  	s29 =	sshll.u32 s0, $0x6;
	s10 =	sor.u32 s9, s5;
	s13 =	smul.u32 $0x13C000, s9  }
0xa: {  	_ =	strace $0x80000056;
	s5 =	sadd.s32 $0x20800, s8;
	s30 =	smul.u32 $0x14400, s28  }
0xb: {  	s9 =	ssub.s32 $0x2, s9;
	s11 =	smul.u32 $0x580, s10;
	s14 =	sshrl.u32 s12, $0x3  }
0xc: {  	s15 =	sshrl.u32 s9, $0x1;
	s26 =	sshrl.u32 s25, $0x2;
	s17 =	sshll.u32 s10, $0x7  }
0xd: {  	s12 =	sadd.s32 s12, s13;
	s14 =	sadd.s32 s14, s8;
	s15 =	ssub.s32 s9, s15  }
0xe: {  	s16 =	sadd.s32 s26, s3;
	s9 =	sor.u32 $0x1C01, s29;
	s31 =	sand.u32 $0x380, s17  }
0xf: {  	s17 =	simm.s32 $0x13C00;
	s11 =	sadd.s32 s11, s8;
	s12 =	sshrl.u32 s12, $0x3  }
0x10: {  	s13 =	smax.u32 s15, $0x1;
	s15 =	simm.s32 $0x1;
	s12 =	sadd.s32 s12, s8  }
0x11: {  	s8 =	sadd.s32 $0x67400, s14;
	s10 =	sadd.s32 $0x5C400, s11;
	s11 =	sor.u32 s31, s30  }
0x12: {  	s14 =	sshrl.u32 s16, $0x3;
	s16 =	simm.s32 $0x13D00;
	s12 =	sadd.s32 $0x8EC00, s12  }
.LBB2_1:
0x13: {  	[spmem:s14], [sflag:s9] =	dma.local [hbm:s8], $0x2780  }
0x14: {  	_ =	swait.ge [sflag:s15], $0x2780  }
0x15: {  	[sflag:s15] =	ssyncset.done $0x0  }
0x16: {  	[sflag:s15] =	ssyncadd.s32 $0xFFFFD880  }
0x17: {  	[tilespmem:s16], [sflag:$0x1] =	stream.linear.gather [hbm4b:s10+s4], $0x2880, $0x38;
	[tilespmem:$0x1E900] =	vst v63  }
0x18: {  	_ =	swait.ge [sflag:s15], $0x2880  }
0x19: {  	[sflag:s15] =	ssyncset.done $0x0  }
0x1a: {  	[sflag:s15] =	ssyncadd.s32 $0xFFFFD780  }
0x1b: {  	s23 =	simm.s32 $0x0;
	[bflag:$0x0] =	sbarrier.arrive $0xFFFF  }
.LBB2_2:
0x1c: {  	s24 =	sshll.u32 s23, $0xA  }
0x1d: {  	s24 =	sadd.s32 s11, s24  }
0x1e: {  	s24 =	sshrl.u32 s24, $0x3  }
0x1f: {  	s26 =	simm.s32 $0x0;
	s25 =	sadd.s32 s6, s24  }
0x20: {  	[tilespmem:s17], [sflag:$0x1] =	stream.linear.gather [hbm4b:s25+s26], $0x80, $0x38;
	[tilespmem:$0x1E900] =	vst v63  }
0x21: {  	_ =	swait.ge [sflag:s15], $0x80  }
0x22: {  	[sflag:s15] =	ssyncset.done $0x0  }
0x23: {  	s24 =	sadd.s32 s7, s24;
	[sflag:s15] =	ssyncadd.s32 $0xFFFFFF80  }
0x24: {  	[tilespmem:s18], [sflag:$0x1] =	stream.linear.gather [hbm4b:s24+s26], $0x80, $0x38;
	[tilespmem:$0x1E900] =	vst v63  }
0x25: {  	_ =	swait.ge [sflag:s15], $0x80  }
0x26: {  	[sflag:s15] =	ssyncset.done $0x0  }
0x27: {  	[sflag:s15] =	ssyncadd.s32 $0xFFFFFF80  }
0x28: {  	[tilespmem:s20], [sflag:$0x1] =	stream.indirect.gather [hbm4b:s1+s19], $0x80, s17, s19, $0xb8;
	[tilespmem:$0x1E900] =	vst v63  }
0x29: {  	_ =	swait.ge [sflag:s15], $0x4000  }
0x2a: {  	[sflag:s15] =	ssyncset.done $0x0  }
0x2b: {  	[sflag:s15] =	ssyncadd.s32 $0xFFFFC000  }
0x2c: {  	[tilespmem:s21], [sflag:$0x1] =	stream.indirect.gather [hbm4b:s5+s19], $0x80, s18, s19, $0xb8;
	[tilespmem:$0x1E900] =	vst v63  }
0x2d: {  	_ =	swait.ge [sflag:s15], $0x4000  }
0x2e: {  	[sflag:s15] =	ssyncset.done $0x0  }
0x2f: {  	s24 =	simm.s32 $0x0;
	[sflag:s15] =	ssyncadd.s32 $0xFFFFC000  }
0x30: {  	v7 =	vld [tilespmem:s24+$0x1A900]  }
0x31: {  	v11 =	vld [tilespmem:s24+$0x1A910]  }
0x32: {  	v5 =	vld [tilespmem:s24+$0x1A920]  }
0x33: {  	v4 =	vld [tilespmem:s24+$0x1A930]  }
0x34: {  	v3 =	vld [tilespmem:s24+$0x1A940]  }
0x35: {  	v2 =	vld [tilespmem:s24+$0x1A950]  }
0x36: {  	v1 =	vld [tilespmem:s24+$0x1A960]  }
0x37: {  	v0 =	vld [tilespmem:s24+$0x1A970]  }
0x38: {  	v12 =	vld [tilespmem:s24+$0x16900]  }
0x39: {  	v13 =	vld [tilespmem:s24+$0x16910]  }
0x3a: {  	v10 =	vld [tilespmem:s24+$0x16920]  }
0x3b: {  	v9 =	vld [tilespmem:s24+$0x16930]  }
0x3c: {  	v8 =	vld [tilespmem:s24+$0x16940]  }
0x3d: {  	v6 =	vld [tilespmem:s24+$0x16950];
	v12 =	vadd.f32 v7, v12  }
0x3e: {  	s25 =	simm.s32 $0x200;
	v11 =	vadd.f32 v11, v13;
	v7 =	vld [tilespmem:s24+$0x16960]  }
.LBB2_3:
0x3f: {  	s26 =	sshra.s32 s25, $0x2;
	p0 =	sne.s32 s25, $0xFE00;
	[tilespmem:s24+$0x16900] =	vst v12;
	v5 =	vadd.f32 v5, v10;
	v10 =	vld [tilespmem:s24+$0x16970]  }
0x40: {  	v12 =	vld [tilespmem:s26+$0x1A900];
	[tilespmem:s24+$0x16910] =	vst v11;
	v4 =	vadd.f32 v4, v9  }
0x41: {  	v11 =	vld [tilespmem:s26+$0x1A910];
	[tilespmem:s24+$0x16920] =	vst v5;
	v3 =	vadd.f32 v3, v8  }
0x42: {  	v5 =	vld [tilespmem:s26+$0x1A920];
	[tilespmem:s24+$0x16930] =	vst v4;
	v2 =	vadd.f32 v2, v6  }
0x43: {  	v4 =	vld [tilespmem:s26+$0x1A930];
	[tilespmem:s24+$0x16940] =	vst v3;
	v1 =	vadd.f32 v1, v7  }
0x44: {  	v3 =	vld [tilespmem:s26+$0x1A940];
	[tilespmem:s24+$0x16950] =	vst v2;
	v0 =	vadd.f32 v0, v10  }
0x45: {  	v2 =	vld [tilespmem:s26+$0x1A950];
	[tilespmem:s24+$0x16960] =	vst v1  }
0x46: {  	v1 =	vld [tilespmem:s26+$0x1A960];
	[tilespmem:s24+$0x16970] =	vst v0;
	s24 =	smov.u32 s26  }
0x47: {  	v0 =	vld [tilespmem:s24+$0x1A970]  }
0x48: {  	v6 =	vld [tilespmem:s24+$0x16900]  }
0x49: {  	v7 =	vld [tilespmem:s24+$0x16910]  }
.Ltmp0:
0x4a: {  	v10 =	vld [tilespmem:s24+$0x16920];
	(pc) =	sbr.rel @p0 .LBB2_3-.Ltmp0, $4  }
0x4b: {  	v9 =	vld [tilespmem:s24+$0x16930]  }
0x4c: {  	v8 =	vld [tilespmem:s24+$0x16940]  }
0x4d: {  	v12 =	vadd.f32 v12, v6;
	v6 =	vld [tilespmem:s24+$0x16950]  }
0x4e: {  	s25 =	sadd.s32 $0x200, s25;
	v11 =	vadd.f32 v11, v7;
	v7 =	vld [tilespmem:s24+$0x16960]  }
0x4f: {  	[tilespmem:s24+$0x16900] =	vst v12;
	v5 =	vadd.f32 v5, v10;
	v63 =	vld [tilespmem:s24+$0x16970]  }
0x50: {  	[tilespmem:s24+$0x16910] =	vst v11;
	v4 =	vadd.f32 v4, v9  }
0x51: {  	[tilespmem:s24+$0x16920] =	vst v5;
	v3 =	vadd.f32 v3, v8  }
0x52: {  	[tilespmem:s24+$0x16930] =	vst v4;
	v2 =	vadd.f32 v2, v6  }
0x53: {  	[tilespmem:s24+$0x16940] =	vst v3;
	v1 =	vadd.f32 v1, v7  }
0x54: {  	s25 =	sshll.u32 s23, $0x7;
	s23 =	sadd.s32 $0x1, s23;
	[tilespmem:s24+$0x16950] =	vst v2;
	v0 =	vadd.f32 v0, v63  }
0x55: {  	s25 =	sand.u32 $0x3FFFFF80, s25;
	p0 =	sne.s32 s23, $0x51;
	[tilespmem:s24+$0x16960] =	vst v1  }
.Ltmp1:
0x56: {  	s31 =	sadd.s32 $0x13D00, s25;
	[tilespmem:s24+$0x16970] =	vst v0;
	(pc) =	sbr.rel @p0 .LBB2_2-.Ltmp1, $4  }
0x57: {  	[spmem:s3] =	stream.indirect.scatter.add.f32 [tilespmem:s20], [sflag:$0x1], $0x80, s31, s19, $0xb8;
	[tilespmem:$0x1E900] =	vst v63  }
0x58: {  	_ =	swait.ge [sflag:s15], $0x4000  }
0x59: {  	[sflag:s15] =	ssyncset.done $0x0  }
0x5a: {  	[sflag:s15] =	ssyncadd.s32 $0xFFFFC000  }
0x5b: {  	s22 =	sadd.s32 $0x1, s22  }
0x5c: {  	p0 =	sne.s32 s22, s13  }
.Ltmp2:
0x5d: {  	[bflag:$0x0] =	sbarrier.arrive $0xFFFF;
	(pc) =	sbr.rel @p0 .LBB2_1-.Ltmp2, $4  }
0x5e: {  	[hbm:s12], [sflag:s9] =	dma.local [spmem:s14], $0x2780  }
0x5f: {  	_ =	swait.ge [sflag:s15], $0x2780  }
0x60: {  	[sflag:s15] =	ssyncset.done $0x0  }
0x61: {  	[sflag:s15] =	ssyncadd.s32 $0xFFFFD880  }
0x62: {  	_ =	sfence.sel $0x180000  }
0x63: {  	[bflag:$0x0] =	sbarrier.arrive $0xFFFF  }
0x64: {  	p0 =	sne.s32 s0, $0x0;
	_ =	strace $0x90000056  }
0x65: {  	s0 =	sadd.s32 @!p0 $0x100000, s2;
	[bflag:$0x2] =	sbarrier.arrive $0xFFFF  }
0x66: {  	[sflag:s0] =	ssyncadd.tile.s32 @!p0 $0x1;
	_ =	shalt  }
.Lfunc_end2:
_tile_overlayer_lowered:
.L_overlay_start_2:
0x67: {  	(tag) =	ssettag $0x2  }
0x68: {  	s0 =	rddreg [dreg:$0x0];
	s2 =	stileid.u32  }
0x69: {  	s1 =	rddreg [dreg:$0x1];
	p0 =	sne.s32 s2, $0x0  }
0x6a: {  	s3 =	rddreg [dreg:$0x2];
	[bflag:$0x3] =	sbarrier.arrive $0xFFFF;
	s2 =	simm.s32 @!p0 $0x1C01  }
0x6b: {  	[timem:s3], [sflag:s2] =	dma.local @!p0 [hbm:s0], s1  }
0x6c: {  	s0 =	simm.s32 @!p0 $0x1  }
0x6d: {  	_ =	swait.ge @!p0 [sflag:s0], s1  }
0x6e: {  	s1 =	ssub.s32 @!p0 $0x0, s1;
	[sflag:s0] =	ssyncset.done @!p0 $0x0  }
0x6f: {  	[sflag:s0] =	ssyncadd.s32 @!p0 s1  }
0x70: {  	[bflag:$0x3] =	sbarrier.arrive $0xFFFF  }
0x71: {  	_ =	shalt  }

// kernel: kernel.27.cloned.1.call-start
scs
__scs_entry_jumppad:
0x0: {  	(pc) =	sbr.rel $0x88, $3  }
0x1: {  	(tag) =	ssettag $0x0;
	lr =	simm.s32 $0x1  }
0x2: {  	[smem:$0x3F94] =	sst lr;
	_ =	strace $0xD0000000  }
0x3: {  	_ = 	snop  }
0x4: {  	_ = 	snop  }
0x5: {  	_ = 	snop  }
0x6: {  	_ = 	snop  }
0x7: {  	_ = 	snop  }
__scs_overlays_trampoline_lowered:
0x8: {  	[smem:$0x3FA3] =	sst s0  }
0x9: {  	[smem:$0x3FA4] =	sst s1  }
0xa: {  	[smem:$0x3FA5] =	sst s2  }
0xb: {  	[smem:$0x3FA6] =	sst s3  }
0xc: {  	[smem:$0x3FA7] =	sst s4  }
0xd: {  	[smem:$0x3FA8] =	sst s5  }
0xe: {  	[smem:$0x3FA9] =	sst s6  }
0xf: {  	[smem:$0x3FAA] =	sst s7  }
0x10: {  	[smem:$0x3FAB] =	sst s8  }
0x11: {  	[smem:$0x3FAC] =	sst s9;
	s0 =	simm.s32 @!p0 $0x0  }
0x12: {  	s1 =	sld [smem:$0x3F92];
	s0 =	simm.s32 @p0 $0x1  }
0x13: {  	[smem:$0x3FAD] =	sst s0;
	s0 =	simm.s32 @!p1 $0x0  }
0x14: {  	s2 =	sld [smem:$0x3F91];
	s0 =	simm.s32 @p1 $0x1  }
0x15: {  	[smem:$0x3FAE] =	sst s0;
	s0 =	simm.s32 @!p2 $0x0  }
0x16: {  	s3 =	sld [smem:$0x3FDB];
	s0 =	simm.s32 @p2 $0x1  }
0x17: {  	s4 =	simm.s32 $0x1BF5;
	[smem:$0x3FB0] =	sst s0  }
0x18: {  	s0 =	sld [smem:$0x3F93];
	_ =	swait.ge [sflag:s4], $0x0  }
0x19: {  	s7 =	sld [smem:$0x3F94]  }
0x1a: {  	s8 =	sadd.s32 $0xFFFFE003, lr  }
0x1b: {  	s9 =	sadd.s32 $0xFFFFFEF7, lr;
	s5 =	simm.s32 $0xFFFFFFFF;
	p2 =	slt.u32 s8, $0xFFFFF086  }
0x1c: {  	p1 =	slt.u32 s9, $0xF7A;
	s5 =	simm.s32 @!p2 $0x0  }
0x1d: {  	s5 =	simm.s32 @p1 $0x1;
	p0 =	seq.s32 s7, s2  }
0x1e: {  	s7 =	smul.u32 @!p0 $0xF7A, s2;
	p2 =	seq.s32 @!p0 s5, $0x0  }
0x1f: {  	s9 =	smul.u32 $0xF7A, s1;
	s8 =	simm.s32 @!p0 $0x1BF5;
	p2 =	por !p2, p0  }
0x20: {  	[sflag:s8] =	ssyncset.s32 @!p0 $0xFFFFF086;
	s6 =	sadd.s32 @!p0 s3, s7;
	s7 =	simm.s32 @!p0 $0x108  }
0x21: {  	s3 =	sadd.s32 s3, s9;
	s6 =	sadd.s32 @!p0 $0x88, s6;
	s7 =	simm.s32 @p2 $0x1082  }
0x22: {  	[simem:s7], [sflag:s8] =	dma.local @!p0 [hbm:s6], $0xF7A  }
0x23: {  	s9 =	sor.u32 $0xD0000000, s2;
	s6 =	simm.s32 $0x108;
	_ =	swait.ge @!p0 [sflag:s8], $0x0  }
0x24: {  	s3 =	sadd.s32 $0x88, s3;
	s6 =	simm.s32 @!p1 $0x1082;
	[sflag:s4] =	ssyncset.s32 $0xFFFFF086  }
0x25: {  	[simem:s6], [sflag:s4] =	dma.local [hbm:s3], $0xF7A  }
0x26: {  	[smem:$0x3F94] =	sst s1;
	(tag) =	ssettag s2;
	_ =	strace s9  }
0x27: {  	s1 =	sld [smem:$0x3FA4]  }
0x28: {  	s2 =	sld [smem:$0x3FA5]  }
0x29: {  	s4 =	sld [smem:$0x3FA7]  }
0x2a: {  	p0 =	seq.s32 s5, $0x0;
	s5 =	sld [smem:$0x3FA8]  }
0x2b: {  	s6 =	sld [smem:$0x3FA9]  }
0x2c: {  	s7 =	sld [smem:$0x3FAA]  }
0x2d: {  	s3 =	simm.s32 $0x108;
	s8 =	sld [smem:$0x3FAB]  }
0x2e: {  	s3 =	simm.s32 @!p0 $0x1082;
	s9 =	sld [smem:$0x3FAC]  }
0x2f: {  	lr =	sadd.s32 s0, s3;
	s0 =	sld [smem:$0x3FA3]  }
0x30: {  	s3 =	sld [smem:$0x3FA6]  }
0x31: {  	[smem:$0x3FAF] =	sst s10  }
0x32: {  	s10 =	sld [smem:$0x3FAD];
	_ =	sdelay $0x3  }
0x33: {  	p0 =	seq.s32 s10, $0x1;
	s10 =	sld [smem:$0x3FAF];
	_ =	sdelay $0x3  }
0x34: {  	[smem:$0x3FAF] =	sst s10  }
0x35: {  	s10 =	sld [smem:$0x3FAE];
	_ =	sdelay $0x3  }
0x36: {  	p1 =	seq.s32 s10, $0x1;
	s10 =	sld [smem:$0x3FAF];
	_ =	sdelay $0x3  }
0x37: {  	[smem:$0x3FAF] =	sst s10  }
0x38: {  	s10 =	sld [smem:$0x3FB0]  }
0x39: {  	_ = 	snop;
	(pc) =	sbr.ind lr, $3  }
0x3a: {  	_ = 	snop  }
0x3b: {  	_ = 	snop  }
0x3c: {  	p2 =	seq.s32 s10, $0x1;
	s10 =	sld [smem:$0x3FAF]  }
0x3d: {  	_ =	shalt  }
0x3e: {  	_ =	shalt  }
0x3f: {  	_ =	shalt  }
0x40: {  	_ =	shalt  }
0x41: {  	_ =	shalt  }
0x42: {  	_ =	shalt  }
0x43: {  	_ =	shalt  }
0x44: {  	_ =	shalt  }
0x45: {  	_ =	shalt  }
0x46: {  	_ =	shalt  }
0x47: {  	_ =	shalt  }
0x48: {  	_ =	shalt  }
0x49: {  	_ =	shalt  }
0x4a: {  	_ =	shalt  }
0x4b: {  	_ =	shalt  }
0x4c: {  	_ =	shalt  }
0x4d: {  	_ =	shalt  }
0x4e: {  	_ =	shalt  }
0x4f: {  	_ =	shalt  }
0x50: {  	_ =	shalt  }
0x51: {  	_ =	shalt  }
0x52: {  	_ =	shalt  }
0x53: {  	_ =	shalt  }
0x54: {  	_ =	shalt  }
0x55: {  	_ =	shalt  }
0x56: {  	_ =	shalt  }
0x57: {  	_ =	shalt  }
0x58: {  	_ =	shalt  }
0x59: {  	_ =	shalt  }
0x5a: {  	_ =	shalt  }
0x5b: {  	_ =	shalt  }
0x5c: {  	_ =	shalt  }
0x5d: {  	_ =	shalt  }
0x5e: {  	_ =	shalt  }
0x5f: {  	_ =	shalt  }
0x60: {  	_ =	shalt  }
0x61: {  	_ =	shalt  }
0x62: {  	_ =	shalt  }
0x63: {  	_ =	shalt  }
0x64: {  	_ =	shalt  }
0x65: {  	_ =	shalt  }
0x66: {  	_ =	shalt  }
0x67: {  	_ =	shalt  }
0x68: {  	_ =	shalt  }
0x69: {  	_ =	shalt  }
0x6a: {  	_ =	shalt  }
0x6b: {  	_ =	shalt  }
0x6c: {  	_ =	shalt  }
0x6d: {  	_ =	shalt  }
0x6e: {  	_ =	shalt  }
0x6f: {  	_ =	shalt  }
0x70: {  	_ =	shalt  }
0x71: {  	_ =	shalt  }
0x72: {  	_ =	shalt  }
0x73: {  	_ =	shalt  }
0x74: {  	_ =	shalt  }
0x75: {  	_ =	shalt  }
0x76: {  	_ =	shalt  }
0x77: {  	_ =	shalt  }
0x78: {  	_ =	shalt  }
0x79: {  	_ =	shalt  }
0x7a: {  	_ =	shalt  }
0x7b: {  	_ =	shalt  }
0x7c: {  	_ =	shalt  }
0x7d: {  	_ =	shalt  }
0x7e: {  	_ =	shalt  }
0x7f: {  	_ =	shalt  }
0x80: {  	_ =	shalt  }
0x81: {  	_ =	shalt  }
0x82: {  	_ =	shalt  }
0x83: {  	_ =	shalt  }
0x84: {  	_ =	shalt  }
0x85: {  	_ =	shalt  }
0x86: {  	_ =	shalt  }
0x87: {  	_ =	shalt  }
.Lfunc_end0:
.L_simem_size_0:
called_computation.6_lowered:
.L_overlay_start_0:
0x88: {  	s2 =	sld [smem:$0x3FD9]  }
0x89: {  	s3 =	sld [smem:$0x3FFE];
	_ =	sdelay $0x1  }
0x8a: {  	s1 =	srdreg.scid  }
0x8b: {  	s0 =	sand.u32 $0x1, s1  }
0x8c: {  	s17 =	sshll.u32 s0, $0xA;
	s2 =	sadd.s32 s3, s2  }
0x8d: {  	s2 =	sadd.s32 s2, s17  }
0x8e: {  	[smem:$0x3FBB] =	sst s2  }
0x8f: {  	_ = 	snop  }
0x90: {  	s2 =	sld [smem:$0x3FD0];
	(tm) =	ssettm $0x1  }
0x91: {  	s18 =	sld [smem:$0x3FFB];
	_ =	sdelay $0x3  }
0x92: {  	_ =	strace s18  }
0x93: {  	s3 =	sld [smem:$0x3FFC];
	_ =	sdelay $0x3  }
0x94: {  	_ =	strace s3  }
0x95: {  	s3 =	sld [smem:$0x3FFD];
	_ =	sdelay $0x3  }
0x96: {  	_ =	strace s3  }
0x97: {  	_ =	strace $0x8FFFFFFF  }
0x98: {  	s19 =	sld [smem:$0x3FDB];
	_ =	sdelay $0x1  }
0x99: {  	s4 =	simm.s32 $_scs_section_size  }
0x9a: {  	s5 =	simm.s32 $_size__tile_overlayer_lowered;
	s6 =	simm.s32 $_tile_overlayer_lowered  }
0x9b: {  	s22 =	simm.s32 $0x1BFF;
	s21 =	sshll.u32 s6, $0x1;
	s3 =	sadd.s32 s4, s19  }
0x9c: {  	s7 =	simm.s32 $0x0;
	s20 =	sshll.u32 s5, $0x1;
	s5 =	sadd.s32 s21, s3  }
0x9d: {  	[timem:s7], [sflag:s22] =	dma.local [hbm:s5], s20  }
0x9e: {  	_ =	swait.ge [sflag:s22], s20  }
0x9f: {  	s4 =	ssub.s32 $0x0, s20;
	[sflag:s22] =	ssyncset.done $0x0  }
0xa0: {  	[sflag:s22] =	ssyncadd.s32 s4;
	_ =	sdelay $0x1  }
0xa1: {  	s23 =	simm.s32 $0x1B8B  }
0xa2: {  	_ =	swait.ge [sflag:s23], $0x1  }
0xa3: {  	[sflag:s23] =	ssyncset.done $0x0  }
0xa4: {  	s25 =	simm.s32 $0x1B8E;
	s24 =	sld [smem:$0x3FFE];
	[sflag:s23] =	ssyncadd.s32 $0xFFFFFFFF  }
0xa5: {  	s26 =	simm.s32 $execute0_lowered;
	[smem:$0x3FD2] =	sst s25  }
0xa6: {  	s5 =	sshll.u32 s26, $0x1;
	_ =	strace $0x80000058;
	[dreg:$0x1] =	wrdreg $0xFFFFFFFF  }
0xa7: {  	s28 =	simm.s32 $_size_execute0_lowered;
	s3 =	sadd.s32 s3, s5;
	[dreg:$0x0] =	wrdreg $0x0  }
0xa8: {  	s5 =	sshll.u32 s28, $0x1;
	[dreg:$0x2] =	wrdreg s3  }
0xa9: {  	[dreg:$0x3] =	wrdreg s5  }
0xaa: {  	[dreg:$0x4] =	wrdreg $0xC0  }
0xab: {  	_ =	task [dreg:s7], $0x5FFFF  }
0xac: {  	[dreg:$0x1] =	wrdreg $0xFFFFFFFF  }
0xad: {  	[dreg:$0x0] =	wrdreg $0x60  }
0xae: {  	[dreg:$0x2] =	wrdreg s2  }
0xaf: {  	[dreg:$0x3] =	wrdreg s24  }
0xb0: {  	[dreg:$0x4] =	wrdreg $0x0  }
0xb1: {  	[dreg:$0x5] =	wrdreg $0x9  }
0xb2: {  	_ =	task.clear_ibuf [dreg:s7], $0x6FFFF;
	_ =	strace $0x90000058  }
0xb3: {  	s29 =	simm.s32 $0x9;
	_ =	strace $0x8000005A  }
0xb4: {  	_ =	swait.ge [sflag:s29], $0x1  }
0xb5: {  	[sflag:s29] =	ssyncadd.s32 $0xFFFFFFFF  }
0xb6: {  	_ =	strace $0x9000005A  }
0xb7: {  	_ =	sfence  }
0xb8: {  	s30 =	sld [smem:$0x0];
	_ =	sdelay $0x2  }
0xb9: {  	s31 =	sshll.u32 s1, $0xD;
	s1 =	sshrl.u32 s1, $0x2  }
0xba: {  	s3 =	sand.u32 $0x4000, s31;
	s1 =	sadd.s32 s1, s30  }
0xbb: {  	s0 =	sor.u32 s3, s0;
	s1 =	sshll.u32 s1, $0x11  }
0xbc: {  	s0 =	sor.u32 s1, s0  }
0xbd: {  	s0 =	sadd.s32 $0x8F2B, s0  }
0xbe: {  	[sflag:s0] =	ssyncadd.remote.s32 $0x1  }
0xbf: {  	_ =	sfence.sel $0xFFFF  }
0xc0: {  	[dreg:$0x0] =	wrdreg $0xFFFFFFFF;
	(pc) =	sbr.abs _section_cstart, $3  }
0xc1: {  	[dreg:$0x1] =	wrdreg $0xFFFFFFFF  }
0xc2: {  	_ =	task.clear_ibuf [dreg:s7], $0x2FFFF;
	_ =	strace $0x9FFFFFFF  }
0xc3: {  	(tm) =	ssettm $0x7FFFFFFF  }
tec
execute0_lowered:
.L_overlay_start_1:
0x0: {  	(tag) =	ssettag $0x1  }
0x1: {  	s1 =	rddreg [dreg:$0x0]  }
0x2: {  	s8 =	rddreg [dreg:$0x1];
	s2 =	srdreg.scid  }
0x3: {  	s0 =	stileid.u32;
	s3 =	rddreg [dreg:$0x2]  }
0x4: {  	s4 =	simm.s32 $0x0;
	s18 =	simm.s32 $0x13C80;
	s19 =	simm.s32 $0x80  }
0x5: {  	s20 =	simm.s32 $0x16900;
	s21 =	simm.s32 $0x1A900;
	s22 =	simm.s32 $0x0  }
0x6: {  	s9 =	sand.u32 $0x1, s2;
	s5 =	sshll.u32 s0, $0x1;
	s2 =	rddreg [dreg:$0x3]  }
0x7: {  	[smem:$0x7FF] =	sst s4;
	s12 =	smul.u32 $0x13C00, s0;
	s6 =	sadd.s32 $0x1A00, s8  }
0x8: {  	s7 =	sadd.s32 $0x20E00, s8;
	s25 =	smul.u32 $0x4F000, s0;
	s28 =	sshrl.u32 s0, $0x2  }
0x9: {  	s29 =	sshll.u32 s0, $0x6;
	s10 =	sor.u32 s9, s5;
	s13 =	smul.u32 $0x13C000, s9  }
0xa: {  	_ =	strace $0x80000059;
	s5 =	sadd.s32 $0x20A00, s8;
	s30 =	smul.u32 $0x14400, s28  }
0xb: {  	s9 =	ssub.s32 $0x2, s9;
	s11 =	smul.u32 $0x580, s10;
	s14 =	sshrl.u32 s12, $0x3  }
0xc: {  	s15 =	sshrl.u32 s9, $0x1;
	s26 =	sshrl.u32 s25, $0x2;
	s17 =	sshll.u32 s10, $0x7  }
0xd: {  	s12 =	sadd.s32 s12, s13;
	s14 =	sadd.s32 s14, s8;
	s15 =	ssub.s32 s9, s15  }
0xe: {  	s16 =	sadd.s32 s26, s3;
	s9 =	sor.u32 $0x1C01, s29;
	s31 =	sand.u32 $0x380, s17  }
0xf: {  	s17 =	simm.s32 $0x13C00;
	s11 =	sadd.s32 s11, s8;
	s12 =	sshrl.u32 s12, $0x3  }
0x10: {  	s13 =	smax.u32 s15, $0x1;
	s15 =	simm.s32 $0x1;
	s12 =	sadd.s32 s12, s8  }
0x11: {  	s8 =	sadd.s32 $0x67400, s14;
	s10 =	sadd.s32 $0x5C400, s11;
	s11 =	sor.u32 s31, s30  }
0x12: {  	s14 =	sshrl.u32 s16, $0x3;
	s16 =	simm.s32 $0x13D00;
	s12 =	sadd.s32 $0x8EC00, s12  }
.LBB2_1:
0x13: {  	[spmem:s14], [sflag:s9] =	dma.local [hbm:s8], $0x2780  }
0x14: {  	_ =	swait.ge [sflag:s15], $0x2780  }
0x15: {  	[sflag:s15] =	ssyncset.done $0x0  }
0x16: {  	[sflag:s15] =	ssyncadd.s32 $0xFFFFD880  }
0x17: {  	[tilespmem:s16], [sflag:$0x1] =	stream.linear.gather [hbm4b:s10+s4], $0x2880, $0x38;
	[tilespmem:$0x1E900] =	vst v63  }
0x18: {  	_ =	swait.ge [sflag:s15], $0x2880  }
0x19: {  	[sflag:s15] =	ssyncset.done $0x0  }
0x1a: {  	[sflag:s15] =	ssyncadd.s32 $0xFFFFD780  }
0x1b: {  	s23 =	simm.s32 $0x0;
	[bflag:$0x0] =	sbarrier.arrive $0xFFFF  }
.LBB2_2:
0x1c: {  	s24 =	sshll.u32 s23, $0xA  }
0x1d: {  	s24 =	sadd.s32 s11, s24  }
0x1e: {  	s24 =	sshrl.u32 s24, $0x3  }
0x1f: {  	s26 =	simm.s32 $0x0;
	s25 =	sadd.s32 s6, s24  }
0x20: {  	[tilespmem:s17], [sflag:$0x1] =	stream.linear.gather [hbm4b:s25+s26], $0x80, $0x38;
	[tilespmem:$0x1E900] =	vst v63  }
0x21: {  	_ =	swait.ge [sflag:s15], $0x80  }
0x22: {  	[sflag:s15] =	ssyncset.done $0x0  }
0x23: {  	s24 =	sadd.s32 s7, s24;
	[sflag:s15] =	ssyncadd.s32 $0xFFFFFF80  }
0x24: {  	[tilespmem:s18], [sflag:$0x1] =	stream.linear.gather [hbm4b:s24+s26], $0x80, $0x38;
	[tilespmem:$0x1E900] =	vst v63  }
0x25: {  	_ =	swait.ge [sflag:s15], $0x80  }
0x26: {  	[sflag:s15] =	ssyncset.done $0x0  }
0x27: {  	[sflag:s15] =	ssyncadd.s32 $0xFFFFFF80  }
0x28: {  	[tilespmem:s20], [sflag:$0x1] =	stream.indirect.gather [hbm4b:s1+s19], $0x80, s17, s19, $0xb8;
	[tilespmem:$0x1E900] =	vst v63  }
0x29: {  	_ =	swait.ge [sflag:s15], $0x4000  }
0x2a: {  	[sflag:s15] =	ssyncset.done $0x0  }
0x2b: {  	[sflag:s15] =	ssyncadd.s32 $0xFFFFC000  }
0x2c: {  	[tilespmem:s21], [sflag:$0x1] =	stream.indirect.gather [hbm4b:s5+s19], $0x80, s18, s19, $0xb8;
	[tilespmem:$0x1E900] =	vst v63  }
0x2d: {  	_ =	swait.ge [sflag:s15], $0x4000  }
0x2e: {  	[sflag:s15] =	ssyncset.done $0x0  }
0x2f: {  	s24 =	simm.s32 $0x0;
	[sflag:s15] =	ssyncadd.s32 $0xFFFFC000  }
0x30: {  	v7 =	vld [tilespmem:s24+$0x1A900]  }
0x31: {  	v11 =	vld [tilespmem:s24+$0x1A910]  }
0x32: {  	v5 =	vld [tilespmem:s24+$0x1A920]  }
0x33: {  	v4 =	vld [tilespmem:s24+$0x1A930]  }
0x34: {  	v3 =	vld [tilespmem:s24+$0x1A940]  }
0x35: {  	v2 =	vld [tilespmem:s24+$0x1A950]  }
0x36: {  	v1 =	vld [tilespmem:s24+$0x1A960]  }
0x37: {  	v0 =	vld [tilespmem:s24+$0x1A970]  }
0x38: {  	v12 =	vld [tilespmem:s24+$0x16900]  }
0x39: {  	v13 =	vld [tilespmem:s24+$0x16910]  }
0x3a: {  	v10 =	vld [tilespmem:s24+$0x16920]  }
0x3b: {  	v9 =	vld [tilespmem:s24+$0x16930]  }
0x3c: {  	v8 =	vld [tilespmem:s24+$0x16940]  }
0x3d: {  	v6 =	vld [tilespmem:s24+$0x16950];
	v12 =	vadd.f32 v7, v12  }
0x3e: {  	s25 =	simm.s32 $0x200;
	v11 =	vadd.f32 v11, v13;
	v7 =	vld [tilespmem:s24+$0x16960]  }
.LBB2_3:
0x3f: {  	s26 =	sshra.s32 s25, $0x2;
	p0 =	sne.s32 s25, $0xFE00;
	[tilespmem:s24+$0x16900] =	vst v12;
	v5 =	vadd.f32 v5, v10;
	v10 =	vld [tilespmem:s24+$0x16970]  }
0x40: {  	v12 =	vld [tilespmem:s26+$0x1A900];
	[tilespmem:s24+$0x16910] =	vst v11;
	v4 =	vadd.f32 v4, v9  }
0x41: {  	v11 =	vld [tilespmem:s26+$0x1A910];
	[tilespmem:s24+$0x16920] =	vst v5;
	v3 =	vadd.f32 v3, v8  }
0x42: {  	v5 =	vld [tilespmem:s26+$0x1A920];
	[tilespmem:s24+$0x16930] =	vst v4;
	v2 =	vadd.f32 v2, v6  }
0x43: {  	v4 =	vld [tilespmem:s26+$0x1A930];
	[tilespmem:s24+$0x16940] =	vst v3;
	v1 =	vadd.f32 v1, v7  }
0x44: {  	v3 =	vld [tilespmem:s26+$0x1A940];
	[tilespmem:s24+$0x16950] =	vst v2;
	v0 =	vadd.f32 v0, v10  }
0x45: {  	v2 =	vld [tilespmem:s26+$0x1A950];
	[tilespmem:s24+$0x16960] =	vst v1  }
0x46: {  	v1 =	vld [tilespmem:s26+$0x1A960];
	[tilespmem:s24+$0x16970] =	vst v0;
	s24 =	smov.u32 s26  }
0x47: {  	v0 =	vld [tilespmem:s24+$0x1A970]  }
0x48: {  	v6 =	vld [tilespmem:s24+$0x16900]  }
0x49: {  	v7 =	vld [tilespmem:s24+$0x16910]  }
.Ltmp0:
0x4a: {  	v10 =	vld [tilespmem:s24+$0x16920];
	(pc) =	sbr.rel @p0 .LBB2_3-.Ltmp0, $4  }
0x4b: {  	v9 =	vld [tilespmem:s24+$0x16930]  }
0x4c: {  	v8 =	vld [tilespmem:s24+$0x16940]  }
0x4d: {  	v12 =	vadd.f32 v12, v6;
	v6 =	vld [tilespmem:s24+$0x16950]  }
0x4e: {  	s25 =	sadd.s32 $0x200, s25;
	v11 =	vadd.f32 v11, v7;
	v7 =	vld [tilespmem:s24+$0x16960]  }
0x4f: {  	[tilespmem:s24+$0x16900] =	vst v12;
	v5 =	vadd.f32 v5, v10;
	v63 =	vld [tilespmem:s24+$0x16970]  }
0x50: {  	[tilespmem:s24+$0x16910] =	vst v11;
	v4 =	vadd.f32 v4, v9  }
0x51: {  	[tilespmem:s24+$0x16920] =	vst v5;
	v3 =	vadd.f32 v3, v8  }
0x52: {  	[tilespmem:s24+$0x16930] =	vst v4;
	v2 =	vadd.f32 v2, v6  }
0x53: {  	[tilespmem:s24+$0x16940] =	vst v3;
	v1 =	vadd.f32 v1, v7  }
0x54: {  	s25 =	sshll.u32 s23, $0x7;
	s23 =	sadd.s32 $0x1, s23;
	[tilespmem:s24+$0x16950] =	vst v2;
	v0 =	vadd.f32 v0, v63  }
0x55: {  	s25 =	sand.u32 $0x3FFFFF80, s25;
	p0 =	sne.s32 s23, $0x51;
	[tilespmem:s24+$0x16960] =	vst v1  }
.Ltmp1:
0x56: {  	s31 =	sadd.s32 $0x13D00, s25;
	[tilespmem:s24+$0x16970] =	vst v0;
	(pc) =	sbr.rel @p0 .LBB2_2-.Ltmp1, $4  }
0x57: {  	[spmem:s3] =	stream.indirect.scatter.add.f32 [tilespmem:s20], [sflag:$0x1], $0x80, s31, s19, $0xb8;
	[tilespmem:$0x1E900] =	vst v63  }
0x58: {  	_ =	swait.ge [sflag:s15], $0x4000  }
0x59: {  	[sflag:s15] =	ssyncset.done $0x0  }
0x5a: {  	[sflag:s15] =	ssyncadd.s32 $0xFFFFC000  }
0x5b: {  	s22 =	sadd.s32 $0x1, s22  }
0x5c: {  	p0 =	sne.s32 s22, s13  }
.Ltmp2:
0x5d: {  	[bflag:$0x0] =	sbarrier.arrive $0xFFFF;
	(pc) =	sbr.rel @p0 .LBB2_1-.Ltmp2, $4  }
0x5e: {  	[hbm:s12], [sflag:s9] =	dma.local [spmem:s14], $0x2780  }
0x5f: {  	_ =	swait.ge [sflag:s15], $0x2780  }
0x60: {  	[sflag:s15] =	ssyncset.done $0x0  }
0x61: {  	[sflag:s15] =	ssyncadd.s32 $0xFFFFD880  }
0x62: {  	_ =	sfence.sel $0x180000  }
0x63: {  	[bflag:$0x0] =	sbarrier.arrive $0xFFFF  }
0x64: {  	p0 =	sne.s32 s0, $0x0;
	_ =	strace $0x90000059  }
0x65: {  	s0 =	sadd.s32 @!p0 $0x100000, s2;
	[bflag:$0x2] =	sbarrier.arrive $0xFFFF  }
0x66: {  	[sflag:s0] =	ssyncadd.tile.s32 @!p0 $0x1;
	_ =	shalt  }
.Lfunc_end2:
_tile_overlayer_lowered:
.L_overlay_start_2:
0x67: {  	(tag) =	ssettag $0x2  }
0x68: {  	s0 =	rddreg [dreg:$0x0];
	s2 =	stileid.u32  }
0x69: {  	s1 =	rddreg [dreg:$0x1];
	p0 =	sne.s32 s2, $0x0  }
0x6a: {  	s3 =	rddreg [dreg:$0x2];
	[bflag:$0x3] =	sbarrier.arrive $0xFFFF;
	s2 =	simm.s32 @!p0 $0x1C01  }
0x6b: {  	[timem:s3], [sflag:s2] =	dma.local @!p0 [hbm:s0], s1  }
0x6c: {  	s0 =	simm.s32 @!p0 $0x1  }
0x6d: {  	_ =	swait.ge @!p0 [sflag:s0], s1  }
0x6e: {  	s1 =	ssub.s32 @!p0 $0x0, s1;
	[sflag:s0] =	ssyncset.done @!p0 $0x0  }
0x6f: {  	[sflag:s0] =	ssyncadd.s32 @!p0 s1  }
0x70: {  	[bflag:$0x3] =	sbarrier.arrive $0xFFFF  }
0x71: {  	_ =	shalt  }

// kernel: kernel.30.cloned.1.call-start
scs
__scs_entry_jumppad:
0x0: {  	(pc) =	sbr.rel $0x88, $3  }
0x1: {  	(tag) =	ssettag $0x0;
	lr =	simm.s32 $0x1  }
0x2: {  	[smem:$0x3F94] =	sst lr;
	_ =	strace $0xD0000000  }
0x3: {  	_ = 	snop  }
0x4: {  	_ = 	snop  }
0x5: {  	_ = 	snop  }
0x6: {  	_ = 	snop  }
0x7: {  	_ = 	snop  }
__scs_overlays_trampoline_lowered:
0x8: {  	[smem:$0x3FA3] =	sst s0  }
0x9: {  	[smem:$0x3FA4] =	sst s1  }
0xa: {  	[smem:$0x3FA5] =	sst s2  }
0xb: {  	[smem:$0x3FA6] =	sst s3  }
0xc: {  	[smem:$0x3FA7] =	sst s4  }
0xd: {  	[smem:$0x3FA8] =	sst s5  }
0xe: {  	[smem:$0x3FA9] =	sst s6  }
0xf: {  	[smem:$0x3FAA] =	sst s7  }
0x10: {  	[smem:$0x3FAB] =	sst s8  }
0x11: {  	[smem:$0x3FAC] =	sst s9;
	s0 =	simm.s32 @!p0 $0x0  }
0x12: {  	s1 =	sld [smem:$0x3F92];
	s0 =	simm.s32 @p0 $0x1  }
0x13: {  	[smem:$0x3FAD] =	sst s0;
	s0 =	simm.s32 @!p1 $0x0  }
0x14: {  	s2 =	sld [smem:$0x3F91];
	s0 =	simm.s32 @p1 $0x1  }
0x15: {  	[smem:$0x3FAE] =	sst s0;
	s0 =	simm.s32 @!p2 $0x0  }
0x16: {  	s3 =	sld [smem:$0x3FDB];
	s0 =	simm.s32 @p2 $0x1  }
0x17: {  	s4 =	simm.s32 $0x1BF5;
	[smem:$0x3FB0] =	sst s0  }
0x18: {  	s0 =	sld [smem:$0x3F93];
	_ =	swait.ge [sflag:s4], $0x0  }
0x19: {  	s7 =	sld [smem:$0x3F94]  }
0x1a: {  	s8 =	sadd.s32 $0xFFFFE003, lr  }
0x1b: {  	s9 =	sadd.s32 $0xFFFFFEF7, lr;
	s5 =	simm.s32 $0xFFFFFFFF;
	p2 =	slt.u32 s8, $0xFFFFF086  }
0x1c: {  	p1 =	slt.u32 s9, $0xF7A;
	s5 =	simm.s32 @!p2 $0x0  }
0x1d: {  	s5 =	simm.s32 @p1 $0x1;
	p0 =	seq.s32 s7, s2  }
0x1e: {  	s7 =	smul.u32 @!p0 $0xF7A, s2;
	p2 =	seq.s32 @!p0 s5, $0x0  }
0x1f: {  	s9 =	smul.u32 $0xF7A, s1;
	s8 =	simm.s32 @!p0 $0x1BF5;
	p2 =	por !p2, p0  }
0x20: {  	[sflag:s8] =	ssyncset.s32 @!p0 $0xFFFFF086;
	s6 =	sadd.s32 @!p0 s3, s7;
	s7 =	simm.s32 @!p0 $0x108  }
0x21: {  	s3 =	sadd.s32 s3, s9;
	s6 =	sadd.s32 @!p0 $0x88, s6;
	s7 =	simm.s32 @p2 $0x1082  }
0x22: {  	[simem:s7], [sflag:s8] =	dma.local @!p0 [hbm:s6], $0xF7A  }
0x23: {  	s9 =	sor.u32 $0xD0000000, s2;
	s6 =	simm.s32 $0x108;
	_ =	swait.ge @!p0 [sflag:s8], $0x0  }
0x24: {  	s3 =	sadd.s32 $0x88, s3;
	s6 =	simm.s32 @!p1 $0x1082;
	[sflag:s4] =	ssyncset.s32 $0xFFFFF086  }
0x25: {  	[simem:s6], [sflag:s4] =	dma.local [hbm:s3], $0xF7A  }
0x26: {  	[smem:$0x3F94] =	sst s1;
	(tag) =	ssettag s2;
	_ =	strace s9  }
0x27: {  	s1 =	sld [smem:$0x3FA4]  }
0x28: {  	s2 =	sld [smem:$0x3FA5]  }
0x29: {  	s4 =	sld [smem:$0x3FA7]  }
0x2a: {  	p0 =	seq.s32 s5, $0x0;
	s5 =	sld [smem:$0x3FA8]  }
0x2b: {  	s6 =	sld [smem:$0x3FA9]  }
0x2c: {  	s7 =	sld [smem:$0x3FAA]  }
0x2d: {  	s3 =	simm.s32 $0x108;
	s8 =	sld [smem:$0x3FAB]  }
0x2e: {  	s3 =	simm.s32 @!p0 $0x1082;
	s9 =	sld [smem:$0x3FAC]  }
0x2f: {  	lr =	sadd.s32 s0, s3;
	s0 =	sld [smem:$0x3FA3]  }
0x30: {  	s3 =	sld [smem:$0x3FA6]  }
0x31: {  	[smem:$0x3FAF] =	sst s10  }
0x32: {  	s10 =	sld [smem:$0x3FAD];
	_ =	sdelay $0x3  }
0x33: {  	p0 =	seq.s32 s10, $0x1;
	s10 =	sld [smem:$0x3FAF];
	_ =	sdelay $0x3  }
0x34: {  	[smem:$0x3FAF] =	sst s10  }
0x35: {  	s10 =	sld [smem:$0x3FAE];
	_ =	sdelay $0x3  }
0x36: {  	p1 =	seq.s32 s10, $0x1;
	s10 =	sld [smem:$0x3FAF];
	_ =	sdelay $0x3  }
0x37: {  	[smem:$0x3FAF] =	sst s10  }
0x38: {  	s10 =	sld [smem:$0x3FB0]  }
0x39: {  	_ = 	snop;
	(pc) =	sbr.ind lr, $3  }
0x3a: {  	_ = 	snop  }
0x3b: {  	_ = 	snop  }
0x3c: {  	p2 =	seq.s32 s10, $0x1;
	s10 =	sld [smem:$0x3FAF]  }
0x3d: {  	_ =	shalt  }
0x3e: {  	_ =	shalt  }
0x3f: {  	_ =	shalt  }
0x40: {  	_ =	shalt  }
0x41: {  	_ =	shalt  }
0x42: {  	_ =	shalt  }
0x43: {  	_ =	shalt  }
0x44: {  	_ =	shalt  }
0x45: {  	_ =	shalt  }
0x46: {  	_ =	shalt  }
0x47: {  	_ =	shalt  }
0x48: {  	_ =	shalt  }
0x49: {  	_ =	shalt  }
0x4a: {  	_ =	shalt  }
0x4b: {  	_ =	shalt  }
0x4c: {  	_ =	shalt  }
0x4d: {  	_ =	shalt  }
0x4e: {  	_ =	shalt  }
0x4f: {  	_ =	shalt  }
0x50: {  	_ =	shalt  }
0x51: {  	_ =	shalt  }
0x52: {  	_ =	shalt  }
0x53: {  	_ =	shalt  }
0x54: {  	_ =	shalt  }
0x55: {  	_ =	shalt  }
0x56: {  	_ =	shalt  }
0x57: {  	_ =	shalt  }
0x58: {  	_ =	shalt  }
0x59: {  	_ =	shalt  }
0x5a: {  	_ =	shalt  }
0x5b: {  	_ =	shalt  }
0x5c: {  	_ =	shalt  }
0x5d: {  	_ =	shalt  }
0x5e: {  	_ =	shalt  }
0x5f: {  	_ =	shalt  }
0x60: {  	_ =	shalt  }
0x61: {  	_ =	shalt  }
0x62: {  	_ =	shalt  }
0x63: {  	_ =	shalt  }
0x64: {  	_ =	shalt  }
0x65: {  	_ =	shalt  }
0x66: {  	_ =	shalt  }
0x67: {  	_ =	shalt  }
0x68: {  	_ =	shalt  }
0x69: {  	_ =	shalt  }
0x6a: {  	_ =	shalt  }
0x6b: {  	_ =	shalt  }
0x6c: {  	_ =	shalt  }
0x6d: {  	_ =	shalt  }
0x6e: {  	_ =	shalt  }
0x6f: {  	_ =	shalt  }
0x70: {  	_ =	shalt  }
0x71: {  	_ =	shalt  }
0x72: {  	_ =	shalt  }
0x73: {  	_ =	shalt  }
0x74: {  	_ =	shalt  }
0x75: {  	_ =	shalt  }
0x76: {  	_ =	shalt  }
0x77: {  	_ =	shalt  }
0x78: {  	_ =	shalt  }
0x79: {  	_ =	shalt  }
0x7a: {  	_ =	shalt  }
0x7b: {  	_ =	shalt  }
0x7c: {  	_ =	shalt  }
0x7d: {  	_ =	shalt  }
0x7e: {  	_ =	shalt  }
0x7f: {  	_ =	shalt  }
0x80: {  	_ =	shalt  }
0x81: {  	_ =	shalt  }
0x82: {  	_ =	shalt  }
0x83: {  	_ =	shalt  }
0x84: {  	_ =	shalt  }
0x85: {  	_ =	shalt  }
0x86: {  	_ =	shalt  }
0x87: {  	_ =	shalt  }
.Lfunc_end0:
.L_simem_size_0:
called_computation.7_lowered:
.L_overlay_start_0:
0x88: {  	s2 =	sld [smem:$0x3FD9]  }
0x89: {  	s3 =	sld [smem:$0x3FFE];
	_ =	sdelay $0x1  }
0x8a: {  	s1 =	srdreg.scid  }
0x8b: {  	s0 =	sand.u32 $0x1, s1  }
0x8c: {  	s17 =	sshll.u32 s0, $0xA;
	s2 =	sadd.s32 s3, s2  }
0x8d: {  	s2 =	sadd.s32 s2, s17  }
0x8e: {  	[smem:$0x3FBB] =	sst s2  }
0x8f: {  	_ = 	snop  }
0x90: {  	s2 =	sld [smem:$0x3FD0];
	(tm) =	ssettm $0x1  }
0x91: {  	s18 =	sld [smem:$0x3FFB];
	_ =	sdelay $0x3  }
0x92: {  	_ =	strace s18  }
0x93: {  	s3 =	sld [smem:$0x3FFC];
	_ =	sdelay $0x3  }
0x94: {  	_ =	strace s3  }
0x95: {  	s3 =	sld [smem:$0x3FFD];
	_ =	sdelay $0x3  }
0x96: {  	_ =	strace s3  }
0x97: {  	_ =	strace $0x8FFFFFFF  }
0x98: {  	s19 =	sld [smem:$0x3FDB];
	_ =	sdelay $0x1  }
0x99: {  	s4 =	simm.s32 $_scs_section_size  }
0x9a: {  	s5 =	simm.s32 $_size__tile_overlayer_lowered;
	s6 =	simm.s32 $_tile_overlayer_lowered  }
0x9b: {  	s22 =	simm.s32 $0x1BFF;
	s21 =	sshll.u32 s6, $0x1;
	s3 =	sadd.s32 s4, s19  }
0x9c: {  	s7 =	simm.s32 $0x0;
	s20 =	sshll.u32 s5, $0x1;
	s5 =	sadd.s32 s21, s3  }
0x9d: {  	[timem:s7], [sflag:s22] =	dma.local [hbm:s5], s20  }
0x9e: {  	_ =	swait.ge [sflag:s22], s20  }
0x9f: {  	s4 =	ssub.s32 $0x0, s20;
	[sflag:s22] =	ssyncset.done $0x0  }
0xa0: {  	[sflag:s22] =	ssyncadd.s32 s4;
	_ =	sdelay $0x1  }
0xa1: {  	s23 =	simm.s32 $0x1B8B  }
0xa2: {  	_ =	swait.ge [sflag:s23], $0x1  }
0xa3: {  	[sflag:s23] =	ssyncset.done $0x0  }
0xa4: {  	s25 =	simm.s32 $0x1B8E;
	s24 =	sld [smem:$0x3FFE];
	[sflag:s23] =	ssyncadd.s32 $0xFFFFFFFF  }
0xa5: {  	s26 =	simm.s32 $execute0_lowered;
	[smem:$0x3FD2] =	sst s25  }
0xa6: {  	s5 =	sshll.u32 s26, $0x1;
	_ =	strace $0x8000005B;
	[dreg:$0x1] =	wrdreg $0xFFFFFFFF  }
0xa7: {  	s28 =	simm.s32 $_size_execute0_lowered;
	s3 =	sadd.s32 s3, s5;
	[dreg:$0x0] =	wrdreg $0x0  }
0xa8: {  	s5 =	sshll.u32 s28, $0x1;
	[dreg:$0x2] =	wrdreg s3  }
0xa9: {  	[dreg:$0x3] =	wrdreg s5  }
0xaa: {  	[dreg:$0x4] =	wrdreg $0xC0  }
0xab: {  	_ =	task [dreg:s7], $0x5FFFF  }
0xac: {  	[dreg:$0x1] =	wrdreg $0xFFFFFFFF  }
0xad: {  	[dreg:$0x0] =	wrdreg $0x60  }
0xae: {  	[dreg:$0x2] =	wrdreg s2  }
0xaf: {  	[dreg:$0x3] =	wrdreg s24  }
0xb0: {  	[dreg:$0x4] =	wrdreg $0x0  }
0xb1: {  	[dreg:$0x5] =	wrdreg $0x9  }
0xb2: {  	_ =	task.clear_ibuf [dreg:s7], $0x6FFFF;
	_ =	strace $0x9000005B  }
0xb3: {  	s29 =	simm.s32 $0x9;
	_ =	strace $0x8000005D  }
0xb4: {  	_ =	swait.ge [sflag:s29], $0x1  }
0xb5: {  	[sflag:s29] =	ssyncadd.s32 $0xFFFFFFFF  }
0xb6: {  	_ =	strace $0x9000005D  }
0xb7: {  	_ =	sfence  }
0xb8: {  	s30 =	sld [smem:$0x0];
	_ =	sdelay $0x2  }
0xb9: {  	s31 =	sshll.u32 s1, $0xD;
	s1 =	sshrl.u32 s1, $0x2  }
0xba: {  	s3 =	sand.u32 $0x4000, s31;
	s1 =	sadd.s32 s1, s30  }
0xbb: {  	s0 =	sor.u32 s3, s0;
	s1 =	sshll.u32 s1, $0x11  }
0xbc: {  	s0 =	sor.u32 s1, s0  }
0xbd: {  	s0 =	sadd.s32 $0x8F2B, s0  }
0xbe: {  	[sflag:s0] =	ssyncadd.remote.s32 $0x1  }
0xbf: {  	_ =	sfence.sel $0xFFFF  }
0xc0: {  	[dreg:$0x0] =	wrdreg $0xFFFFFFFF;
	(pc) =	sbr.abs _section_cstart, $3  }
0xc1: {  	[dreg:$0x1] =	wrdreg $0xFFFFFFFF  }
0xc2: {  	_ =	task.clear_ibuf [dreg:s7], $0x2FFFF;
	_ =	strace $0x9FFFFFFF  }
0xc3: {  	(tm) =	ssettm $0x7FFFFFFF  }
tec
execute0_lowered:
.L_overlay_start_1:
0x0: {  	(tag) =	ssettag $0x1  }
0x1: {  	s1 =	rddreg [dreg:$0x0]  }
0x2: {  	s8 =	rddreg [dreg:$0x1];
	s2 =	srdreg.scid  }
0x3: {  	s0 =	stileid.u32;
	s3 =	rddreg [dreg:$0x2]  }
0x4: {  	s4 =	simm.s32 $0x0;
	s18 =	simm.s32 $0x13C80;
	s19 =	simm.s32 $0x80  }
0x5: {  	s20 =	simm.s32 $0x16900;
	s21 =	simm.s32 $0x1A900;
	s22 =	simm.s32 $0x0  }
0x6: {  	s9 =	sand.u32 $0x1, s2;
	s5 =	sshll.u32 s0, $0x1;
	s2 =	rddreg [dreg:$0x3]  }
0x7: {  	[smem:$0x7FF] =	sst s4;
	s12 =	smul.u32 $0x13C00, s0;
	s6 =	sadd.s32 $0x1A00, s8  }
0x8: {  	s7 =	sadd.s32 $0x20E00, s8;
	s25 =	smul.u32 $0x4F000, s0;
	s28 =	sshrl.u32 s0, $0x2  }
0x9: {  	s29 =	sshll.u32 s0, $0x6;
	s10 =	sor.u32 s9, s5;
	s13 =	smul.u32 $0x13C000, s9  }
0xa: {  	_ =	strace $0x8000005C;
	s5 =	sadd.s32 $0x20C00, s8;
	s30 =	smul.u32 $0x14400, s28  }
0xb: {  	s9 =	ssub.s32 $0x2, s9;
	s11 =	smul.u32 $0x580, s10;
	s14 =	sshrl.u32 s12, $0x3  }
0xc: {  	s15 =	sshrl.u32 s9, $0x1;
	s26 =	sshrl.u32 s25, $0x2;
	s17 =	sshll.u32 s10, $0x7  }
0xd: {  	s12 =	sadd.s32 s12, s13;
	s14 =	sadd.s32 s14, s8;
	s15 =	ssub.s32 s9, s15  }
0xe: {  	s16 =	sadd.s32 s26, s3;
	s9 =	sor.u32 $0x1C01, s29;
	s31 =	sand.u32 $0x380, s17  }
0xf: {  	s17 =	simm.s32 $0x13C00;
	s11 =	sadd.s32 s11, s8;
	s12 =	sshrl.u32 s12, $0x3  }
0x10: {  	s13 =	smax.u32 s15, $0x1;
	s15 =	simm.s32 $0x1;
	s12 =	sadd.s32 s12, s8  }
0x11: {  	s8 =	sadd.s32 $0x67400, s14;
	s10 =	sadd.s32 $0x5C400, s11;
	s11 =	sor.u32 s31, s30  }
0x12: {  	s14 =	sshrl.u32 s16, $0x3;
	s16 =	simm.s32 $0x13D00;
	s12 =	sadd.s32 $0x8EC00, s12  }
.LBB2_1:
0x13: {  	[spmem:s14], [sflag:s9] =	dma.local [hbm:s8], $0x2780  }
0x14: {  	_ =	swait.ge [sflag:s15], $0x2780  }
0x15: {  	[sflag:s15] =	ssyncset.done $0x0  }
0x16: {  	[sflag:s15] =	ssyncadd.s32 $0xFFFFD880  }
0x17: {  	[tilespmem:s16], [sflag:$0x1] =	stream.linear.gather [hbm4b:s10+s4], $0x2880, $0x38;
	[tilespmem:$0x1E900] =	vst v63  }
0x18: {  	_ =	swait.ge [sflag:s15], $0x2880  }
0x19: {  	[sflag:s15] =	ssyncset.done $0x0  }
0x1a: {  	[sflag:s15] =	ssyncadd.s32 $0xFFFFD780  }
0x1b: {  	s23 =	simm.s32 $0x0;
	[bflag:$0x0] =	sbarrier.arrive $0xFFFF  }
.LBB2_2:
0x1c: {  	s24 =	sshll.u32 s23, $0xA  }
0x1d: {  	s24 =	sadd.s32 s11, s24  }
0x1e: {  	s24 =	sshrl.u32 s24, $0x3  }
0x1f: {  	s26 =	simm.s32 $0x0;
	s25 =	sadd.s32 s6, s24  }
0x20: {  	[tilespmem:s17], [sflag:$0x1] =	stream.linear.gather [hbm4b:s25+s26], $0x80, $0x38;
	[tilespmem:$0x1E900] =	vst v63  }
0x21: {  	_ =	swait.ge [sflag:s15], $0x80  }
0x22: {  	[sflag:s15] =	ssyncset.done $0x0  }
0x23: {  	s24 =	sadd.s32 s7, s24;
	[sflag:s15] =	ssyncadd.s32 $0xFFFFFF80  }
0x24: {  	[tilespmem:s18], [sflag:$0x1] =	stream.linear.gather [hbm4b:s24+s26], $0x80, $0x38;
	[tilespmem:$0x1E900] =	vst v63  }
0x25: {  	_ =	swait.ge [sflag:s15], $0x80  }
0x26: {  	[sflag:s15] =	ssyncset.done $0x0  }
0x27: {  	[sflag:s15] =	ssyncadd.s32 $0xFFFFFF80  }
0x28: {  	[tilespmem:s20], [sflag:$0x1] =	stream.indirect.gather [hbm4b:s1+s19], $0x80, s17, s19, $0xb8;
	[tilespmem:$0x1E900] =	vst v63  }
0x29: {  	_ =	swait.ge [sflag:s15], $0x4000  }
0x2a: {  	[sflag:s15] =	ssyncset.done $0x0  }
0x2b: {  	[sflag:s15] =	ssyncadd.s32 $0xFFFFC000  }
0x2c: {  	[tilespmem:s21], [sflag:$0x1] =	stream.indirect.gather [hbm4b:s5+s19], $0x80, s18, s19, $0xb8;
	[tilespmem:$0x1E900] =	vst v63  }
0x2d: {  	_ =	swait.ge [sflag:s15], $0x4000  }
0x2e: {  	[sflag:s15] =	ssyncset.done $0x0  }
0x2f: {  	s24 =	simm.s32 $0x0;
	[sflag:s15] =	ssyncadd.s32 $0xFFFFC000  }
0x30: {  	v7 =	vld [tilespmem:s24+$0x1A900]  }
0x31: {  	v11 =	vld [tilespmem:s24+$0x1A910]  }
0x32: {  	v5 =	vld [tilespmem:s24+$0x1A920]  }
0x33: {  	v4 =	vld [tilespmem:s24+$0x1A930]  }
0x34: {  	v3 =	vld [tilespmem:s24+$0x1A940]  }
0x35: {  	v2 =	vld [tilespmem:s24+$0x1A950]  }
0x36: {  	v1 =	vld [tilespmem:s24+$0x1A960]  }
0x37: {  	v0 =	vld [tilespmem:s24+$0x1A970]  }
0x38: {  	v12 =	vld [tilespmem:s24+$0x16900]  }
0x39: {  	v13 =	vld [tilespmem:s24+$0x16910]  }
0x3a: {  	v10 =	vld [tilespmem:s24+$0x16920]  }
0x3b: {  	v9 =	vld [tilespmem:s24+$0x16930]  }
0x3c: {  	v8 =	vld [tilespmem:s24+$0x16940]  }
0x3d: {  	v6 =	vld [tilespmem:s24+$0x16950];
	v12 =	vadd.f32 v7, v12  }
0x3e: {  	s25 =	simm.s32 $0x200;
	v11 =	vadd.f32 v11, v13;
	v7 =	vld [tilespmem:s24+$0x16960]  }
.LBB2_3:
0x3f: {  	s26 =	sshra.s32 s25, $0x2;
	p0 =	sne.s32 s25, $0xFE00;
	[tilespmem:s24+$0x16900] =	vst v12;
	v5 =	vadd.f32 v5, v10;
	v10 =	vld [tilespmem:s24+$0x16970]  }
0x40: {  	v12 =	vld [tilespmem:s26+$0x1A900];
	[tilespmem:s24+$0x16910] =	vst v11;
	v4 =	vadd.f32 v4, v9  }
0x41: {  	v11 =	vld [tilespmem:s26+$0x1A910];
	[tilespmem:s24+$0x16920] =	vst v5;
	v3 =	vadd.f32 v3, v8  }
0x42: {  	v5 =	vld [tilespmem:s26+$0x1A920];
	[tilespmem:s24+$0x16930] =	vst v4;
	v2 =	vadd.f32 v2, v6  }
0x43: {  	v4 =	vld [tilespmem:s26+$0x1A930];
	[tilespmem:s24+$0x16940] =	vst v3;
	v1 =	vadd.f32 v1, v7  }
0x44: {  	v3 =	vld [tilespmem:s26+$0x1A940];
	[tilespmem:s24+$0x16950] =	vst v2;
	v0 =	vadd.f32 v0, v10  }
0x45: {  	v2 =	vld [tilespmem:s26+$0x1A950];
	[tilespmem:s24+$0x16960] =	vst v1  }
0x46: {  	v1 =	vld [tilespmem:s26+$0x1A960];
	[tilespmem:s24+$0x16970] =	vst v0;
	s24 =	smov.u32 s26  }
0x47: {  	v0 =	vld [tilespmem:s24+$0x1A970]  }
0x48: {  	v6 =	vld [tilespmem:s24+$0x16900]  }
0x49: {  	v7 =	vld [tilespmem:s24+$0x16910]  }
.Ltmp0:
0x4a: {  	v10 =	vld [tilespmem:s24+$0x16920];
	(pc) =	sbr.rel @p0 .LBB2_3-.Ltmp0, $4  }
0x4b: {  	v9 =	vld [tilespmem:s24+$0x16930]  }
0x4c: {  	v8 =	vld [tilespmem:s24+$0x16940]  }
0x4d: {  	v12 =	vadd.f32 v12, v6;
	v6 =	vld [tilespmem:s24+$0x16950]  }
0x4e: {  	s25 =	sadd.s32 $0x200, s25;
	v11 =	vadd.f32 v11, v7;
	v7 =	vld [tilespmem:s24+$0x16960]  }
0x4f: {  	[tilespmem:s24+$0x16900] =	vst v12;
	v5 =	vadd.f32 v5, v10;
	v63 =	vld [tilespmem:s24+$0x16970]  }
0x50: {  	[tilespmem:s24+$0x16910] =	vst v11;
	v4 =	vadd.f32 v4, v9  }
0x51: {  	[tilespmem:s24+$0x16920] =	vst v5;
	v3 =	vadd.f32 v3, v8  }
0x52: {  	[tilespmem:s24+$0x16930] =	vst v4;
	v2 =	vadd.f32 v2, v6  }
0x53: {  	[tilespmem:s24+$0x16940] =	vst v3;
	v1 =	vadd.f32 v1, v7  }
0x54: {  	s25 =	sshll.u32 s23, $0x7;
	s23 =	sadd.s32 $0x1, s23;
	[tilespmem:s24+$0x16950] =	vst v2;
	v0 =	vadd.f32 v0, v63  }
0x55: {  	s25 =	sand.u32 $0x3FFFFF80, s25;
	p0 =	sne.s32 s23, $0x51;
	[tilespmem:s24+$0x16960] =	vst v1  }
.Ltmp1:
0x56: {  	s31 =	sadd.s32 $0x13D00, s25;
	[tilespmem:s24+$0x16970] =	vst v0;
	(pc) =	sbr.rel @p0 .LBB2_2-.Ltmp1, $4  }
0x57: {  	[spmem:s3] =	stream.indirect.scatter.add.f32 [tilespmem:s20], [sflag:$0x1], $0x80, s31, s19, $0xb8;
	[tilespmem:$0x1E900] =	vst v63  }
0x58: {  	_ =	swait.ge [sflag:s15], $0x4000  }
0x59: {  	[sflag:s15] =	ssyncset.done $0x0  }
0x5a: {  	[sflag:s15] =	ssyncadd.s32 $0xFFFFC000  }
0x5b: {  	s22 =	sadd.s32 $0x1, s22  }
0x5c: {  	p0 =	sne.s32 s22, s13  }
.Ltmp2:
0x5d: {  	[bflag:$0x0] =	sbarrier.arrive $0xFFFF;
	(pc) =	sbr.rel @p0 .LBB2_1-.Ltmp2, $4  }
0x5e: {  	[hbm:s12], [sflag:s9] =	dma.local [spmem:s14], $0x2780  }
0x5f: {  	_ =	swait.ge [sflag:s15], $0x2780  }
0x60: {  	[sflag:s15] =	ssyncset.done $0x0  }
0x61: {  	[sflag:s15] =	ssyncadd.s32 $0xFFFFD880  }
0x62: {  	_ =	sfence.sel $0x180000  }
0x63: {  	[bflag:$0x0] =	sbarrier.arrive $0xFFFF  }
0x64: {  	p0 =	sne.s32 s0, $0x0;
	_ =	strace $0x9000005C  }
0x65: {  	s0 =	sadd.s32 @!p0 $0x100000, s2;
	[bflag:$0x2] =	sbarrier.arrive $0xFFFF  }
0x66: {  	[sflag:s0] =	ssyncadd.tile.s32 @!p0 $0x1;
	_ =	shalt  }
.Lfunc_end2:
_tile_overlayer_lowered:
.L_overlay_start_2:
0x67: {  	(tag) =	ssettag $0x2  }
0x68: {  	s0 =	rddreg [dreg:$0x0];
	s2 =	stileid.u32  }
0x69: {  	s1 =	rddreg [dreg:$0x1];
	p0 =	sne.s32 s2, $0x0  }
0x6a: {  	s3 =	rddreg [dreg:$0x2];
	[bflag:$0x3] =	sbarrier.arrive $0xFFFF;
	s2 =	simm.s32 @!p0 $0x1C01  }
0x6b: {  	[timem:s3], [sflag:s2] =	dma.local @!p0 [hbm:s0], s1  }
0x6c: {  	s0 =	simm.s32 @!p0 $0x1  }
0x6d: {  	_ =	swait.ge @!p0 [sflag:s0], s1  }
0x6e: {  	s1 =	ssub.s32 @!p0 $0x0, s1;
	[sflag:s0] =	ssyncset.done @!p0 $0x0  }
0x6f: {  	[sflag:s0] =	ssyncadd.s32 @!p0 s1  }
0x70: {  	[bflag:$0x3] =	sbarrier.arrive $0xFFFF  }
0x71: {  	_ =	shalt  }

</sc_bundles>
